<compile_context>
chip_gen: v7x
topology: tpu7x:2x2x1
jax: 0.10.2.dev20260603
libtpu: 0.0.44.dev20260713+nightly
codegen_flags: <defaults>
</compile_context>

<pallas_src>
import functools

import jax
import jax.numpy as jnp
from jax import lax
from jax.experimental import pallas as pl
from jax.experimental.pallas import tpu as pltpu
from jax.experimental.pallas import tpu_sc as plsc

_NC = 2
_NS = 16
_NW = _NC * _NS
_K = 128


def _make_deg(n, iters):
    rpt = n // _NS
    mesh = plsc.VectorSubcoreMesh(core_axis_name="c", subcore_axis_name="s")

    @functools.partial(
        pl.kernel,
        mesh=mesh,
        compiler_params=pltpu.CompilerParams(use_tc_tiling_on_sc=False),
        out_type=[
            jax.ShapeDtypeStruct((_NC, n, 16), jnp.float32),
            jax.ShapeDtypeStruct((_NC, n, 16), jnp.float32),
        ],
        scratch_types=[
            pltpu.VMEM((3, 2, _K), jnp.int32),
            pltpu.VMEM((_K, 16), jnp.float32),
            pltpu.VMEM_SHARED((n, 16), jnp.float32),
            pltpu.VMEM_SHARED((n, 16), jnp.float32),
            pltpu.SemaphoreType.DMA,
            pltpu.SemaphoreType.DMA,
            pltpu.SemaphoreType.DMA,
        ],
    )
    def deg(ei_hbm, ones_hbm, zeros_hbm, out_o_hbm, out_i_hbm,
            idx, ones_v, acc_o, acc_i, isem, sema, semb):
        cid = lax.axis_index("c")
        sid = lax.axis_index("s")
        r0 = sid * rpt
        wid = sid * _NC + cid
        base = wid * iters * _K

        def iload(i):
            off = base + i * _K
            pltpu.async_copy(ei_hbm.at[0, pl.ds(off, _K)], idx.at[i % 3, 0], isem)
            pltpu.async_copy(ei_hbm.at[1, pl.ds(off, _K)], idx.at[i % 3, 1], isem)

        def iwait(i):
            off = base + i * _K
            pltpu.make_async_copy(
                ei_hbm.at[0, pl.ds(off, _K)], idx.at[i % 3, 0], isem).wait()
            pltpu.make_async_copy(
                ei_hbm.at[1, pl.ds(off, _K)], idx.at[i % 3, 1], isem).wait()

        def fire(i):
            pltpu.async_copy(ones_v, acc_o.at[idx.at[i % 3, 0]], sema, add=True)
            pltpu.async_copy(ones_v, acc_i.at[idx.at[i % 3, 1]], semb, add=True)

        def drain(i):
            pltpu.make_async_copy(ones_v, acc_o.at[idx.at[i % 3, 0]], sema).wait()
            pltpu.make_async_copy(ones_v, acc_i.at[idx.at[i % 3, 1]], semb).wait()

        iload(0)
        iload(1)
        pltpu.sync_copy(ones_hbm, ones_v)
        pltpu.sync_copy(zeros_hbm.at[pl.ds(r0, rpt)], acc_o.at[pl.ds(r0, rpt)])
        pltpu.sync_copy(zeros_hbm.at[pl.ds(r0, rpt)], acc_i.at[pl.ds(r0, rpt)])
        plsc.subcore_barrier()
        iwait(0)
        fire(0)

        def body(i, carry):
            @pl.when(i + 1 < iters)
            def _():
                iload(i + 1)

            iwait(i)
            fire(i)
            drain(i - 1)
            return carry

        lax.fori_loop(1, iters, body, 0)
        drain(iters - 1)
        plsc.subcore_barrier()
        pltpu.sync_copy(acc_o.at[pl.ds(r0, rpt)], out_o_hbm.at[cid, pl.ds(r0, rpt)])
        pltpu.sync_copy(acc_i.at[pl.ds(r0, rpt)], out_i_hbm.at[cid, pl.ds(r0, rpt)])

    return deg


def _make_mp(n, dh, iters):
    rpt = n // _NS
    mesh = plsc.VectorSubcoreMesh(core_axis_name="c", subcore_axis_name="s")

    @functools.partial(
        pl.kernel,
        mesh=mesh,
        compiler_params=pltpu.CompilerParams(use_tc_tiling_on_sc=False),
        out_type=jax.ShapeDtypeStruct((_NC, n, dh), jnp.float32),
        scratch_types=[
            pltpu.VMEM((3, 2, _K), jnp.int32),
            pltpu.VMEM((2, _K, dh), jnp.float32),
            pltpu.VMEM_SHARED((n, dh), jnp.float32),
            pltpu.VMEM_SHARED((n, dh), jnp.float32),
            pltpu.SemaphoreType.DMA,
            pltpu.SemaphoreType.DMA,
        ],
    )
    def mp(x_hbm, ei_hbm, zeros_hbm, out_hbm, idx, rows, xsp, acc, isem, gsem):
        cid = lax.axis_index("c")
        sid = lax.axis_index("s")
        r0 = sid * rpt
        base = sid * iters * _K

        def iload(i):
            off = base + i * _K
            pltpu.async_copy(ei_hbm.at[0, pl.ds(off, _K)], idx.at[i % 3, 0], isem)
            pltpu.async_copy(ei_hbm.at[1, pl.ds(off, _K)], idx.at[i % 3, 1], isem)

        def iwait(i):
            off = base + i * _K
            pltpu.make_async_copy(
                ei_hbm.at[0, pl.ds(off, _K)], idx.at[i % 3, 0], isem).wait()
            pltpu.make_async_copy(
                ei_hbm.at[1, pl.ds(off, _K)], idx.at[i % 3, 1], isem).wait()

        def gfire(i):
            pltpu.async_copy(xsp.at[idx.at[i % 3, 0]], rows.at[i % 2], gsem)

        def gwait(i):
            pltpu.make_async_copy(
                xsp.at[idx.at[i % 3, 0]], rows.at[i % 2], gsem).wait()

        iload(0)
        iload(1)
        pltpu.sync_copy(x_hbm.at[cid, pl.ds(r0, rpt)], xsp.at[pl.ds(r0, rpt)])
        pltpu.sync_copy(zeros_hbm.at[pl.ds(r0, rpt)], acc.at[pl.ds(r0, rpt)])
        plsc.subcore_barrier()
        iwait(0)
        gfire(0)

        def body(i, carry):
            gwait(i)
            pltpu.sync_copy(rows.at[i % 2], acc.at[idx.at[i % 3, 1]], add=True)

            @pl.when(i + 2 < iters)
            def _():
                iload(i + 2)

            @pl.when(i + 1 < iters)
            def _():
                iwait(i + 1)
                gfire(i + 1)

            return carry

        lax.fori_loop(0, iters, body, 0)
        plsc.subcore_barrier()
        pltpu.sync_copy(acc.at[pl.ds(r0, rpt)], out_hbm.at[cid, pl.ds(r0, rpt)])

    return mp


def _make_prep(n, d, blk):
    dh = d // 2

    def body(dop_ref, dip_ref, x_ref, x1_ref, nin_ref, nout_ref):
        do = dop_ref[0, :, 0] + dop_ref[1, :, 0]
        di = dip_ref[0, :, 0] + dip_ref[1, :, 0]
        no = lax.rsqrt(jnp.maximum(do, 1.0))
        ni = lax.rsqrt(jnp.maximum(di, 1.0))
        x1 = x_ref[...] * no[:, None]
        x1_ref[0] = x1[:, :dh]
        x1_ref[1] = x1[:, dh:]
        nin_ref[...] = jnp.broadcast_to(ni[:, None], (blk, d))
        nout_ref[...] = jnp.broadcast_to(no[:, None], (blk, d))

    return pl.pallas_call(
        body,
        grid=(n // blk,),
        in_specs=[
            pl.BlockSpec((2, blk, 16), lambda i: (0, i, 0)),
            pl.BlockSpec((2, blk, 16), lambda i: (0, i, 0)),
            pl.BlockSpec((blk, d), lambda i: (i, 0)),
        ],
        out_specs=[
            pl.BlockSpec((2, blk, dh), lambda i: (0, i, 0)),
            pl.BlockSpec((blk, d), lambda i: (i, 0)),
            pl.BlockSpec((blk, d), lambda i: (i, 0)),
        ],
        out_shape=[
            jax.ShapeDtypeStruct((2, n, dh), jnp.float32),
            jax.ShapeDtypeStruct((n, d), jnp.float32),
            jax.ShapeDtypeStruct((n, d), jnp.float32),
        ],
    )


def _make_layer(n, d, blk, final):
    dh = d // 2

    def body(ap_ref, nin_ref, nout_ref, w_ref, b_ref, o_ref):
        agg = jnp.concatenate([ap_ref[0], ap_ref[1]], axis=1) * nin_ref[...]
        h = jnp.dot(agg, w_ref[...], preferred_element_type=jnp.float32)
        h = h + b_ref[...]
        if final:
            nrm = jnp.sqrt(jnp.sum(h * h, axis=1, keepdims=True))
            o_ref[...] = h / nrm
        else:
            h = jnp.maximum(h, 0.0) * nout_ref[...]
            o_ref[0] = h[:, :dh]
            o_ref[1] = h[:, dh:]

    if final:
        out_spec = pl.BlockSpec((blk, d), lambda i: (i, 0))
        out_shape = jax.ShapeDtypeStruct((n, d), jnp.float32)
    else:
        out_spec = pl.BlockSpec((2, blk, dh), lambda i: (0, i, 0))
        out_shape = jax.ShapeDtypeStruct((2, n, dh), jnp.float32)

    return pl.pallas_call(
        body,
        grid=(n // blk,),
        in_specs=[
            pl.BlockSpec((2, blk, dh), lambda i: (0, i, 0)),
            pl.BlockSpec((blk, d), lambda i: (i, 0)),
            pl.BlockSpec((blk, d), lambda i: (i, 0)),
            pl.BlockSpec((d, d), lambda i: (0, 0)),
            pl.BlockSpec((1, d), lambda i: (0, 0)),
        ],
        out_specs=out_spec,
        out_shape=out_shape,
    )


def kernel(x, edge_index, W1, b1, W2, b2):
    n, d = x.shape
    dh = d // 2
    e = edge_index.shape[1]
    np_ = ((n + 2047) // 2048) * 2048
    blk = np_ // 10
    assert np_ % (_NS * _K) == 0 and blk % 8 == 0

    it32 = -(-e // (_NW * _K))
    it16 = 2 * it32
    ep = _NW * it32 * _K
    ei2 = jnp.pad(edge_index, ((0, 0), (0, ep - e)), constant_values=n)

    xp = jnp.pad(x, ((0, np_ - n), (0, 0)))
    ones_k16 = jnp.ones((_K, 16), jnp.float32)
    zeros_n16 = jnp.zeros((np_, 16), jnp.float32)
    zeros_ndh = jnp.zeros((np_, dh), jnp.float32)

    dop, dip = _make_deg(np_, it32)(ei2, ones_k16, zeros_n16)
    x1h, nin, nout = _make_prep(np_, d, blk)(dop, dip, xp)
    mp = _make_mp(np_, dh, it16)
    agg1 = mp(x1h, ei2, zeros_ndh)
    h1h = _make_layer(np_, d, blk, final=False)(
        agg1, nin, nout, W1, b1.reshape(1, d))
    agg2 = mp(h1h, ei2, zeros_ndh)
    out = _make_layer(np_, d, blk, final=True)(
        agg2, nin, nout, W2, b2.reshape(1, d))
    return out[:n]

# --- scband reference (transcript-rebuilt; emitter-appended) ---
"""Pipeline reference for scband-gnn-70257075028417 (READ-ONLY COPY).

The authoritative reference and input builder live on the scoring server;
editing this copy changes nothing except your own understanding.
"""

import jax, jax.numpy as jnp
import numpy as np

N = 10000
E = 320000
IN_DIM = 128
HID = 128


def setup_inputs(seed: int = 0) -> dict:
    key = jax.random.key(seed)
    k1, k2, k3, k4, k5 = jax.random.split(key, 5)
    x = jax.random.normal(k1, (N, IN_DIM), dtype=jnp.float32)
    edge_index = jax.random.randint(k2, (2, E), 0, N, dtype=jnp.int32)
    W1 = jax.random.normal(k3, (IN_DIM, HID), dtype=jnp.float32) * (1.0 / np.sqrt(IN_DIM))
    b1 = jnp.zeros((HID,), dtype=jnp.float32)
    W2 = jax.random.normal(k4, (HID, HID), dtype=jnp.float32) * (1.0 / np.sqrt(HID))
    b2 = jnp.zeros((HID,), dtype=jnp.float32)
    return {"x": x, "edge_index": edge_index, "W1": W1, "b1": b1, "W2": W2, "b2": b2}


def _gcn_layer(h, src, dst, W, b):
    # DGL GraphConv with norm='both':
    #   out = D_in^{-1/2} A D_out^{-1/2} h W + b   (zero degrees clamped to 1)
    ones = jnp.ones((src.shape[0],), dtype=jnp.float32)
    deg_out = jax.ops.segment_sum(ones, src, num_segments=N)
    deg_in = jax.ops.segment_sum(ones, dst, num_segments=N)
    norm_out = jnp.power(jnp.clip(deg_out, 1.0), -0.5)
    norm_in = jnp.power(jnp.clip(deg_in, 1.0), -0.5)
    h = h * norm_out[:, None]
    m = jnp.take(h, src, axis=0)
    agg = jax.ops.segment_sum(m, dst, num_segments=N)
    agg = agg * norm_in[:, None]
    return agg @ W + b[None, :]


def reference(x, edge_index, W1, b1, W2, b2):
    src = edge_index[0]
    dst = edge_index[1]
    h = _gcn_layer(x, src, dst, W1, b1)
    h = jax.nn.relu(h)
    h = _gcn_layer(h, src, dst, W2, b2)
    # Normalize(power=2): x / (sum(x^2, dim=1, keepdim=True) ** (1/2))
    norm = jnp.power(jnp.sum(jnp.power(h, 2.0), axis=1, keepdims=True), 0.5)
    return h / norm

if __name__ == "__main__":
    import jax
    _d = setup_inputs()
    print(jax.jit(kernel)(*tuple(_d.values())))

</pallas_src>

<mosaic_0001>
#map = affine_map<(d0, d1) -> (0, 0, 0)>
#map1 = affine_map<(d0, d1) -> (0, 0)>
module attributes {stable_mosaic.version = 14 : i64} {
  func.func @mp(%arg0: i32, %arg1: i32, %arg2: memref<2x10240x64xf32, #tpu.memory_space<hbm>>, %arg3: memref<2x323584xi32, #tpu.memory_space<hbm>>, %arg4: memref<10240x64xf32, #tpu.memory_space<hbm>>, %arg5: memref<2x10240x64xf32, #tpu.memory_space<hbm>>, %arg6: memref<3x2x128xi32, #tpu.memory_space<vmem>>, %arg7: memref<2x128x64xf32, #tpu.memory_space<vmem>>, %arg8: memref<10240x64xf32, #tpu.memory_space<vmem_shared>>, %arg9: memref<10240x64xf32, #tpu.memory_space<vmem_shared>>, %arg10: memref<!tpu.dma_semaphore, #tpu.memory_space<semaphore_mem>>, %arg11: memref<!tpu.dma_semaphore, #tpu.memory_space<semaphore_mem>>) attributes {dimension_semantics = [#tpu.dimension_semantics<core_parallel>, #tpu.dimension_semantics<subcore_parallel>], iteration_bounds = array<i64: 2, 16>, scalar_prefetch = 0 : i64, scratch_operands = 6 : i64, tpu.core_type = #tpu.core_type<sc_vector_subcore>, window_params = [{transform_indices = #map}, {transform_indices = #map1}, {transform_indices = #map1}, {transform_indices = #map}]} {
    %mul3A = arith.constant 640 : i32
    %mul3A_0 = arith.muli %arg1, %mul3A : i32
    %mul3A_1 = arith.constant 158 : i32
    %mul3A_2 = arith.muli %arg1, %mul3A_1 : i32
    %mul3A_3 = arith.constant 128 : i32
    %mul3A_4 = arith.muli %mul3A_2, %mul3A_3 : i32
    %add3A = arith.constant 0 : i32
    %add3A_5 = arith.addi %mul3A_4, %add3A : i32
    %dma_start3A = arith.constant 0 : i32
    %dma_start3A_6 = arith.constant 0 : i32
    %dma_start3A_7 = arith.constant 0 : i32
    %dma_start3A_8 = arith.constant 0 : i32
    %dma_start3A_9 = tpu.memref_slice %arg6[%dma_start3A_6, %dma_start3A_7, %dma_start3A_8] : memref<3x2x128xi32, #tpu.memory_space<vmem>> -> memref<1x1x128xi32, #tpu.memory_space<vmem>>
    %dma_start3A_10 = tpu.memref_squeeze %dma_start3A_9 : memref<1x1x128xi32, #tpu.memory_space<vmem>> -> memref<128xi32, #tpu.memory_space<vmem>>
    %dma_start3A_11 = tpu.memref_slice %arg3[%dma_start3A, %add3A_5] : memref<2x323584xi32, #tpu.memory_space<hbm>> -> memref<1x128xi32, #tpu.memory_space<hbm>>
    %dma_start3A_12 = tpu.memref_squeeze %dma_start3A_11 : memref<1x128xi32, #tpu.memory_space<hbm>> -> memref<128xi32, #tpu.memory_space<hbm>>
    %dma_start3A_13 = arith.constant 0 : i32
    %dma_start3A_14 = tpu.memref_slice %arg6[%dma_start3A_6, %dma_start3A_7, %dma_start3A_13] : memref<3x2x128xi32, #tpu.memory_space<vmem>> -> memref<1x1x128xi32, #tpu.memory_space<vmem>>
    %dma_start3A_15 = tpu.memref_squeeze %dma_start3A_14 : memref<1x1x128xi32, #tpu.memory_space<vmem>> -> memref<128xi32, #tpu.memory_space<vmem>>
    %dma_start3A_16 = tpu.memref_slice %arg3[%dma_start3A, %add3A_5] : memref<2x323584xi32, #tpu.memory_space<hbm>> -> memref<1x128xi32, #tpu.memory_space<hbm>>
    %dma_start3A_17 = tpu.memref_squeeze %dma_start3A_16 : memref<1x128xi32, #tpu.memory_space<hbm>> -> memref<128xi32, #tpu.memory_space<hbm>>
    tpu.enqueue_dma source(%dma_start3A_17 : memref<128xi32, #tpu.memory_space<hbm>>) target(%dma_start3A_15 : memref<128xi32, #tpu.memory_space<vmem>>) target_semaphore(%arg10 : memref<!tpu.dma_semaphore, #tpu.memory_space<semaphore_mem>>)
    %dma_start3A_18 = arith.constant 1 : i32
    %dma_start3A_19 = arith.constant 0 : i32
    %dma_start3A_20 = arith.constant 1 : i32
    %dma_start3A_21 = arith.constant 0 : i32
    %dma_start3A_22 = tpu.memref_slice %arg6[%dma_start3A_19, %dma_start3A_20, %dma_start3A_21] : memref<3x2x128xi32, #tpu.memory_space<vmem>> -> memref<1x1x128xi32, #tpu.memory_space<vmem>>
    %dma_start3A_23 = tpu.memref_squeeze %dma_start3A_22 : memref<1x1x128xi32, #tpu.memory_space<vmem>> -> memref<128xi32, #tpu.memory_space<vmem>>
    %dma_start3A_24 = tpu.memref_slice %arg3[%dma_start3A_18, %add3A_5] : memref<2x323584xi32, #tpu.memory_space<hbm>> -> memref<1x128xi32, #tpu.memory_space<hbm>>
    %dma_start3A_25 = tpu.memref_squeeze %dma_start3A_24 : memref<1x128xi32, #tpu.memory_space<hbm>> -> memref<128xi32, #tpu.memory_space<hbm>>
    %dma_start3A_26 = arith.constant 0 : i32
    %dma_start3A_27 = tpu.memref_slice %arg6[%dma_start3A_19, %dma_start3A_20, %dma_start3A_26] : memref<3x2x128xi32, #tpu.memory_space<vmem>> -> memref<1x1x128xi32, #tpu.memory_space<vmem>>
    %dma_start3A_28 = tpu.memref_squeeze %dma_start3A_27 : memref<1x1x128xi32, #tpu.memory_space<vmem>> -> memref<128xi32, #tpu.memory_space<vmem>>
    %dma_start3A_29 = tpu.memref_slice %arg3[%dma_start3A_18, %add3A_5] : memref<2x323584xi32, #tpu.memory_space<hbm>> -> memref<1x128xi32, #tpu.memory_space<hbm>>
    %dma_start3A_30 = tpu.memref_squeeze %dma_start3A_29 : memref<1x128xi32, #tpu.memory_space<hbm>> -> memref<128xi32, #tpu.memory_space<hbm>>
    tpu.enqueue_dma source(%dma_start3A_30 : memref<128xi32, #tpu.memory_space<hbm>>) target(%dma_start3A_28 : memref<128xi32, #tpu.memory_space<vmem>>) target_semaphore(%arg10 : memref<!tpu.dma_semaphore, #tpu.memory_space<semaphore_mem>>)
    %add3A_31 = arith.constant 128 : i32
    %add3A_32 = arith.addi %mul3A_4, %add3A_31 : i32
    %dma_start3A_33 = arith.constant 0 : i32
    %dma_start3A_34 = arith.constant 1 : i32
    %dma_start3A_35 = arith.constant 0 : i32
    %dma_start3A_36 = arith.constant 0 : i32
    %dma_start3A_37 = tpu.memref_slice %arg6[%dma_start3A_34, %dma_start3A_35, %dma_start3A_36] : memref<3x2x128xi32, #tpu.memory_space<vmem>> -> memref<1x1x128xi32, #tpu.memory_space<vmem>>
    %dma_start3A_38 = tpu.memref_squeeze %dma_start3A_37 : memref<1x1x128xi32, #tpu.memory_space<vmem>> -> memref<128xi32, #tpu.memory_space<vmem>>
    %dma_start3A_39 = tpu.memref_slice %arg3[%dma_start3A_33, %add3A_32] : memref<2x323584xi32, #tpu.memory_space<hbm>> -> memref<1x128xi32, #tpu.memory_space<hbm>>
    %dma_start3A_40 = tpu.memref_squeeze %dma_start3A_39 : memref<1x128xi32, #tpu.memory_space<hbm>> -> memref<128xi32, #tpu.memory_space<hbm>>
    %dma_start3A_41 = arith.constant 0 : i32
    %dma_start3A_42 = tpu.memref_slice %arg6[%dma_start3A_34, %dma_start3A_35, %dma_start3A_41] : memref<3x2x128xi32, #tpu.memory_space<vmem>> -> memref<1x1x128xi32, #tpu.memory_space<vmem>>
    %dma_start3A_43 = tpu.memref_squeeze %dma_start3A_42 : memref<1x1x128xi32, #tpu.memory_space<vmem>> -> memref<128xi32, #tpu.memory_space<vmem>>
    %dma_start3A_44 = tpu.memref_slice %arg3[%dma_start3A_33, %add3A_32] : memref<2x323584xi32, #tpu.memory_space<hbm>> -> memref<1x128xi32, #tpu.memory_space<hbm>>
    %dma_start3A_45 = tpu.memref_squeeze %dma_start3A_44 : memref<1x128xi32, #tpu.memory_space<hbm>> -> memref<128xi32, #tpu.memory_space<hbm>>
    tpu.enqueue_dma source(%dma_start3A_45 : memref<128xi32, #tpu.memory_space<hbm>>) target(%dma_start3A_43 : memref<128xi32, #tpu.memory_space<vmem>>) target_semaphore(%arg10 : memref<!tpu.dma_semaphore, #tpu.memory_space<semaphore_mem>>)
    %dma_start3A_46 = arith.constant 1 : i32
    %dma_start3A_47 = arith.constant 1 : i32
    %dma_start3A_48 = arith.constant 1 : i32
    %dma_start3A_49 = arith.constant 0 : i32
    %dma_start3A_50 = tpu.memref_slice %arg6[%dma_start3A_47, %dma_start3A_48, %dma_start3A_49] : memref<3x2x128xi32, #tpu.memory_space<vmem>> -> memref<1x1x128xi32, #tpu.memory_space<vmem>>
    %dma_start3A_51 = tpu.memref_squeeze %dma_start3A_50 : memref<1x1x128xi32, #tpu.memory_space<vmem>> -> memref<128xi32, #tpu.memory_space<vmem>>
    %dma_start3A_52 = tpu.memref_slice %arg3[%dma_start3A_46, %add3A_32] : memref<2x323584xi32, #tpu.memory_space<hbm>> -> memref<1x128xi32, #tpu.memory_space<hbm>>
    %dma_start3A_53 = tpu.memref_squeeze %dma_start3A_52 : memref<1x128xi32, #tpu.memory_space<hbm>> -> memref<128xi32, #tpu.memory_space<hbm>>
    %dma_start3A_54 = arith.constant 0 : i32
    %dma_start3A_55 = tpu.memref_slice %arg6[%dma_start3A_47, %dma_start3A_48, %dma_start3A_54] : memref<3x2x128xi32, #tpu.memory_space<vmem>> -> memref<1x1x128xi32, #tpu.memory_space<vmem>>
    %dma_start3A_56 = tpu.memref_squeeze %dma_start3A_55 : memref<1x1x128xi32, #tpu.memory_space<vmem>> -> memref<128xi32, #tpu.memory_space<vmem>>
    %dma_start3A_57 = tpu.memref_slice %arg3[%dma_start3A_46, %add3A_32] : memref<2x323584xi32, #tpu.memory_space<hbm>> -> memref<1x128xi32, #tpu.memory_space<hbm>>
    %dma_start3A_58 = tpu.memref_squeeze %dma_start3A_57 : memref<1x128xi32, #tpu.memory_space<hbm>> -> memref<128xi32, #tpu.memory_space<hbm>>
    tpu.enqueue_dma source(%dma_start3A_58 : memref<128xi32, #tpu.memory_space<hbm>>) target(%dma_start3A_56 : memref<128xi32, #tpu.memory_space<vmem>>) target_semaphore(%arg10 : memref<!tpu.dma_semaphore, #tpu.memory_space<semaphore_mem>>)
    "tpu.region"() ({
      %run_scoped3A = tpu.sem_alloc : memref<!tpu.dma_semaphore, #tpu.memory_space<semaphore_mem>>
      %dma_start3A_105 = arith.constant 0 : i32
      %dma_start3A_106 = tpu.memref_slice %arg8[%mul3A_0, %dma_start3A_105] : memref<10240x64xf32, #tpu.memory_space<vmem_shared>> -> memref<640x64xf32, #tpu.memory_space<vmem_shared>>
      %dma_start3A_107 = arith.constant 0 : i32
      %dma_start3A_108 = tpu.memref_slice %arg2[%arg0, %mul3A_0, %dma_start3A_107] : memref<2x10240x64xf32, #tpu.memory_space<hbm>> -> memref<1x640x64xf32, #tpu.memory_space<hbm>>
      %dma_start3A_109 = tpu.memref_squeeze %dma_start3A_108 : memref<1x640x64xf32, #tpu.memory_space<hbm>> -> memref<640x64xf32, #tpu.memory_space<hbm>>
      tpu.enqueue_dma source(%dma_start3A_109 : memref<640x64xf32, #tpu.memory_space<hbm>>) target(%dma_start3A_106 : memref<640x64xf32, #tpu.memory_space<vmem_shared>>) target_semaphore(%run_scoped3A : memref<!tpu.dma_semaphore, #tpu.memory_space<semaphore_mem>>)
      %dma_wait3A_110 = arith.constant 0 : i32
      %dma_wait3A_111 = tpu.memref_slice %arg8[%mul3A_0, %dma_wait3A_110] : memref<10240x64xf32, #tpu.memory_space<vmem_shared>> -> memref<640x64xf32, #tpu.memory_space<vmem_shared>>
      %dma_wait3A_112 = arith.constant 0 : i32
      %dma_wait3A_113 = tpu.memref_slice %arg2[%arg0, %mul3A_0, %dma_wait3A_112] : memref<2x10240x64xf32, #tpu.memory_space<hbm>> -> memref<1x640x64xf32, #tpu.memory_space<hbm>>
      %dma_wait3A_114 = tpu.memref_squeeze %dma_wait3A_113 : memref<1x640x64xf32, #tpu.memory_space<hbm>> -> memref<640x64xf32, #tpu.memory_space<hbm>>
      tpu.wait_dma2 semaphore(%run_scoped3A : memref<!tpu.dma_semaphore, #tpu.memory_space<semaphore_mem>>) src(%dma_wait3A_114 : memref<640x64xf32, #tpu.memory_space<hbm>>) dst(%dma_wait3A_111 : memref<640x64xf32, #tpu.memory_space<vmem_shared>>)
      tpu.yield
    }) : () -> ()
    "tpu.region"() ({
      %run_scoped3A = tpu.sem_alloc : memref<!tpu.dma_semaphore, #tpu.memory_space<semaphore_mem>>
      %dma_start3A_105 = arith.constant 0 : i32
      %dma_start3A_106 = tpu.memref_slice %arg9[%mul3A_0, %dma_start3A_105] : memref<10240x64xf32, #tpu.memory_space<vmem_shared>> -> memref<640x64xf32, #tpu.memory_space<vmem_shared>>
      %dma_start3A_107 = arith.constant 0 : i32
      %dma_start3A_108 = tpu.memref_slice %arg4[%mul3A_0, %dma_start3A_107] : memref<10240x64xf32, #tpu.memory_space<hbm>> -> memref<640x64xf32, #tpu.memory_space<hbm>>
      tpu.enqueue_dma source(%dma_start3A_108 : memref<640x64xf32, #tpu.memory_space<hbm>>) target(%dma_start3A_106 : memref<640x64xf32, #tpu.memory_space<vmem_shared>>) target_semaphore(%run_scoped3A : memref<!tpu.dma_semaphore, #tpu.memory_space<semaphore_mem>>)
      %dma_wait3A_109 = arith.constant 0 : i32
      %dma_wait3A_110 = tpu.memref_slice %arg9[%mul3A_0, %dma_wait3A_109] : memref<10240x64xf32, #tpu.memory_space<vmem_shared>> -> memref<640x64xf32, #tpu.memory_space<vmem_shared>>
      %dma_wait3A_111 = arith.constant 0 : i32
      %dma_wait3A_112 = tpu.memref_slice %arg4[%mul3A_0, %dma_wait3A_111] : memref<10240x64xf32, #tpu.memory_space<hbm>> -> memref<640x64xf32, #tpu.memory_space<hbm>>
      tpu.wait_dma2 semaphore(%run_scoped3A : memref<!tpu.dma_semaphore, #tpu.memory_space<semaphore_mem>>) src(%dma_wait3A_112 : memref<640x64xf32, #tpu.memory_space<hbm>>) dst(%dma_wait3A_110 : memref<640x64xf32, #tpu.memory_space<vmem_shared>>)
      tpu.yield
    }) : () -> ()
    %barrier3A = arith.constant 0 : index
    tpu.barrier barrier_id(%barrier3A)
    %add3A_59 = arith.constant 0 : i32
    %add3A_60 = arith.addi %mul3A_4, %add3A_59 : i32
    %dma_wait3A = arith.constant 0 : i32
    %dma_wait3A_61 = arith.constant 0 : i32
    %dma_wait3A_62 = arith.constant 0 : i32
    %dma_wait3A_63 = arith.constant 0 : i32
    %dma_wait3A_64 = tpu.memref_slice %arg6[%dma_wait3A_61, %dma_wait3A_62, %dma_wait3A_63] : memref<3x2x128xi32, #tpu.memory_space<vmem>> -> memref<1x1x128xi32, #tpu.memory_space<vmem>>
    %dma_wait3A_65 = tpu.memref_squeeze %dma_wait3A_64 : memref<1x1x128xi32, #tpu.memory_space<vmem>> -> memref<128xi32, #tpu.memory_space<vmem>>
    %dma_wait3A_66 = tpu.memref_slice %arg3[%dma_wait3A, %add3A_60] : memref<2x323584xi32, #tpu.memory_space<hbm>> -> memref<1x128xi32, #tpu.memory_space<hbm>>
    %dma_wait3A_67 = tpu.memref_squeeze %dma_wait3A_66 : memref<1x128xi32, #tpu.memory_space<hbm>> -> memref<128xi32, #tpu.memory_space<hbm>>
    %dma_wait3A_68 = arith.constant 0 : i32
    %dma_wait3A_69 = tpu.memref_slice %arg6[%dma_wait3A_61, %dma_wait3A_62, %dma_wait3A_68] : memref<3x2x128xi32, #tpu.memory_space<vmem>> -> memref<1x1x128xi32, #tpu.memory_space<vmem>>
    %dma_wait3A_70 = tpu.memref_squeeze %dma_wait3A_69 : memref<1x1x128xi32, #tpu.memory_space<vmem>> -> memref<128xi32, #tpu.memory_space<vmem>>
    %dma_wait3A_71 = tpu.memref_slice %arg3[%dma_wait3A, %add3A_60] : memref<2x323584xi32, #tpu.memory_space<hbm>> -> memref<1x128xi32, #tpu.memory_space<hbm>>
    %dma_wait3A_72 = tpu.memref_squeeze %dma_wait3A_71 : memref<1x128xi32, #tpu.memory_space<hbm>> -> memref<128xi32, #tpu.memory_space<hbm>>
    tpu.wait_dma2 semaphore(%arg10 : memref<!tpu.dma_semaphore, #tpu.memory_space<semaphore_mem>>) src(%dma_wait3A_72 : memref<128xi32, #tpu.memory_space<hbm>>) dst(%dma_wait3A_70 : memref<128xi32, #tpu.memory_space<vmem>>)
    %dma_wait3A_73 = arith.constant 1 : i32
    %dma_wait3A_74 = arith.constant 0 : i32
    %dma_wait3A_75 = arith.constant 1 : i32
    %dma_wait3A_76 = arith.constant 0 : i32
    %dma_wait3A_77 = tpu.memref_slice %arg6[%dma_wait3A_74, %dma_wait3A_75, %dma_wait3A_76] : memref<3x2x128xi32, #tpu.memory_space<vmem>> -> memref<1x1x128xi32, #tpu.memory_space<vmem>>
    %dma_wait3A_78 = tpu.memref_squeeze %dma_wait3A_77 : memref<1x1x128xi32, #tpu.memory_space<vmem>> -> memref<128xi32, #tpu.memory_space<vmem>>
    %dma_wait3A_79 = tpu.memref_slice %arg3[%dma_wait3A_73, %add3A_60] : memref<2x323584xi32, #tpu.memory_space<hbm>> -> memref<1x128xi32, #tpu.memory_space<hbm>>
    %dma_wait3A_80 = tpu.memref_squeeze %dma_wait3A_79 : memref<1x128xi32, #tpu.memory_space<hbm>> -> memref<128xi32, #tpu.memory_space<hbm>>
    %dma_wait3A_81 = arith.constant 0 : i32
    %dma_wait3A_82 = tpu.memref_slice %arg6[%dma_wait3A_74, %dma_wait3A_75, %dma_wait3A_81] : memref<3x2x128xi32, #tpu.memory_space<vmem>> -> memref<1x1x128xi32, #tpu.memory_space<vmem>>
    %dma_wait3A_83 = tpu.memref_squeeze %dma_wait3A_82 : memref<1x1x128xi32, #tpu.memory_space<vmem>> -> memref<128xi32, #tpu.memory_space<vmem>>
    %dma_wait3A_84 = tpu.memref_slice %arg3[%dma_wait3A_73, %add3A_60] : memref<2x323584xi32, #tpu.memory_space<hbm>> -> memref<1x128xi32, #tpu.memory_space<hbm>>
    %dma_wait3A_85 = tpu.memref_squeeze %dma_wait3A_84 : memref<1x128xi32, #tpu.memory_space<hbm>> -> memref<128xi32, #tpu.memory_space<hbm>>
    tpu.wait_dma2 semaphore(%arg10 : memref<!tpu.dma_semaphore, #tpu.memory_space<semaphore_mem>>) src(%dma_wait3A_85 : memref<128xi32, #tpu.memory_space<hbm>>) dst(%dma_wait3A_83 : memref<128xi32, #tpu.memory_space<vmem>>)
    %dma_start3A_86 = arith.constant 0 : i32
    %dma_start3A_87 = arith.constant 0 : i32
    %dma_start3A_88 = arith.constant 0 : i32
    %dma_start3A_89 = arith.constant 0 : i32
    %dma_start3A_90 = arith.constant 0 : i32
    %dma_start3A_91 = tpu.memref_slice %arg7[%dma_start3A_88, %dma_start3A_89, %dma_start3A_90] : memref<2x128x64xf32, #tpu.memory_space<vmem>> -> memref<1x128x64xf32, #tpu.memory_space<vmem>>
    %dma_start3A_92 = tpu.memref_squeeze %dma_start3A_91 : memref<1x128x64xf32, #tpu.memory_space<vmem>> -> memref<128x64xf32, #tpu.memory_space<vmem>>
    %dma_start3A_93 = arith.constant 0 : i32
    %dma_start3A_94 = tpu.memref_slice %arg6[%dma_start3A_86, %dma_start3A_87, %dma_start3A_93] : memref<3x2x128xi32, #tpu.memory_space<vmem>> -> memref<1x1x128xi32, #tpu.memory_space<vmem>>
    %dma_start3A_95 = tpu.memref_squeeze %dma_start3A_94 : memref<1x1x128xi32, #tpu.memory_space<vmem>> -> memref<128xi32, #tpu.memory_space<vmem>>
    %dma_start3A_96 = arith.constant 0 : i32
    %dma_start3A_97 = arith.constant 0 : i32
    %dma_start3A_98 = tpu.memref_slice %arg8[%dma_start3A_96, %dma_start3A_97] : memref<10240x64xf32, #tpu.memory_space<vmem_shared>> -> memref<10240x64xf32, #tpu.memory_space<vmem_shared>>
    tpu.enqueue_indirect_dma source(%dma_start3A_98 : memref<10240x64xf32, #tpu.memory_space<vmem_shared>>) target(%dma_start3A_92 : memref<128x64xf32, #tpu.memory_space<vmem>>) offsets(%dma_start3A_95 : memref<128xi32, #tpu.memory_space<vmem>>) semaphore(%arg11 : memref<!tpu.dma_semaphore, #tpu.memory_space<semaphore_mem>>)
    %scan3A = arith.constant 0 : i32
    %scan3A_99 = arith.constant 0 : i32
    %scan3A_100 = arith.constant 158 : i32
    %scan3A_101 = arith.addi %scan3A_99, %scan3A_100 : i32
    %scan3A_102 = arith.constant 1 : i32
    scf.for %scan3A_105 = %scan3A_99 to %scan3A_101 step %scan3A_102  : i32 {
      %jit3A = arith.constant 3 : i32
      %eq3A = arith.constant 0 : i32
      %eq3A_106 = arith.cmpi eq, %jit3A, %eq3A : i32
      %jit3A_107 = arith.constant 1 : i32
      %select_n3A = arith.select %eq3A_106, %jit3A_107, %jit3A : i32
      %rem3A = arith.remsi %scan3A_105, %select_n3A : i32
      %ne3A = arith.constant 0 : i32
      %ne3A_108 = arith.cmpi ne, %rem3A, %ne3A : i32
      %lt3A = arith.constant 0 : i32
      %lt3A_109 = arith.cmpi slt, %rem3A, %lt3A : i32
      %lt3A_110 = arith.constant 0 : i32
      %lt3A_111 = arith.cmpi slt, %select_n3A, %lt3A_110 : i32
      %ne3A_112 = arith.xori %lt3A_109, %lt3A_111 : i1
      %and3A = arith.andi %ne3A_112, %ne3A_108 : i1
      %add3A_113 = arith.addi %rem3A, %select_n3A : i32
      %select_n3A_114 = arith.select %and3A, %add3A_113, %rem3A : i32
      %jit3A_115 = arith.constant 2 : i32
      %eq3A_116 = arith.constant 0 : i32
      %eq3A_117 = arith.cmpi eq, %jit3A_115, %eq3A_116 : i32
      %jit3A_118 = arith.constant 1 : i32
      %select_n3A_119 = arith.select %eq3A_117, %jit3A_118, %jit3A_115 : i32
      %rem3A_120 = arith.remsi %scan3A_105, %select_n3A_119 : i32
      %ne3A_121 = arith.constant 0 : i32
      %ne3A_122 = arith.cmpi ne, %rem3A_120, %ne3A_121 : i32
      %lt3A_123 = arith.constant 0 : i32
      %lt3A_124 = arith.cmpi slt, %rem3A_120, %lt3A_123 : i32
      %lt3A_125 = arith.constant 0 : i32
      %lt3A_126 = arith.cmpi slt, %select_n3A_119, %lt3A_125 : i32
      %ne3A_127 = arith.xori %lt3A_124, %lt3A_126 : i1
      %and3A_128 = arith.andi %ne3A_127, %ne3A_122 : i1
      %add3A_129 = arith.addi %rem3A_120, %select_n3A_119 : i32
      %select_n3A_130 = arith.select %and3A_128, %add3A_129, %rem3A_120 : i32
      %dma_wait3A_131 = arith.constant 0 : i32
      %dma_wait3A_132 = arith.constant 0 : i32
      %dma_wait3A_133 = arith.constant 0 : i32
      %dma_wait3A_134 = tpu.memref_slice %arg7[%select_n3A_130, %dma_wait3A_132, %dma_wait3A_133] : memref<2x128x64xf32, #tpu.memory_space<vmem>> -> memref<1x128x64xf32, #tpu.memory_space<vmem>>
      %dma_wait3A_135 = tpu.memref_squeeze %dma_wait3A_134 : memref<1x128x64xf32, #tpu.memory_space<vmem>> -> memref<128x64xf32, #tpu.memory_space<vmem>>
      %dma_wait3A_136 = arith.constant 0 : i32
      %dma_wait3A_137 = tpu.memref_slice %arg6[%select_n3A_114, %dma_wait3A_131, %dma_wait3A_136] : memref<3x2x128xi32, #tpu.memory_space<vmem>> -> memref<1x1x128xi32, #tpu.memory_space<vmem>>
      %dma_wait3A_138 = tpu.memref_squeeze %dma_wait3A_137 : memref<1x1x128xi32, #tpu.memory_space<vmem>> -> memref<128xi32, #tpu.memory_space<vmem>>
      %dma_wait3A_139 = arith.constant 0 : i32
      %dma_wait3A_140 = arith.constant 0 : i32
      %dma_wait3A_141 = tpu.memref_slice %arg8[%dma_wait3A_139, %dma_wait3A_140] : memref<10240x64xf32, #tpu.memory_space<vmem_shared>> -> memref<10240x64xf32, #tpu.memory_space<vmem_shared>>
      tpu.wait_indirect_dma semaphore(%arg11 : memref<!tpu.dma_semaphore, #tpu.memory_space<semaphore_mem>>) src(%dma_wait3A_141 : memref<10240x64xf32, #tpu.memory_space<vmem_shared>>) dst(%dma_wait3A_135 : memref<128x64xf32, #tpu.memory_space<vmem>>)
      %jit3A_142 = arith.constant 2 : i32
      %eq3A_143 = arith.constant 0 : i32
      %eq3A_144 = arith.cmpi eq, %jit3A_142, %eq3A_143 : i32
      %jit3A_145 = arith.constant 1 : i32
      %select_n3A_146 = arith.select %eq3A_144, %jit3A_145, %jit3A_142 : i32
      %rem3A_147 = arith.remsi %scan3A_105, %select_n3A_146 : i32
      %ne3A_148 = arith.constant 0 : i32
      %ne3A_149 = arith.cmpi ne, %rem3A_147, %ne3A_148 : i32
      %lt3A_150 = arith.constant 0 : i32
      %lt3A_151 = arith.cmpi slt, %rem3A_147, %lt3A_150 : i32
      %lt3A_152 = arith.constant 0 : i32
      %lt3A_153 = arith.cmpi slt, %select_n3A_146, %lt3A_152 : i32
      %ne3A_154 = arith.xori %lt3A_151, %lt3A_153 : i1
      %and3A_155 = arith.andi %ne3A_154, %ne3A_149 : i1
      %add3A_156 = arith.addi %rem3A_147, %select_n3A_146 : i32
      %select_n3A_157 = arith.select %and3A_155, %add3A_156, %rem3A_147 : i32
      %jit3A_158 = arith.constant 3 : i32
      %eq3A_159 = arith.constant 0 : i32
      %eq3A_160 = arith.cmpi eq, %jit3A_158, %eq3A_159 : i32
      %jit3A_161 = arith.constant 1 : i32
      %select_n3A_162 = arith.select %eq3A_160, %jit3A_161, %jit3A_158 : i32
      %rem3A_163 = arith.remsi %scan3A_105, %select_n3A_162 : i32
      %ne3A_164 = arith.constant 0 : i32
      %ne3A_165 = arith.cmpi ne, %rem3A_163, %ne3A_164 : i32
      %lt3A_166 = arith.constant 0 : i32
      %lt3A_167 = arith.cmpi slt, %rem3A_163, %lt3A_166 : i32
      %lt3A_168 = arith.constant 0 : i32
      %lt3A_169 = arith.cmpi slt, %select_n3A_162, %lt3A_168 : i32
      %ne3A_170 = arith.xori %lt3A_167, %lt3A_169 : i1
      %and3A_171 = arith.andi %ne3A_170, %ne3A_165 : i1
      %add3A_172 = arith.addi %rem3A_163, %select_n3A_162 : i32
      %select_n3A_173 = arith.select %and3A_171, %add3A_172, %rem3A_163 : i32
      %run_scoped3A = arith.constant 1 : i32
      "tpu.region"() ({
        %run_scoped3A_186 = tpu.sem_alloc : memref<!tpu.dma_semaphore, #tpu.memory_space<semaphore_mem>>
        %dma_start3A_187 = arith.constant 0 : i32
        %dma_start3A_188 = arith.constant 0 : i32
        %dma_start3A_189 = tpu.memref_slice %arg7[%select_n3A_157, %dma_start3A_187, %dma_start3A_188] : memref<2x128x64xf32, #tpu.memory_space<vmem>> -> memref<1x128x64xf32, #tpu.memory_space<vmem>>
        %dma_start3A_190 = tpu.memref_squeeze %dma_start3A_189 : memref<1x128x64xf32, #tpu.memory_space<vmem>> -> memref<128x64xf32, #tpu.memory_space<vmem>>
        %dma_start3A_191 = arith.constant 0 : i32
        %dma_start3A_192 = tpu.memref_slice %arg6[%select_n3A_173, %run_scoped3A, %dma_start3A_191] : memref<3x2x128xi32, #tpu.memory_space<vmem>> -> memref<1x1x128xi32, #tpu.memory_space<vmem>>
        %dma_start3A_193 = tpu.memref_squeeze %dma_start3A_192 : memref<1x1x128xi32, #tpu.memory_space<vmem>> -> memref<128xi32, #tpu.memory_space<vmem>>
        %dma_start3A_194 = arith.constant 0 : i32
        %dma_start3A_195 = arith.constant 0 : i32
        %dma_start3A_196 = tpu.memref_slice %arg9[%dma_start3A_194, %dma_start3A_195] : memref<10240x64xf32, #tpu.memory_space<vmem_shared>> -> memref<10240x64xf32, #tpu.memory_space<vmem_shared>>
        tpu.enqueue_indirect_dma source(%dma_start3A_190 : memref<128x64xf32, #tpu.memory_space<vmem>>) target(%dma_start3A_196 : memref<10240x64xf32, #tpu.memory_space<vmem_shared>>) offsets(%dma_start3A_193 : memref<128xi32, #tpu.memory_space<vmem>>) semaphore(%run_scoped3A_186 : memref<!tpu.dma_semaphore, #tpu.memory_space<semaphore_mem>>) {add = true}
        %dma_wait3A_197 = arith.constant 0 : i32
        %dma_wait3A_198 = arith.constant 0 : i32
        %dma_wait3A_199 = tpu.memref_slice %arg7[%select_n3A_157, %dma_wait3A_197, %dma_wait3A_198] : memref<2x128x64xf32, #tpu.memory_space<vmem>> -> memref<1x128x64xf32, #tpu.memory_space<vmem>>
        %dma_wait3A_200 = tpu.memref_squeeze %dma_wait3A_199 : memref<1x128x64xf32, #tpu.memory_space<vmem>> -> memref<128x64xf32, #tpu.memory_space<vmem>>
        %dma_wait3A_201 = arith.constant 0 : i32
        %dma_wait3A_202 = tpu.memref_slice %arg6[%select_n3A_173, %run_scoped3A, %dma_wait3A_201] : memref<3x2x128xi32, #tpu.memory_space<vmem>> -> memref<1x1x128xi32, #tpu.memory_space<vmem>>
        %dma_wait3A_203 = tpu.memref_squeeze %dma_wait3A_202 : memref<1x1x128xi32, #tpu.memory_space<vmem>> -> memref<128xi32, #tpu.memory_space<vmem>>
        %dma_wait3A_204 = arith.constant 0 : i32
        %dma_wait3A_205 = arith.constant 0 : i32
        %dma_wait3A_206 = tpu.memref_slice %arg9[%dma_wait3A_204, %dma_wait3A_205] : memref<10240x64xf32, #tpu.memory_space<vmem_shared>> -> memref<10240x64xf32, #tpu.memory_space<vmem_shared>>
        tpu.wait_indirect_dma semaphore(%run_scoped3A_186 : memref<!tpu.dma_semaphore, #tpu.memory_space<semaphore_mem>>) src(%dma_wait3A_200 : memref<128x64xf32, #tpu.memory_space<vmem>>) dst(%dma_wait3A_206 : memref<10240x64xf32, #tpu.memory_space<vmem_shared>>)
        tpu.yield
      }) : () -> ()
      %add3A_174 = arith.constant 2 : i32
      %add3A_175 = arith.addi %scan3A_105, %add3A_174 : i32
      %lt3A_176 = arith.constant 158 : i32
      %lt3A_177 = arith.cmpi slt, %add3A_175, %lt3A_176 : i32
      %convert_element_type3A = arith.extui %lt3A_177 : i1 to i32
      %cond3A = arith.constant 0 : i32
      %cond3A_178 = arith.cmpi ne, %convert_element_type3A, %cond3A : i32
      scf.if %cond3A_178 {
        %add3A_186 = arith.constant 2 : i32
        %add3A_187 = arith.addi %scan3A_105, %add3A_186 : i32
        %mul3A_188 = arith.constant 128 : i32
        %mul3A_189 = arith.muli %add3A_187, %mul3A_188 : i32
        %add3A_190 = arith.addi %mul3A_4, %mul3A_189 : i32
        %jit3A_191 = arith.constant 3 : i32
        %eq3A_192 = arith.constant 0 : i32
        %eq3A_193 = arith.cmpi eq, %jit3A_191, %eq3A_192 : i32
        %jit3A_194 = arith.constant 1 : i32
        %select_n3A_195 = arith.select %eq3A_193, %jit3A_194, %jit3A_191 : i32
        %rem3A_196 = arith.remsi %add3A_187, %select_n3A_195 : i32
        %ne3A_197 = arith.constant 0 : i32
        %ne3A_198 = arith.cmpi ne, %rem3A_196, %ne3A_197 : i32
        %lt3A_199 = arith.constant 0 : i32
        %lt3A_200 = arith.cmpi slt, %rem3A_196, %lt3A_199 : i32
        %lt3A_201 = arith.constant 0 : i32
        %lt3A_202 = arith.cmpi slt, %select_n3A_195, %lt3A_201 : i32
        %ne3A_203 = arith.xori %lt3A_200, %lt3A_202 : i1
        %and3A_204 = arith.andi %ne3A_203, %ne3A_198 : i1
        %add3A_205 = arith.addi %rem3A_196, %select_n3A_195 : i32
        %select_n3A_206 = arith.select %and3A_204, %add3A_205, %rem3A_196 : i32
        %dma_start3A_207 = arith.constant 0 : i32
        %dma_start3A_208 = arith.constant 0 : i32
        %dma_start3A_209 = arith.constant 0 : i32
        %dma_start3A_210 = tpu.memref_slice %arg6[%select_n3A_206, %dma_start3A_208, %dma_start3A_209] : memref<3x2x128xi32, #tpu.memory_space<vmem>> -> memref<1x1x128xi32, #tpu.memory_space<vmem>>
        %dma_start3A_211 = tpu.memref_squeeze %dma_start3A_210 : memref<1x1x128xi32, #tpu.memory_space<vmem>> -> memref<128xi32, #tpu.memory_space<vmem>>
        %dma_start3A_212 = tpu.memref_slice %arg3[%dma_start3A_207, %add3A_190] : memref<2x323584xi32, #tpu.memory_space<hbm>> -> memref<1x128xi32, #tpu.memory_space<hbm>>
        %dma_start3A_213 = tpu.memref_squeeze %dma_start3A_212 : memref<1x128xi32, #tpu.memory_space<hbm>> -> memref<128xi32, #tpu.memory_space<hbm>>
        %dma_start3A_214 = arith.constant 0 : i32
        %dma_start3A_215 = tpu.memref_slice %arg6[%select_n3A_206, %dma_start3A_208, %dma_start3A_214] : memref<3x2x128xi32, #tpu.memory_space<vmem>> -> memref<1x1x128xi32, #tpu.memory_space<vmem>>
        %dma_start3A_216 = tpu.memref_squeeze %dma_start3A_215 : memref<1x1x128xi32, #tpu.memory_space<vmem>> -> memref<128xi32, #tpu.memory_space<vmem>>
        %dma_start3A_217 = tpu.memref_slice %arg3[%dma_start3A_207, %add3A_190] : memref<2x323584xi32, #tpu.memory_space<hbm>> -> memref<1x128xi32, #tpu.memory_space<hbm>>
        %dma_start3A_218 = tpu.memref_squeeze %dma_start3A_217 : memref<1x128xi32, #tpu.memory_space<hbm>> -> memref<128xi32, #tpu.memory_space<hbm>>
        tpu.enqueue_dma source(%dma_start3A_218 : memref<128xi32, #tpu.memory_space<hbm>>) target(%dma_start3A_216 : memref<128xi32, #tpu.memory_space<vmem>>) target_semaphore(%arg10 : memref<!tpu.dma_semaphore, #tpu.memory_space<semaphore_mem>>)
        %jit3A_219 = arith.constant 3 : i32
        %eq3A_220 = arith.constant 0 : i32
        %eq3A_221 = arith.cmpi eq, %jit3A_219, %eq3A_220 : i32
        %jit3A_222 = arith.constant 1 : i32
        %select_n3A_223 = arith.select %eq3A_221, %jit3A_222, %jit3A_219 : i32
        %rem3A_224 = arith.remsi %add3A_187, %select_n3A_223 : i32
        %ne3A_225 = arith.constant 0 : i32
        %ne3A_226 = arith.cmpi ne, %rem3A_224, %ne3A_225 : i32
        %lt3A_227 = arith.constant 0 : i32
        %lt3A_228 = arith.cmpi slt, %rem3A_224, %lt3A_227 : i32
        %lt3A_229 = arith.constant 0 : i32
        %lt3A_230 = arith.cmpi slt, %select_n3A_223, %lt3A_229 : i32
        %ne3A_231 = arith.xori %lt3A_228, %lt3A_230 : i1
        %and3A_232 = arith.andi %ne3A_231, %ne3A_226 : i1
        %add3A_233 = arith.addi %rem3A_224, %select_n3A_223 : i32
        %select_n3A_234 = arith.select %and3A_232, %add3A_233, %rem3A_224 : i32
        %dma_start3A_235 = arith.constant 1 : i32
        %dma_start3A_236 = arith.constant 1 : i32
        %dma_start3A_237 = arith.constant 0 : i32
        %dma_start3A_238 = tpu.memref_slice %arg6[%select_n3A_234, %dma_start3A_236, %dma_start3A_237] : memref<3x2x128xi32, #tpu.memory_space<vmem>> -> memref<1x1x128xi32, #tpu.memory_space<vmem>>
        %dma_start3A_239 = tpu.memref_squeeze %dma_start3A_238 : memref<1x1x128xi32, #tpu.memory_space<vmem>> -> memref<128xi32, #tpu.memory_space<vmem>>
        %dma_start3A_240 = tpu.memref_slice %arg3[%dma_start3A_235, %add3A_190] : memref<2x323584xi32, #tpu.memory_space<hbm>> -> memref<1x128xi32, #tpu.memory_space<hbm>>
        %dma_start3A_241 = tpu.memref_squeeze %dma_start3A_240 : memref<1x128xi32, #tpu.memory_space<hbm>> -> memref<128xi32, #tpu.memory_space<hbm>>
        %dma_start3A_242 = arith.constant 0 : i32
        %dma_start3A_243 = tpu.memref_slice %arg6[%select_n3A_234, %dma_start3A_236, %dma_start3A_242] : memref<3x2x128xi32, #tpu.memory_space<vmem>> -> memref<1x1x128xi32, #tpu.memory_space<vmem>>
        %dma_start3A_244 = tpu.memref_squeeze %dma_start3A_243 : memref<1x1x128xi32, #tpu.memory_space<vmem>> -> memref<128xi32, #tpu.memory_space<vmem>>
        %dma_start3A_245 = tpu.memref_slice %arg3[%dma_start3A_235, %add3A_190] : memref<2x323584xi32, #tpu.memory_space<hbm>> -> memref<1x128xi32, #tpu.memory_space<hbm>>
        %dma_start3A_246 = tpu.memref_squeeze %dma_start3A_245 : memref<1x128xi32, #tpu.memory_space<hbm>> -> memref<128xi32, #tpu.memory_space<hbm>>
        tpu.enqueue_dma source(%dma_start3A_246 : memref<128xi32, #tpu.memory_space<hbm>>) target(%dma_start3A_244 : memref<128xi32, #tpu.memory_space<vmem>>) target_semaphore(%arg10 : memref<!tpu.dma_semaphore, #tpu.memory_space<semaphore_mem>>)
      } else {
      }
      %add3A_179 = arith.constant 1 : i32
      %add3A_180 = arith.addi %scan3A_105, %add3A_179 : i32
      %lt3A_181 = arith.constant 158 : i32
      %lt3A_182 = arith.cmpi slt, %add3A_180, %lt3A_181 : i32
      %convert_element_type3A_183 = arith.extui %lt3A_182 : i1 to i32
      %cond3A_184 = arith.constant 0 : i32
      %cond3A_185 = arith.cmpi ne, %convert_element_type3A_183, %cond3A_184 : i32
      scf.if %cond3A_185 {
        %add3A_186 = arith.constant 1 : i32
        %add3A_187 = arith.addi %scan3A_105, %add3A_186 : i32
        %mul3A_188 = arith.constant 128 : i32
        %mul3A_189 = arith.muli %add3A_187, %mul3A_188 : i32
        %add3A_190 = arith.addi %mul3A_4, %mul3A_189 : i32
        %jit3A_191 = arith.constant 3 : i32
        %eq3A_192 = arith.constant 0 : i32
        %eq3A_193 = arith.cmpi eq, %jit3A_191, %eq3A_192 : i32
        %jit3A_194 = arith.constant 1 : i32
        %select_n3A_195 = arith.select %eq3A_193, %jit3A_194, %jit3A_191 : i32
        %rem3A_196 = arith.remsi %add3A_187, %select_n3A_195 : i32
        %ne3A_197 = arith.constant 0 : i32
        %ne3A_198 = arith.cmpi ne, %rem3A_196, %ne3A_197 : i32
        %lt3A_199 = arith.constant 0 : i32
        %lt3A_200 = arith.cmpi slt, %rem3A_196, %lt3A_199 : i32
        %lt3A_201 = arith.constant 0 : i32
        %lt3A_202 = arith.cmpi slt, %select_n3A_195, %lt3A_201 : i32
        %ne3A_203 = arith.xori %lt3A_200, %lt3A_202 : i1
        %and3A_204 = arith.andi %ne3A_203, %ne3A_198 : i1
        %add3A_205 = arith.addi %rem3A_196, %select_n3A_195 : i32
        %select_n3A_206 = arith.select %and3A_204, %add3A_205, %rem3A_196 : i32
        %dma_wait3A_207 = arith.constant 0 : i32
        %dma_wait3A_208 = arith.constant 0 : i32
        %dma_wait3A_209 = arith.constant 0 : i32
        %dma_wait3A_210 = tpu.memref_slice %arg6[%select_n3A_206, %dma_wait3A_208, %dma_wait3A_209] : memref<3x2x128xi32, #tpu.memory_space<vmem>> -> memref<1x1x128xi32, #tpu.memory_space<vmem>>
        %dma_wait3A_211 = tpu.memref_squeeze %dma_wait3A_210 : memref<1x1x128xi32, #tpu.memory_space<vmem>> -> memref<128xi32, #tpu.memory_space<vmem>>
        %dma_wait3A_212 = tpu.memref_slice %arg3[%dma_wait3A_207, %add3A_190] : memref<2x323584xi32, #tpu.memory_space<hbm>> -> memref<1x128xi32, #tpu.memory_space<hbm>>
        %dma_wait3A_213 = tpu.memref_squeeze %dma_wait3A_212 : memref<1x128xi32, #tpu.memory_space<hbm>> -> memref<128xi32, #tpu.memory_space<hbm>>
        %dma_wait3A_214 = arith.constant 0 : i32
        %dma_wait3A_215 = tpu.memref_slice %arg6[%select_n3A_206, %dma_wait3A_208, %dma_wait3A_214] : memref<3x2x128xi32, #tpu.memory_space<vmem>> -> memref<1x1x128xi32, #tpu.memory_space<vmem>>
        %dma_wait3A_216 = tpu.memref_squeeze %dma_wait3A_215 : memref<1x1x128xi32, #tpu.memory_space<vmem>> -> memref<128xi32, #tpu.memory_space<vmem>>
        %dma_wait3A_217 = tpu.memref_slice %arg3[%dma_wait3A_207, %add3A_190] : memref<2x323584xi32, #tpu.memory_space<hbm>> -> memref<1x128xi32, #tpu.memory_space<hbm>>
        %dma_wait3A_218 = tpu.memref_squeeze %dma_wait3A_217 : memref<1x128xi32, #tpu.memory_space<hbm>> -> memref<128xi32, #tpu.memory_space<hbm>>
        tpu.wait_dma2 semaphore(%arg10 : memref<!tpu.dma_semaphore, #tpu.memory_space<semaphore_mem>>) src(%dma_wait3A_218 : memref<128xi32, #tpu.memory_space<hbm>>) dst(%dma_wait3A_216 : memref<128xi32, #tpu.memory_space<vmem>>)
        %jit3A_219 = arith.constant 3 : i32
        %eq3A_220 = arith.constant 0 : i32
        %eq3A_221 = arith.cmpi eq, %jit3A_219, %eq3A_220 : i32
        %jit3A_222 = arith.constant 1 : i32
        %select_n3A_223 = arith.select %eq3A_221, %jit3A_222, %jit3A_219 : i32
        %rem3A_224 = arith.remsi %add3A_187, %select_n3A_223 : i32
        %ne3A_225 = arith.constant 0 : i32
        %ne3A_226 = arith.cmpi ne, %rem3A_224, %ne3A_225 : i32
        %lt3A_227 = arith.constant 0 : i32
        %lt3A_228 = arith.cmpi slt, %rem3A_224, %lt3A_227 : i32
        %lt3A_229 = arith.constant 0 : i32
        %lt3A_230 = arith.cmpi slt, %select_n3A_223, %lt3A_229 : i32
        %ne3A_231 = arith.xori %lt3A_228, %lt3A_230 : i1
        %and3A_232 = arith.andi %ne3A_231, %ne3A_226 : i1
        %add3A_233 = arith.addi %rem3A_224, %select_n3A_223 : i32
        %select_n3A_234 = arith.select %and3A_232, %add3A_233, %rem3A_224 : i32
        %dma_wait3A_235 = arith.constant 1 : i32
        %dma_wait3A_236 = arith.constant 1 : i32
        %dma_wait3A_237 = arith.constant 0 : i32
        %dma_wait3A_238 = tpu.memref_slice %arg6[%select_n3A_234, %dma_wait3A_236, %dma_wait3A_237] : memref<3x2x128xi32, #tpu.memory_space<vmem>> -> memref<1x1x128xi32, #tpu.memory_space<vmem>>
        %dma_wait3A_239 = tpu.memref_squeeze %dma_wait3A_238 : memref<1x1x128xi32, #tpu.memory_space<vmem>> -> memref<128xi32, #tpu.memory_space<vmem>>
        %dma_wait3A_240 = tpu.memref_slice %arg3[%dma_wait3A_235, %add3A_190] : memref<2x323584xi32, #tpu.memory_space<hbm>> -> memref<1x128xi32, #tpu.memory_space<hbm>>
        %dma_wait3A_241 = tpu.memref_squeeze %dma_wait3A_240 : memref<1x128xi32, #tpu.memory_space<hbm>> -> memref<128xi32, #tpu.memory_space<hbm>>
        %dma_wait3A_242 = arith.constant 0 : i32
        %dma_wait3A_243 = tpu.memref_slice %arg6[%select_n3A_234, %dma_wait3A_236, %dma_wait3A_242] : memref<3x2x128xi32, #tpu.memory_space<vmem>> -> memref<1x1x128xi32, #tpu.memory_space<vmem>>
        %dma_wait3A_244 = tpu.memref_squeeze %dma_wait3A_243 : memref<1x1x128xi32, #tpu.memory_space<vmem>> -> memref<128xi32, #tpu.memory_space<vmem>>
        %dma_wait3A_245 = tpu.memref_slice %arg3[%dma_wait3A_235, %add3A_190] : memref<2x323584xi32, #tpu.memory_space<hbm>> -> memref<1x128xi32, #tpu.memory_space<hbm>>
        %dma_wait3A_246 = tpu.memref_squeeze %dma_wait3A_245 : memref<1x128xi32, #tpu.memory_space<hbm>> -> memref<128xi32, #tpu.memory_space<hbm>>
        tpu.wait_dma2 semaphore(%arg10 : memref<!tpu.dma_semaphore, #tpu.memory_space<semaphore_mem>>) src(%dma_wait3A_246 : memref<128xi32, #tpu.memory_space<hbm>>) dst(%dma_wait3A_244 : memref<128xi32, #tpu.memory_space<vmem>>)
        %add3A_247 = arith.constant 1 : i32
        %add3A_248 = arith.addi %scan3A_105, %add3A_247 : i32
        %jit3A_249 = arith.constant 3 : i32
        %eq3A_250 = arith.constant 0 : i32
        %eq3A_251 = arith.cmpi eq, %jit3A_249, %eq3A_250 : i32
        %jit3A_252 = arith.constant 1 : i32
        %select_n3A_253 = arith.select %eq3A_251, %jit3A_252, %jit3A_249 : i32
        %rem3A_254 = arith.remsi %add3A_248, %select_n3A_253 : i32
        %ne3A_255 = arith.constant 0 : i32
        %ne3A_256 = arith.cmpi ne, %rem3A_254, %ne3A_255 : i32
        %lt3A_257 = arith.constant 0 : i32
        %lt3A_258 = arith.cmpi slt, %rem3A_254, %lt3A_257 : i32
        %lt3A_259 = arith.constant 0 : i32
        %lt3A_260 = arith.cmpi slt, %select_n3A_253, %lt3A_259 : i32
        %ne3A_261 = arith.xori %lt3A_258, %lt3A_260 : i1
        %and3A_262 = arith.andi %ne3A_261, %ne3A_256 : i1
        %add3A_263 = arith.addi %rem3A_254, %select_n3A_253 : i32
        %select_n3A_264 = arith.select %and3A_262, %add3A_263, %rem3A_254 : i32
        %jit3A_265 = arith.constant 2 : i32
        %eq3A_266 = arith.constant 0 : i32
        %eq3A_267 = arith.cmpi eq, %jit3A_265, %eq3A_266 : i32
        %jit3A_268 = arith.constant 1 : i32
        %select_n3A_269 = arith.select %eq3A_267, %jit3A_268, %jit3A_265 : i32
        %rem3A_270 = arith.remsi %add3A_248, %select_n3A_269 : i32
        %ne3A_271 = arith.constant 0 : i32
        %ne3A_272 = arith.cmpi ne, %rem3A_270, %ne3A_271 : i32
        %lt3A_273 = arith.constant 0 : i32
        %lt3A_274 = arith.cmpi slt, %rem3A_270, %lt3A_273 : i32
        %lt3A_275 = arith.constant 0 : i32
        %lt3A_276 = arith.cmpi slt, %select_n3A_269, %lt3A_275 : i32
        %ne3A_277 = arith.xori %lt3A_274, %lt3A_276 : i1
        %and3A_278 = arith.andi %ne3A_277, %ne3A_272 : i1
        %add3A_279 = arith.addi %rem3A_270, %select_n3A_269 : i32
        %select_n3A_280 = arith.select %and3A_278, %add3A_279, %rem3A_270 : i32
        %dma_start3A_281 = arith.constant 0 : i32
        %dma_start3A_282 = arith.constant 0 : i32
        %dma_start3A_283 = arith.constant 0 : i32
        %dma_start3A_284 = tpu.memref_slice %arg7[%select_n3A_280, %dma_start3A_282, %dma_start3A_283] : memref<2x128x64xf32, #tpu.memory_space<vmem>> -> memref<1x128x64xf32, #tpu.memory_space<vmem>>
        %dma_start3A_285 = tpu.memref_squeeze %dma_start3A_284 : memref<1x128x64xf32, #tpu.memory_space<vmem>> -> memref<128x64xf32, #tpu.memory_space<vmem>>
        %dma_start3A_286 = arith.constant 0 : i32
        %dma_start3A_287 = tpu.memref_slice %arg6[%select_n3A_264, %dma_start3A_281, %dma_start3A_286] : memref<3x2x128xi32, #tpu.memory_space<vmem>> -> memref<1x1x128xi32, #tpu.memory_space<vmem>>
        %dma_start3A_288 = tpu.memref_squeeze %dma_start3A_287 : memref<1x1x128xi32, #tpu.memory_space<vmem>> -> memref<128xi32, #tpu.memory_space<vmem>>
        %dma_start3A_289 = arith.constant 0 : i32
        %dma_start3A_290 = arith.constant 0 : i32
        %dma_start3A_291 = tpu.memref_slice %arg8[%dma_start3A_289, %dma_start3A_290] : memref<10240x64xf32, #tpu.memory_space<vmem_shared>> -> memref<10240x64xf32, #tpu.memory_space<vmem_shared>>
        tpu.enqueue_indirect_dma source(%dma_start3A_291 : memref<10240x64xf32, #tpu.memory_space<vmem_shared>>) target(%dma_start3A_285 : memref<128x64xf32, #tpu.memory_space<vmem>>) offsets(%dma_start3A_288 : memref<128xi32, #tpu.memory_space<vmem>>) semaphore(%arg11 : memref<!tpu.dma_semaphore, #tpu.memory_space<semaphore_mem>>)
      } else {
      }
    }
    %scan3A_103 = arith.constant 158 : i32
    %barrier3A_104 = arith.constant 0 : index
    tpu.barrier barrier_id(%barrier3A_104)
    "tpu.region"() ({
      %run_scoped3A = tpu.sem_alloc : memref<!tpu.dma_semaphore, #tpu.memory_space<semaphore_mem>>
      %dma_start3A_105 = arith.constant 0 : i32
      %dma_start3A_106 = tpu.memref_slice %arg5[%arg0, %mul3A_0, %dma_start3A_105] : memref<2x10240x64xf32, #tpu.memory_space<hbm>> -> memref<1x640x64xf32, #tpu.memory_space<hbm>>
      %dma_start3A_107 = tpu.memref_squeeze %dma_start3A_106 : memref<1x640x64xf32, #tpu.memory_space<hbm>> -> memref<640x64xf32, #tpu.memory_space<hbm>>
      %dma_start3A_108 = arith.constant 0 : i32
      %dma_start3A_109 = tpu.memref_slice %arg9[%mul3A_0, %dma_start3A_108] : memref<10240x64xf32, #tpu.memory_space<vmem_shared>> -> memref<640x64xf32, #tpu.memory_space<vmem_shared>>
      tpu.enqueue_dma source(%dma_start3A_109 : memref<640x64xf32, #tpu.memory_space<vmem_shared>>) target(%dma_start3A_107 : memref<640x64xf32, #tpu.memory_space<hbm>>) target_semaphore(%run_scoped3A : memref<!tpu.dma_semaphore, #tpu.memory_space<semaphore_mem>>)
      %dma_wait3A_110 = arith.constant 0 : i32
      %dma_wait3A_111 = tpu.memref_slice %arg5[%arg0, %mul3A_0, %dma_wait3A_110] : memref<2x10240x64xf32, #tpu.memory_space<hbm>> -> memref<1x640x64xf32, #tpu.memory_space<hbm>>
      %dma_wait3A_112 = tpu.memref_squeeze %dma_wait3A_111 : memref<1x640x64xf32, #tpu.memory_space<hbm>> -> memref<640x64xf32, #tpu.memory_space<hbm>>
      %dma_wait3A_113 = arith.constant 0 : i32
      %dma_wait3A_114 = tpu.memref_slice %arg9[%mul3A_0, %dma_wait3A_113] : memref<10240x64xf32, #tpu.memory_space<vmem_shared>> -> memref<640x64xf32, #tpu.memory_space<vmem_shared>>
      tpu.wait_dma2 semaphore(%run_scoped3A : memref<!tpu.dma_semaphore, #tpu.memory_space<semaphore_mem>>) src(%dma_wait3A_114 : memref<640x64xf32, #tpu.memory_space<vmem_shared>>) dst(%dma_wait3A_112 : memref<640x64xf32, #tpu.memory_space<hbm>>)
      tpu.yield
    }) : () -> ()
    return
  }
}

#map = affine_map<(d0, d1) -> (0, 0)>
#map1 = affine_map<(d0, d1) -> (0, 0, 0)>
module attributes {stable_mosaic.version = 14 : i64} {
  func.func @deg(%arg0: i32, %arg1: i32, %arg2: memref<2x323584xi32, #tpu.memory_space<hbm>>, %arg3: memref<128x16xf32, #tpu.memory_space<hbm>>, %arg4: memref<10240x16xf32, #tpu.memory_space<hbm>>, %arg5: memref<2x10240x16xf32, #tpu.memory_space<hbm>>, %arg6: memref<2x10240x16xf32, #tpu.memory_space<hbm>>, %arg7: memref<3x2x128xi32, #tpu.memory_space<vmem>>, %arg8: memref<128x16xf32, #tpu.memory_space<vmem>>, %arg9: memref<10240x16xf32, #tpu.memory_space<vmem_shared>>, %arg10: memref<10240x16xf32, #tpu.memory_space<vmem_shared>>, %arg11: memref<!tpu.dma_semaphore, #tpu.memory_space<semaphore_mem>>, %arg12: memref<!tpu.dma_semaphore, #tpu.memory_space<semaphore_mem>>, %arg13: memref<!tpu.dma_semaphore, #tpu.memory_space<semaphore_mem>>) attributes {dimension_semantics = [#tpu.dimension_semantics<core_parallel>, #tpu.dimension_semantics<subcore_parallel>], iteration_bounds = array<i64: 2, 16>, scalar_prefetch = 0 : i64, scratch_operands = 7 : i64, tpu.core_type = #tpu.core_type<sc_vector_subcore>, window_params = [{transform_indices = #map}, {transform_indices = #map}, {transform_indices = #map}, {transform_indices = #map1}, {transform_indices = #map1}]} {
    %mul3A = arith.constant 640 : i32
    %mul3A_0 = arith.muli %arg1, %mul3A : i32
    %mul3A_1 = arith.constant 2 : i32
    %mul3A_2 = arith.muli %arg1, %mul3A_1 : i32
    %add3A = arith.addi %mul3A_2, %arg0 : i32
    %mul3A_3 = arith.constant 79 : i32
    %mul3A_4 = arith.muli %add3A, %mul3A_3 : i32
    %mul3A_5 = arith.constant 128 : i32
    %mul3A_6 = arith.muli %mul3A_4, %mul3A_5 : i32
    %add3A_7 = arith.constant 0 : i32
    %add3A_8 = arith.addi %mul3A_6, %add3A_7 : i32
    %dma_start3A = arith.constant 0 : i32
    %dma_start3A_9 = arith.constant 0 : i32
    %dma_start3A_10 = arith.constant 0 : i32
    %dma_start3A_11 = arith.constant 0 : i32
    %dma_start3A_12 = tpu.memref_slice %arg7[%dma_start3A_9, %dma_start3A_10, %dma_start3A_11] : memref<3x2x128xi32, #tpu.memory_space<vmem>> -> memref<1x1x128xi32, #tpu.memory_space<vmem>>
    %dma_start3A_13 = tpu.memref_squeeze %dma_start3A_12 : memref<1x1x128xi32, #tpu.memory_space<vmem>> -> memref<128xi32, #tpu.memory_space<vmem>>
    %dma_start3A_14 = tpu.memref_slice %arg2[%dma_start3A, %add3A_8] : memref<2x323584xi32, #tpu.memory_space<hbm>> -> memref<1x128xi32, #tpu.memory_space<hbm>>
    %dma_start3A_15 = tpu.memref_squeeze %dma_start3A_14 : memref<1x128xi32, #tpu.memory_space<hbm>> -> memref<128xi32, #tpu.memory_space<hbm>>
    %dma_start3A_16 = arith.constant 0 : i32
    %dma_start3A_17 = tpu.memref_slice %arg7[%dma_start3A_9, %dma_start3A_10, %dma_start3A_16] : memref<3x2x128xi32, #tpu.memory_space<vmem>> -> memref<1x1x128xi32, #tpu.memory_space<vmem>>
    %dma_start3A_18 = tpu.memref_squeeze %dma_start3A_17 : memref<1x1x128xi32, #tpu.memory_space<vmem>> -> memref<128xi32, #tpu.memory_space<vmem>>
    %dma_start3A_19 = tpu.memref_slice %arg2[%dma_start3A, %add3A_8] : memref<2x323584xi32, #tpu.memory_space<hbm>> -> memref<1x128xi32, #tpu.memory_space<hbm>>
    %dma_start3A_20 = tpu.memref_squeeze %dma_start3A_19 : memref<1x128xi32, #tpu.memory_space<hbm>> -> memref<128xi32, #tpu.memory_space<hbm>>
    tpu.enqueue_dma source(%dma_start3A_20 : memref<128xi32, #tpu.memory_space<hbm>>) target(%dma_start3A_18 : memref<128xi32, #tpu.memory_space<vmem>>) target_semaphore(%arg11 : memref<!tpu.dma_semaphore, #tpu.memory_space<semaphore_mem>>)
    %dma_start3A_21 = arith.constant 1 : i32
    %dma_start3A_22 = arith.constant 0 : i32
    %dma_start3A_23 = arith.constant 1 : i32
    %dma_start3A_24 = arith.constant 0 : i32
    %dma_start3A_25 = tpu.memref_slice %arg7[%dma_start3A_22, %dma_start3A_23, %dma_start3A_24] : memref<3x2x128xi32, #tpu.memory_space<vmem>> -> memref<1x1x128xi32, #tpu.memory_space<vmem>>
    %dma_start3A_26 = tpu.memref_squeeze %dma_start3A_25 : memref<1x1x128xi32, #tpu.memory_space<vmem>> -> memref<128xi32, #tpu.memory_space<vmem>>
    %dma_start3A_27 = tpu.memref_slice %arg2[%dma_start3A_21, %add3A_8] : memref<2x323584xi32, #tpu.memory_space<hbm>> -> memref<1x128xi32, #tpu.memory_space<hbm>>
    %dma_start3A_28 = tpu.memref_squeeze %dma_start3A_27 : memref<1x128xi32, #tpu.memory_space<hbm>> -> memref<128xi32, #tpu.memory_space<hbm>>
    %dma_start3A_29 = arith.constant 0 : i32
    %dma_start3A_30 = tpu.memref_slice %arg7[%dma_start3A_22, %dma_start3A_23, %dma_start3A_29] : memref<3x2x128xi32, #tpu.memory_space<vmem>> -> memref<1x1x128xi32, #tpu.memory_space<vmem>>
    %dma_start3A_31 = tpu.memref_squeeze %dma_start3A_30 : memref<1x1x128xi32, #tpu.memory_space<vmem>> -> memref<128xi32, #tpu.memory_space<vmem>>
    %dma_start3A_32 = tpu.memref_slice %arg2[%dma_start3A_21, %add3A_8] : memref<2x323584xi32, #tpu.memory_space<hbm>> -> memref<1x128xi32, #tpu.memory_space<hbm>>
    %dma_start3A_33 = tpu.memref_squeeze %dma_start3A_32 : memref<1x128xi32, #tpu.memory_space<hbm>> -> memref<128xi32, #tpu.memory_space<hbm>>
    tpu.enqueue_dma source(%dma_start3A_33 : memref<128xi32, #tpu.memory_space<hbm>>) target(%dma_start3A_31 : memref<128xi32, #tpu.memory_space<vmem>>) target_semaphore(%arg11 : memref<!tpu.dma_semaphore, #tpu.memory_space<semaphore_mem>>)
    %add3A_34 = arith.constant 128 : i32
    %add3A_35 = arith.addi %mul3A_6, %add3A_34 : i32
    %dma_start3A_36 = arith.constant 0 : i32
    %dma_start3A_37 = arith.constant 1 : i32
    %dma_start3A_38 = arith.constant 0 : i32
    %dma_start3A_39 = arith.constant 0 : i32
    %dma_start3A_40 = tpu.memref_slice %arg7[%dma_start3A_37, %dma_start3A_38, %dma_start3A_39] : memref<3x2x128xi32, #tpu.memory_space<vmem>> -> memref<1x1x128xi32, #tpu.memory_space<vmem>>
    %dma_start3A_41 = tpu.memref_squeeze %dma_start3A_40 : memref<1x1x128xi32, #tpu.memory_space<vmem>> -> memref<128xi32, #tpu.memory_space<vmem>>
    %dma_start3A_42 = tpu.memref_slice %arg2[%dma_start3A_36, %add3A_35] : memref<2x323584xi32, #tpu.memory_space<hbm>> -> memref<1x128xi32, #tpu.memory_space<hbm>>
    %dma_start3A_43 = tpu.memref_squeeze %dma_start3A_42 : memref<1x128xi32, #tpu.memory_space<hbm>> -> memref<128xi32, #tpu.memory_space<hbm>>
    %dma_start3A_44 = arith.constant 0 : i32
    %dma_start3A_45 = tpu.memref_slice %arg7[%dma_start3A_37, %dma_start3A_38, %dma_start3A_44] : memref<3x2x128xi32, #tpu.memory_space<vmem>> -> memref<1x1x128xi32, #tpu.memory_space<vmem>>
    %dma_start3A_46 = tpu.memref_squeeze %dma_start3A_45 : memref<1x1x128xi32, #tpu.memory_space<vmem>> -> memref<128xi32, #tpu.memory_space<vmem>>
    %dma_start3A_47 = tpu.memref_slice %arg2[%dma_start3A_36, %add3A_35] : memref<2x323584xi32, #tpu.memory_space<hbm>> -> memref<1x128xi32, #tpu.memory_space<hbm>>
    %dma_start3A_48 = tpu.memref_squeeze %dma_start3A_47 : memref<1x128xi32, #tpu.memory_space<hbm>> -> memref<128xi32, #tpu.memory_space<hbm>>
    tpu.enqueue_dma source(%dma_start3A_48 : memref<128xi32, #tpu.memory_space<hbm>>) target(%dma_start3A_46 : memref<128xi32, #tpu.memory_space<vmem>>) target_semaphore(%arg11 : memref<!tpu.dma_semaphore, #tpu.memory_space<semaphore_mem>>)
    %dma_start3A_49 = arith.constant 1 : i32
    %dma_start3A_50 = arith.constant 1 : i32
    %dma_start3A_51 = arith.constant 1 : i32
    %dma_start3A_52 = arith.constant 0 : i32
    %dma_start3A_53 = tpu.memref_slice %arg7[%dma_start3A_50, %dma_start3A_51, %dma_start3A_52] : memref<3x2x128xi32, #tpu.memory_space<vmem>> -> memref<1x1x128xi32, #tpu.memory_space<vmem>>
    %dma_start3A_54 = tpu.memref_squeeze %dma_start3A_53 : memref<1x1x128xi32, #tpu.memory_space<vmem>> -> memref<128xi32, #tpu.memory_space<vmem>>
    %dma_start3A_55 = tpu.memref_slice %arg2[%dma_start3A_49, %add3A_35] : memref<2x323584xi32, #tpu.memory_space<hbm>> -> memref<1x128xi32, #tpu.memory_space<hbm>>
    %dma_start3A_56 = tpu.memref_squeeze %dma_start3A_55 : memref<1x128xi32, #tpu.memory_space<hbm>> -> memref<128xi32, #tpu.memory_space<hbm>>
    %dma_start3A_57 = arith.constant 0 : i32
    %dma_start3A_58 = tpu.memref_slice %arg7[%dma_start3A_50, %dma_start3A_51, %dma_start3A_57] : memref<3x2x128xi32, #tpu.memory_space<vmem>> -> memref<1x1x128xi32, #tpu.memory_space<vmem>>
    %dma_start3A_59 = tpu.memref_squeeze %dma_start3A_58 : memref<1x1x128xi32, #tpu.memory_space<vmem>> -> memref<128xi32, #tpu.memory_space<vmem>>
    %dma_start3A_60 = tpu.memref_slice %arg2[%dma_start3A_49, %add3A_35] : memref<2x323584xi32, #tpu.memory_space<hbm>> -> memref<1x128xi32, #tpu.memory_space<hbm>>
    %dma_start3A_61 = tpu.memref_squeeze %dma_start3A_60 : memref<1x128xi32, #tpu.memory_space<hbm>> -> memref<128xi32, #tpu.memory_space<hbm>>
    tpu.enqueue_dma source(%dma_start3A_61 : memref<128xi32, #tpu.memory_space<hbm>>) target(%dma_start3A_59 : memref<128xi32, #tpu.memory_space<vmem>>) target_semaphore(%arg11 : memref<!tpu.dma_semaphore, #tpu.memory_space<semaphore_mem>>)
    "tpu.region"() ({
      %run_scoped3A = tpu.sem_alloc : memref<!tpu.dma_semaphore, #tpu.memory_space<semaphore_mem>>
      tpu.enqueue_dma source(%arg3 : memref<128x16xf32, #tpu.memory_space<hbm>>) target(%arg8 : memref<128x16xf32, #tpu.memory_space<vmem>>) target_semaphore(%run_scoped3A : memref<!tpu.dma_semaphore, #tpu.memory_space<semaphore_mem>>)
      tpu.wait_dma2 semaphore(%run_scoped3A : memref<!tpu.dma_semaphore, #tpu.memory_space<semaphore_mem>>) src(%arg3 : memref<128x16xf32, #tpu.memory_space<hbm>>) dst(%arg8 : memref<128x16xf32, #tpu.memory_space<vmem>>)
      tpu.yield
    }) : () -> ()
    "tpu.region"() ({
      %run_scoped3A = tpu.sem_alloc : memref<!tpu.dma_semaphore, #tpu.memory_space<semaphore_mem>>
      %dma_start3A_127 = arith.constant 0 : i32
      %dma_start3A_128 = tpu.memref_slice %arg9[%mul3A_0, %dma_start3A_127] : memref<10240x16xf32, #tpu.memory_space<vmem_shared>> -> memref<640x16xf32, #tpu.memory_space<vmem_shared>>
      %dma_start3A_129 = arith.constant 0 : i32
      %dma_start3A_130 = tpu.memref_slice %arg4[%mul3A_0, %dma_start3A_129] : memref<10240x16xf32, #tpu.memory_space<hbm>> -> memref<640x16xf32, #tpu.memory_space<hbm>>
      tpu.enqueue_dma source(%dma_start3A_130 : memref<640x16xf32, #tpu.memory_space<hbm>>) target(%dma_start3A_128 : memref<640x16xf32, #tpu.memory_space<vmem_shared>>) target_semaphore(%run_scoped3A : memref<!tpu.dma_semaphore, #tpu.memory_space<semaphore_mem>>)
      %dma_wait3A_131 = arith.constant 0 : i32
      %dma_wait3A_132 = tpu.memref_slice %arg9[%mul3A_0, %dma_wait3A_131] : memref<10240x16xf32, #tpu.memory_space<vmem_shared>> -> memref<640x16xf32, #tpu.memory_space<vmem_shared>>
      %dma_wait3A_133 = arith.constant 0 : i32
      %dma_wait3A_134 = tpu.memref_slice %arg4[%mul3A_0, %dma_wait3A_133] : memref<10240x16xf32, #tpu.memory_space<hbm>> -> memref<640x16xf32, #tpu.memory_space<hbm>>
      tpu.wait_dma2 semaphore(%run_scoped3A : memref<!tpu.dma_semaphore, #tpu.memory_space<semaphore_mem>>) src(%dma_wait3A_134 : memref<640x16xf32, #tpu.memory_space<hbm>>) dst(%dma_wait3A_132 : memref<640x16xf32, #tpu.memory_space<vmem_shared>>)
      tpu.yield
    }) : () -> ()
    "tpu.region"() ({
      %run_scoped3A = tpu.sem_alloc : memref<!tpu.dma_semaphore, #tpu.memory_space<semaphore_mem>>
      %dma_start3A_127 = arith.constant 0 : i32
      %dma_start3A_128 = tpu.memref_slice %arg10[%mul3A_0, %dma_start3A_127] : memref<10240x16xf32, #tpu.memory_space<vmem_shared>> -> memref<640x16xf32, #tpu.memory_space<vmem_shared>>
      %dma_start3A_129 = arith.constant 0 : i32
      %dma_start3A_130 = tpu.memref_slice %arg4[%mul3A_0, %dma_start3A_129] : memref<10240x16xf32, #tpu.memory_space<hbm>> -> memref<640x16xf32, #tpu.memory_space<hbm>>
      tpu.enqueue_dma source(%dma_start3A_130 : memref<640x16xf32, #tpu.memory_space<hbm>>) target(%dma_start3A_128 : memref<640x16xf32, #tpu.memory_space<vmem_shared>>) target_semaphore(%run_scoped3A : memref<!tpu.dma_semaphore, #tpu.memory_space<semaphore_mem>>)
      %dma_wait3A_131 = arith.constant 0 : i32
      %dma_wait3A_132 = tpu.memref_slice %arg10[%mul3A_0, %dma_wait3A_131] : memref<10240x16xf32, #tpu.memory_space<vmem_shared>> -> memref<640x16xf32, #tpu.memory_space<vmem_shared>>
      %dma_wait3A_133 = arith.constant 0 : i32
      %dma_wait3A_134 = tpu.memref_slice %arg4[%mul3A_0, %dma_wait3A_133] : memref<10240x16xf32, #tpu.memory_space<hbm>> -> memref<640x16xf32, #tpu.memory_space<hbm>>
      tpu.wait_dma2 semaphore(%run_scoped3A : memref<!tpu.dma_semaphore, #tpu.memory_space<semaphore_mem>>) src(%dma_wait3A_134 : memref<640x16xf32, #tpu.memory_space<hbm>>) dst(%dma_wait3A_132 : memref<640x16xf32, #tpu.memory_space<vmem_shared>>)
      tpu.yield
    }) : () -> ()
    %barrier3A = arith.constant 0 : index
    tpu.barrier barrier_id(%barrier3A)
    %add3A_62 = arith.constant 0 : i32
    %add3A_63 = arith.addi %mul3A_6, %add3A_62 : i32
    %dma_wait3A = arith.constant 0 : i32
    %dma_wait3A_64 = arith.constant 0 : i32
    %dma_wait3A_65 = arith.constant 0 : i32
    %dma_wait3A_66 = arith.constant 0 : i32
    %dma_wait3A_67 = tpu.memref_slice %arg7[%dma_wait3A_64, %dma_wait3A_65, %dma_wait3A_66] : memref<3x2x128xi32, #tpu.memory_space<vmem>> -> memref<1x1x128xi32, #tpu.memory_space<vmem>>
    %dma_wait3A_68 = tpu.memref_squeeze %dma_wait3A_67 : memref<1x1x128xi32, #tpu.memory_space<vmem>> -> memref<128xi32, #tpu.memory_space<vmem>>
    %dma_wait3A_69 = tpu.memref_slice %arg2[%dma_wait3A, %add3A_63] : memref<2x323584xi32, #tpu.memory_space<hbm>> -> memref<1x128xi32, #tpu.memory_space<hbm>>
    %dma_wait3A_70 = tpu.memref_squeeze %dma_wait3A_69 : memref<1x128xi32, #tpu.memory_space<hbm>> -> memref<128xi32, #tpu.memory_space<hbm>>
    %dma_wait3A_71 = arith.constant 0 : i32
    %dma_wait3A_72 = tpu.memref_slice %arg7[%dma_wait3A_64, %dma_wait3A_65, %dma_wait3A_71] : memref<3x2x128xi32, #tpu.memory_space<vmem>> -> memref<1x1x128xi32, #tpu.memory_space<vmem>>
    %dma_wait3A_73 = tpu.memref_squeeze %dma_wait3A_72 : memref<1x1x128xi32, #tpu.memory_space<vmem>> -> memref<128xi32, #tpu.memory_space<vmem>>
    %dma_wait3A_74 = tpu.memref_slice %arg2[%dma_wait3A, %add3A_63] : memref<2x323584xi32, #tpu.memory_space<hbm>> -> memref<1x128xi32, #tpu.memory_space<hbm>>
    %dma_wait3A_75 = tpu.memref_squeeze %dma_wait3A_74 : memref<1x128xi32, #tpu.memory_space<hbm>> -> memref<128xi32, #tpu.memory_space<hbm>>
    tpu.wait_dma2 semaphore(%arg11 : memref<!tpu.dma_semaphore, #tpu.memory_space<semaphore_mem>>) src(%dma_wait3A_75 : memref<128xi32, #tpu.memory_space<hbm>>) dst(%dma_wait3A_73 : memref<128xi32, #tpu.memory_space<vmem>>)
    %dma_wait3A_76 = arith.constant 1 : i32
    %dma_wait3A_77 = arith.constant 0 : i32
    %dma_wait3A_78 = arith.constant 1 : i32
    %dma_wait3A_79 = arith.constant 0 : i32
    %dma_wait3A_80 = tpu.memref_slice %arg7[%dma_wait3A_77, %dma_wait3A_78, %dma_wait3A_79] : memref<3x2x128xi32, #tpu.memory_space<vmem>> -> memref<1x1x128xi32, #tpu.memory_space<vmem>>
    %dma_wait3A_81 = tpu.memref_squeeze %dma_wait3A_80 : memref<1x1x128xi32, #tpu.memory_space<vmem>> -> memref<128xi32, #tpu.memory_space<vmem>>
    %dma_wait3A_82 = tpu.memref_slice %arg2[%dma_wait3A_76, %add3A_63] : memref<2x323584xi32, #tpu.memory_space<hbm>> -> memref<1x128xi32, #tpu.memory_space<hbm>>
    %dma_wait3A_83 = tpu.memref_squeeze %dma_wait3A_82 : memref<1x128xi32, #tpu.memory_space<hbm>> -> memref<128xi32, #tpu.memory_space<hbm>>
    %dma_wait3A_84 = arith.constant 0 : i32
    %dma_wait3A_85 = tpu.memref_slice %arg7[%dma_wait3A_77, %dma_wait3A_78, %dma_wait3A_84] : memref<3x2x128xi32, #tpu.memory_space<vmem>> -> memref<1x1x128xi32, #tpu.memory_space<vmem>>
    %dma_wait3A_86 = tpu.memref_squeeze %dma_wait3A_85 : memref<1x1x128xi32, #tpu.memory_space<vmem>> -> memref<128xi32, #tpu.memory_space<vmem>>
    %dma_wait3A_87 = tpu.memref_slice %arg2[%dma_wait3A_76, %add3A_63] : memref<2x323584xi32, #tpu.memory_space<hbm>> -> memref<1x128xi32, #tpu.memory_space<hbm>>
    %dma_wait3A_88 = tpu.memref_squeeze %dma_wait3A_87 : memref<1x128xi32, #tpu.memory_space<hbm>> -> memref<128xi32, #tpu.memory_space<hbm>>
    tpu.wait_dma2 semaphore(%arg11 : memref<!tpu.dma_semaphore, #tpu.memory_space<semaphore_mem>>) src(%dma_wait3A_88 : memref<128xi32, #tpu.memory_space<hbm>>) dst(%dma_wait3A_86 : memref<128xi32, #tpu.memory_space<vmem>>)
    %dma_start3A_89 = arith.constant 0 : i32
    %dma_start3A_90 = arith.constant 0 : i32
    %dma_start3A_91 = arith.constant 0 : i32
    %dma_start3A_92 = tpu.memref_slice %arg7[%dma_start3A_89, %dma_start3A_90, %dma_start3A_91] : memref<3x2x128xi32, #tpu.memory_space<vmem>> -> memref<1x1x128xi32, #tpu.memory_space<vmem>>
    %dma_start3A_93 = tpu.memref_squeeze %dma_start3A_92 : memref<1x1x128xi32, #tpu.memory_space<vmem>> -> memref<128xi32, #tpu.memory_space<vmem>>
    %dma_start3A_94 = arith.constant 0 : i32
    %dma_start3A_95 = arith.constant 0 : i32
    %dma_start3A_96 = tpu.memref_slice %arg9[%dma_start3A_94, %dma_start3A_95] : memref<10240x16xf32, #tpu.memory_space<vmem_shared>> -> memref<10240x16xf32, #tpu.memory_space<vmem_shared>>
    tpu.enqueue_indirect_dma source(%arg8 : memref<128x16xf32, #tpu.memory_space<vmem>>) target(%dma_start3A_96 : memref<10240x16xf32, #tpu.memory_space<vmem_shared>>) offsets(%dma_start3A_93 : memref<128xi32, #tpu.memory_space<vmem>>) semaphore(%arg12 : memref<!tpu.dma_semaphore, #tpu.memory_space<semaphore_mem>>) {add = true}
    %dma_start3A_97 = arith.constant 0 : i32
    %dma_start3A_98 = arith.constant 1 : i32
    %dma_start3A_99 = arith.constant 0 : i32
    %dma_start3A_100 = tpu.memref_slice %arg7[%dma_start3A_97, %dma_start3A_98, %dma_start3A_99] : memref<3x2x128xi32, #tpu.memory_space<vmem>> -> memref<1x1x128xi32, #tpu.memory_space<vmem>>
    %dma_start3A_101 = tpu.memref_squeeze %dma_start3A_100 : memref<1x1x128xi32, #tpu.memory_space<vmem>> -> memref<128xi32, #tpu.memory_space<vmem>>
    %dma_start3A_102 = arith.constant 0 : i32
    %dma_start3A_103 = arith.constant 0 : i32
    %dma_start3A_104 = tpu.memref_slice %arg10[%dma_start3A_102, %dma_start3A_103] : memref<10240x16xf32, #tpu.memory_space<vmem_shared>> -> memref<10240x16xf32, #tpu.memory_space<vmem_shared>>
    tpu.enqueue_indirect_dma source(%arg8 : memref<128x16xf32, #tpu.memory_space<vmem>>) target(%dma_start3A_104 : memref<10240x16xf32, #tpu.memory_space<vmem_shared>>) offsets(%dma_start3A_101 : memref<128xi32, #tpu.memory_space<vmem>>) semaphore(%arg13 : memref<!tpu.dma_semaphore, #tpu.memory_space<semaphore_mem>>) {add = true}
    %scan3A = arith.constant 0 : i32
    %scan3A_105 = arith.constant 1 : i32
    %scan3A_106 = arith.constant 78 : i32
    %scan3A_107 = arith.addi %scan3A_105, %scan3A_106 : i32
    %scan3A_108 = arith.constant 1 : i32
    scf.for %scan3A_127 = %scan3A_105 to %scan3A_107 step %scan3A_108  : i32 {
      %add3A_128 = arith.constant 1 : i32
      %add3A_129 = arith.addi %scan3A_127, %add3A_128 : i32
      %lt3A = arith.constant 79 : i32
      %lt3A_130 = arith.cmpi slt, %add3A_129, %lt3A : i32
      %convert_element_type3A = arith.extui %lt3A_130 : i1 to i32
      %cond3A = arith.constant 0 : i32
      %cond3A_131 = arith.cmpi ne, %convert_element_type3A, %cond3A : i32
      scf.if %cond3A_131 {
        %add3A_278 = arith.constant 1 : i32
        %add3A_279 = arith.addi %scan3A_127, %add3A_278 : i32
        %mul3A_280 = arith.constant 128 : i32
        %mul3A_281 = arith.muli %add3A_279, %mul3A_280 : i32
        %add3A_282 = arith.addi %mul3A_6, %mul3A_281 : i32
        %jit3A_283 = arith.constant 3 : i32
        %eq3A_284 = arith.constant 0 : i32
        %eq3A_285 = arith.cmpi eq, %jit3A_283, %eq3A_284 : i32
        %jit3A_286 = arith.constant 1 : i32
        %select_n3A_287 = arith.select %eq3A_285, %jit3A_286, %jit3A_283 : i32
        %rem3A_288 = arith.remsi %add3A_279, %select_n3A_287 : i32
        %ne3A_289 = arith.constant 0 : i32
        %ne3A_290 = arith.cmpi ne, %rem3A_288, %ne3A_289 : i32
        %lt3A_291 = arith.constant 0 : i32
        %lt3A_292 = arith.cmpi slt, %rem3A_288, %lt3A_291 : i32
        %lt3A_293 = arith.constant 0 : i32
        %lt3A_294 = arith.cmpi slt, %select_n3A_287, %lt3A_293 : i32
        %ne3A_295 = arith.xori %lt3A_292, %lt3A_294 : i1
        %and3A_296 = arith.andi %ne3A_295, %ne3A_290 : i1
        %add3A_297 = arith.addi %rem3A_288, %select_n3A_287 : i32
        %select_n3A_298 = arith.select %and3A_296, %add3A_297, %rem3A_288 : i32
        %dma_start3A_299 = arith.constant 0 : i32
        %dma_start3A_300 = arith.constant 0 : i32
        %dma_start3A_301 = arith.constant 0 : i32
        %dma_start3A_302 = tpu.memref_slice %arg7[%select_n3A_298, %dma_start3A_300, %dma_start3A_301] : memref<3x2x128xi32, #tpu.memory_space<vmem>> -> memref<1x1x128xi32, #tpu.memory_space<vmem>>
        %dma_start3A_303 = tpu.memref_squeeze %dma_start3A_302 : memref<1x1x128xi32, #tpu.memory_space<vmem>> -> memref<128xi32, #tpu.memory_space<vmem>>
        %dma_start3A_304 = tpu.memref_slice %arg2[%dma_start3A_299, %add3A_282] : memref<2x323584xi32, #tpu.memory_space<hbm>> -> memref<1x128xi32, #tpu.memory_space<hbm>>
        %dma_start3A_305 = tpu.memref_squeeze %dma_start3A_304 : memref<1x128xi32, #tpu.memory_space<hbm>> -> memref<128xi32, #tpu.memory_space<hbm>>
        %dma_start3A_306 = arith.constant 0 : i32
        %dma_start3A_307 = tpu.memref_slice %arg7[%select_n3A_298, %dma_start3A_300, %dma_start3A_306] : memref<3x2x128xi32, #tpu.memory_space<vmem>> -> memref<1x1x128xi32, #tpu.memory_space<vmem>>
        %dma_start3A_308 = tpu.memref_squeeze %dma_start3A_307 : memref<1x1x128xi32, #tpu.memory_space<vmem>> -> memref<128xi32, #tpu.memory_space<vmem>>
        %dma_start3A_309 = tpu.memref_slice %arg2[%dma_start3A_299, %add3A_282] : memref<2x323584xi32, #tpu.memory_space<hbm>> -> memref<1x128xi32, #tpu.memory_space<hbm>>
        %dma_start3A_310 = tpu.memref_squeeze %dma_start3A_309 : memref<1x128xi32, #tpu.memory_space<hbm>> -> memref<128xi32, #tpu.memory_space<hbm>>
        tpu.enqueue_dma source(%dma_start3A_310 : memref<128xi32, #tpu.memory_space<hbm>>) target(%dma_start3A_308 : memref<128xi32, #tpu.memory_space<vmem>>) target_semaphore(%arg11 : memref<!tpu.dma_semaphore, #tpu.memory_space<semaphore_mem>>)
        %jit3A_311 = arith.constant 3 : i32
        %eq3A_312 = arith.constant 0 : i32
        %eq3A_313 = arith.cmpi eq, %jit3A_311, %eq3A_312 : i32
        %jit3A_314 = arith.constant 1 : i32
        %select_n3A_315 = arith.select %eq3A_313, %jit3A_314, %jit3A_311 : i32
        %rem3A_316 = arith.remsi %add3A_279, %select_n3A_315 : i32
        %ne3A_317 = arith.constant 0 : i32
        %ne3A_318 = arith.cmpi ne, %rem3A_316, %ne3A_317 : i32
        %lt3A_319 = arith.constant 0 : i32
        %lt3A_320 = arith.cmpi slt, %rem3A_316, %lt3A_319 : i32
        %lt3A_321 = arith.constant 0 : i32
        %lt3A_322 = arith.cmpi slt, %select_n3A_315, %lt3A_321 : i32
        %ne3A_323 = arith.xori %lt3A_320, %lt3A_322 : i1
        %and3A_324 = arith.andi %ne3A_323, %ne3A_318 : i1
        %add3A_325 = arith.addi %rem3A_316, %select_n3A_315 : i32
        %select_n3A_326 = arith.select %and3A_324, %add3A_325, %rem3A_316 : i32
        %dma_start3A_327 = arith.constant 1 : i32
        %dma_start3A_328 = arith.constant 1 : i32
        %dma_start3A_329 = arith.constant 0 : i32
        %dma_start3A_330 = tpu.memref_slice %arg7[%select_n3A_326, %dma_start3A_328, %dma_start3A_329] : memref<3x2x128xi32, #tpu.memory_space<vmem>> -> memref<1x1x128xi32, #tpu.memory_space<vmem>>
        %dma_start3A_331 = tpu.memref_squeeze %dma_start3A_330 : memref<1x1x128xi32, #tpu.memory_space<vmem>> -> memref<128xi32, #tpu.memory_space<vmem>>
        %dma_start3A_332 = tpu.memref_slice %arg2[%dma_start3A_327, %add3A_282] : memref<2x323584xi32, #tpu.memory_space<hbm>> -> memref<1x128xi32, #tpu.memory_space<hbm>>
        %dma_start3A_333 = tpu.memref_squeeze %dma_start3A_332 : memref<1x128xi32, #tpu.memory_space<hbm>> -> memref<128xi32, #tpu.memory_space<hbm>>
        %dma_start3A_334 = arith.constant 0 : i32
        %dma_start3A_335 = tpu.memref_slice %arg7[%select_n3A_326, %dma_start3A_328, %dma_start3A_334] : memref<3x2x128xi32, #tpu.memory_space<vmem>> -> memref<1x1x128xi32, #tpu.memory_space<vmem>>
        %dma_start3A_336 = tpu.memref_squeeze %dma_start3A_335 : memref<1x1x128xi32, #tpu.memory_space<vmem>> -> memref<128xi32, #tpu.memory_space<vmem>>
        %dma_start3A_337 = tpu.memref_slice %arg2[%dma_start3A_327, %add3A_282] : memref<2x323584xi32, #tpu.memory_space<hbm>> -> memref<1x128xi32, #tpu.memory_space<hbm>>
        %dma_start3A_338 = tpu.memref_squeeze %dma_start3A_337 : memref<1x128xi32, #tpu.memory_space<hbm>> -> memref<128xi32, #tpu.memory_space<hbm>>
        tpu.enqueue_dma source(%dma_start3A_338 : memref<128xi32, #tpu.memory_space<hbm>>) target(%dma_start3A_336 : memref<128xi32, #tpu.memory_space<vmem>>) target_semaphore(%arg11 : memref<!tpu.dma_semaphore, #tpu.memory_space<semaphore_mem>>)
      } else {
      }
      %mul3A_132 = arith.constant 128 : i32
      %mul3A_133 = arith.muli %scan3A_127, %mul3A_132 : i32
      %add3A_134 = arith.addi %mul3A_6, %mul3A_133 : i32
      %jit3A = arith.constant 3 : i32
      %eq3A = arith.constant 0 : i32
      %eq3A_135 = arith.cmpi eq, %jit3A, %eq3A : i32
      %jit3A_136 = arith.constant 1 : i32
      %select_n3A = arith.select %eq3A_135, %jit3A_136, %jit3A : i32
      %rem3A = arith.remsi %scan3A_127, %select_n3A : i32
      %ne3A = arith.constant 0 : i32
      %ne3A_137 = arith.cmpi ne, %rem3A, %ne3A : i32
      %lt3A_138 = arith.constant 0 : i32
      %lt3A_139 = arith.cmpi slt, %rem3A, %lt3A_138 : i32
      %lt3A_140 = arith.constant 0 : i32
      %lt3A_141 = arith.cmpi slt, %select_n3A, %lt3A_140 : i32
      %ne3A_142 = arith.xori %lt3A_139, %lt3A_141 : i1
      %and3A = arith.andi %ne3A_142, %ne3A_137 : i1
      %add3A_143 = arith.addi %rem3A, %select_n3A : i32
      %select_n3A_144 = arith.select %and3A, %add3A_143, %rem3A : i32
      %dma_wait3A_145 = arith.constant 0 : i32
      %dma_wait3A_146 = arith.constant 0 : i32
      %dma_wait3A_147 = arith.constant 0 : i32
      %dma_wait3A_148 = tpu.memref_slice %arg7[%select_n3A_144, %dma_wait3A_146, %dma_wait3A_147] : memref<3x2x128xi32, #tpu.memory_space<vmem>> -> memref<1x1x128xi32, #tpu.memory_space<vmem>>
      %dma_wait3A_149 = tpu.memref_squeeze %dma_wait3A_148 : memref<1x1x128xi32, #tpu.memory_space<vmem>> -> memref<128xi32, #tpu.memory_space<vmem>>
      %dma_wait3A_150 = tpu.memref_slice %arg2[%dma_wait3A_145, %add3A_134] : memref<2x323584xi32, #tpu.memory_space<hbm>> -> memref<1x128xi32, #tpu.memory_space<hbm>>
      %dma_wait3A_151 = tpu.memref_squeeze %dma_wait3A_150 : memref<1x128xi32, #tpu.memory_space<hbm>> -> memref<128xi32, #tpu.memory_space<hbm>>
      %dma_wait3A_152 = arith.constant 0 : i32
      %dma_wait3A_153 = tpu.memref_slice %arg7[%select_n3A_144, %dma_wait3A_146, %dma_wait3A_152] : memref<3x2x128xi32, #tpu.memory_space<vmem>> -> memref<1x1x128xi32, #tpu.memory_space<vmem>>
      %dma_wait3A_154 = tpu.memref_squeeze %dma_wait3A_153 : memref<1x1x128xi32, #tpu.memory_space<vmem>> -> memref<128xi32, #tpu.memory_space<vmem>>
      %dma_wait3A_155 = tpu.memref_slice %arg2[%dma_wait3A_145, %add3A_134] : memref<2x323584xi32, #tpu.memory_space<hbm>> -> memref<1x128xi32, #tpu.memory_space<hbm>>
      %dma_wait3A_156 = tpu.memref_squeeze %dma_wait3A_155 : memref<1x128xi32, #tpu.memory_space<hbm>> -> memref<128xi32, #tpu.memory_space<hbm>>
      tpu.wait_dma2 semaphore(%arg11 : memref<!tpu.dma_semaphore, #tpu.memory_space<semaphore_mem>>) src(%dma_wait3A_156 : memref<128xi32, #tpu.memory_space<hbm>>) dst(%dma_wait3A_154 : memref<128xi32, #tpu.memory_space<vmem>>)
      %jit3A_157 = arith.constant 3 : i32
      %eq3A_158 = arith.constant 0 : i32
      %eq3A_159 = arith.cmpi eq, %jit3A_157, %eq3A_158 : i32
      %jit3A_160 = arith.constant 1 : i32
      %select_n3A_161 = arith.select %eq3A_159, %jit3A_160, %jit3A_157 : i32
      %rem3A_162 = arith.remsi %scan3A_127, %select_n3A_161 : i32
      %ne3A_163 = arith.constant 0 : i32
      %ne3A_164 = arith.cmpi ne, %rem3A_162, %ne3A_163 : i32
      %lt3A_165 = arith.constant 0 : i32
      %lt3A_166 = arith.cmpi slt, %rem3A_162, %lt3A_165 : i32
      %lt3A_167 = arith.constant 0 : i32
      %lt3A_168 = arith.cmpi slt, %select_n3A_161, %lt3A_167 : i32
      %ne3A_169 = arith.xori %lt3A_166, %lt3A_168 : i1
      %and3A_170 = arith.andi %ne3A_169, %ne3A_164 : i1
      %add3A_171 = arith.addi %rem3A_162, %select_n3A_161 : i32
      %select_n3A_172 = arith.select %and3A_170, %add3A_171, %rem3A_162 : i32
      %dma_wait3A_173 = arith.constant 1 : i32
      %dma_wait3A_174 = arith.constant 1 : i32
      %dma_wait3A_175 = arith.constant 0 : i32
      %dma_wait3A_176 = tpu.memref_slice %arg7[%select_n3A_172, %dma_wait3A_174, %dma_wait3A_175] : memref<3x2x128xi32, #tpu.memory_space<vmem>> -> memref<1x1x128xi32, #tpu.memory_space<vmem>>
      %dma_wait3A_177 = tpu.memref_squeeze %dma_wait3A_176 : memref<1x1x128xi32, #tpu.memory_space<vmem>> -> memref<128xi32, #tpu.memory_space<vmem>>
      %dma_wait3A_178 = tpu.memref_slice %arg2[%dma_wait3A_173, %add3A_134] : memref<2x323584xi32, #tpu.memory_space<hbm>> -> memref<1x128xi32, #tpu.memory_space<hbm>>
      %dma_wait3A_179 = tpu.memref_squeeze %dma_wait3A_178 : memref<1x128xi32, #tpu.memory_space<hbm>> -> memref<128xi32, #tpu.memory_space<hbm>>
      %dma_wait3A_180 = arith.constant 0 : i32
      %dma_wait3A_181 = tpu.memref_slice %arg7[%select_n3A_172, %dma_wait3A_174, %dma_wait3A_180] : memref<3x2x128xi32, #tpu.memory_space<vmem>> -> memref<1x1x128xi32, #tpu.memory_space<vmem>>
      %dma_wait3A_182 = tpu.memref_squeeze %dma_wait3A_181 : memref<1x1x128xi32, #tpu.memory_space<vmem>> -> memref<128xi32, #tpu.memory_space<vmem>>
      %dma_wait3A_183 = tpu.memref_slice %arg2[%dma_wait3A_173, %add3A_134] : memref<2x323584xi32, #tpu.memory_space<hbm>> -> memref<1x128xi32, #tpu.memory_space<hbm>>
      %dma_wait3A_184 = tpu.memref_squeeze %dma_wait3A_183 : memref<1x128xi32, #tpu.memory_space<hbm>> -> memref<128xi32, #tpu.memory_space<hbm>>
      tpu.wait_dma2 semaphore(%arg11 : memref<!tpu.dma_semaphore, #tpu.memory_space<semaphore_mem>>) src(%dma_wait3A_184 : memref<128xi32, #tpu.memory_space<hbm>>) dst(%dma_wait3A_182 : memref<128xi32, #tpu.memory_space<vmem>>)
      %jit3A_185 = arith.constant 3 : i32
      %eq3A_186 = arith.constant 0 : i32
      %eq3A_187 = arith.cmpi eq, %jit3A_185, %eq3A_186 : i32
      %jit3A_188 = arith.constant 1 : i32
      %select_n3A_189 = arith.select %eq3A_187, %jit3A_188, %jit3A_185 : i32
      %rem3A_190 = arith.remsi %scan3A_127, %select_n3A_189 : i32
      %ne3A_191 = arith.constant 0 : i32
      %ne3A_192 = arith.cmpi ne, %rem3A_190, %ne3A_191 : i32
      %lt3A_193 = arith.constant 0 : i32
      %lt3A_194 = arith.cmpi slt, %rem3A_190, %lt3A_193 : i32
      %lt3A_195 = arith.constant 0 : i32
      %lt3A_196 = arith.cmpi slt, %select_n3A_189, %lt3A_195 : i32
      %ne3A_197 = arith.xori %lt3A_194, %lt3A_196 : i1
      %and3A_198 = arith.andi %ne3A_197, %ne3A_192 : i1
      %add3A_199 = arith.addi %rem3A_190, %select_n3A_189 : i32
      %select_n3A_200 = arith.select %and3A_198, %add3A_199, %rem3A_190 : i32
      %dma_start3A_201 = arith.constant 0 : i32
      %dma_start3A_202 = arith.constant 0 : i32
      %dma_start3A_203 = tpu.memref_slice %arg7[%select_n3A_200, %dma_start3A_201, %dma_start3A_202] : memref<3x2x128xi32, #tpu.memory_space<vmem>> -> memref<1x1x128xi32, #tpu.memory_space<vmem>>
      %dma_start3A_204 = tpu.memref_squeeze %dma_start3A_203 : memref<1x1x128xi32, #tpu.memory_space<vmem>> -> memref<128xi32, #tpu.memory_space<vmem>>
      %dma_start3A_205 = arith.constant 0 : i32
      %dma_start3A_206 = arith.constant 0 : i32
      %dma_start3A_207 = tpu.memref_slice %arg9[%dma_start3A_205, %dma_start3A_206] : memref<10240x16xf32, #tpu.memory_space<vmem_shared>> -> memref<10240x16xf32, #tpu.memory_space<vmem_shared>>
      tpu.enqueue_indirect_dma source(%arg8 : memref<128x16xf32, #tpu.memory_space<vmem>>) target(%dma_start3A_207 : memref<10240x16xf32, #tpu.memory_space<vmem_shared>>) offsets(%dma_start3A_204 : memref<128xi32, #tpu.memory_space<vmem>>) semaphore(%arg12 : memref<!tpu.dma_semaphore, #tpu.memory_space<semaphore_mem>>) {add = true}
      %jit3A_208 = arith.constant 3 : i32
      %eq3A_209 = arith.constant 0 : i32
      %eq3A_210 = arith.cmpi eq, %jit3A_208, %eq3A_209 : i32
      %jit3A_211 = arith.constant 1 : i32
      %select_n3A_212 = arith.select %eq3A_210, %jit3A_211, %jit3A_208 : i32
      %rem3A_213 = arith.remsi %scan3A_127, %select_n3A_212 : i32
      %ne3A_214 = arith.constant 0 : i32
      %ne3A_215 = arith.cmpi ne, %rem3A_213, %ne3A_214 : i32
      %lt3A_216 = arith.constant 0 : i32
      %lt3A_217 = arith.cmpi slt, %rem3A_213, %lt3A_216 : i32
      %lt3A_218 = arith.constant 0 : i32
      %lt3A_219 = arith.cmpi slt, %select_n3A_212, %lt3A_218 : i32
      %ne3A_220 = arith.xori %lt3A_217, %lt3A_219 : i1
      %and3A_221 = arith.andi %ne3A_220, %ne3A_215 : i1
      %add3A_222 = arith.addi %rem3A_213, %select_n3A_212 : i32
      %select_n3A_223 = arith.select %and3A_221, %add3A_222, %rem3A_213 : i32
      %dma_start3A_224 = arith.constant 1 : i32
      %dma_start3A_225 = arith.constant 0 : i32
      %dma_start3A_226 = tpu.memref_slice %arg7[%select_n3A_223, %dma_start3A_224, %dma_start3A_225] : memref<3x2x128xi32, #tpu.memory_space<vmem>> -> memref<1x1x128xi32, #tpu.memory_space<vmem>>
      %dma_start3A_227 = tpu.memref_squeeze %dma_start3A_226 : memref<1x1x128xi32, #tpu.memory_space<vmem>> -> memref<128xi32, #tpu.memory_space<vmem>>
      %dma_start3A_228 = arith.constant 0 : i32
      %dma_start3A_229 = arith.constant 0 : i32
      %dma_start3A_230 = tpu.memref_slice %arg10[%dma_start3A_228, %dma_start3A_229] : memref<10240x16xf32, #tpu.memory_space<vmem_shared>> -> memref<10240x16xf32, #tpu.memory_space<vmem_shared>>
      tpu.enqueue_indirect_dma source(%arg8 : memref<128x16xf32, #tpu.memory_space<vmem>>) target(%dma_start3A_230 : memref<10240x16xf32, #tpu.memory_space<vmem_shared>>) offsets(%dma_start3A_227 : memref<128xi32, #tpu.memory_space<vmem>>) semaphore(%arg13 : memref<!tpu.dma_semaphore, #tpu.memory_space<semaphore_mem>>) {add = true}
      %sub3A = arith.constant 1 : i32
      %sub3A_231 = arith.subi %scan3A_127, %sub3A : i32
      %jit3A_232 = arith.constant 3 : i32
      %eq3A_233 = arith.constant 0 : i32
      %eq3A_234 = arith.cmpi eq, %jit3A_232, %eq3A_233 : i32
      %jit3A_235 = arith.constant 1 : i32
      %select_n3A_236 = arith.select %eq3A_234, %jit3A_235, %jit3A_232 : i32
      %rem3A_237 = arith.remsi %sub3A_231, %select_n3A_236 : i32
      %ne3A_238 = arith.constant 0 : i32
      %ne3A_239 = arith.cmpi ne, %rem3A_237, %ne3A_238 : i32
      %lt3A_240 = arith.constant 0 : i32
      %lt3A_241 = arith.cmpi slt, %rem3A_237, %lt3A_240 : i32
      %lt3A_242 = arith.constant 0 : i32
      %lt3A_243 = arith.cmpi slt, %select_n3A_236, %lt3A_242 : i32
      %ne3A_244 = arith.xori %lt3A_241, %lt3A_243 : i1
      %and3A_245 = arith.andi %ne3A_244, %ne3A_239 : i1
      %add3A_246 = arith.addi %rem3A_237, %select_n3A_236 : i32
      %select_n3A_247 = arith.select %and3A_245, %add3A_246, %rem3A_237 : i32
      %dma_wait3A_248 = arith.constant 0 : i32
      %dma_wait3A_249 = arith.constant 0 : i32
      %dma_wait3A_250 = tpu.memref_slice %arg7[%select_n3A_247, %dma_wait3A_248, %dma_wait3A_249] : memref<3x2x128xi32, #tpu.memory_space<vmem>> -> memref<1x1x128xi32, #tpu.memory_space<vmem>>
      %dma_wait3A_251 = tpu.memref_squeeze %dma_wait3A_250 : memref<1x1x128xi32, #tpu.memory_space<vmem>> -> memref<128xi32, #tpu.memory_space<vmem>>
      %dma_wait3A_252 = arith.constant 0 : i32
      %dma_wait3A_253 = arith.constant 0 : i32
      %dma_wait3A_254 = tpu.memref_slice %arg9[%dma_wait3A_252, %dma_wait3A_253] : memref<10240x16xf32, #tpu.memory_space<vmem_shared>> -> memref<10240x16xf32, #tpu.memory_space<vmem_shared>>
      tpu.wait_indirect_dma semaphore(%arg12 : memref<!tpu.dma_semaphore, #tpu.memory_space<semaphore_mem>>) src(%arg8 : memref<128x16xf32, #tpu.memory_space<vmem>>) dst(%dma_wait3A_254 : memref<10240x16xf32, #tpu.memory_space<vmem_shared>>)
      %jit3A_255 = arith.constant 3 : i32
      %eq3A_256 = arith.constant 0 : i32
      %eq3A_257 = arith.cmpi eq, %jit3A_255, %eq3A_256 : i32
      %jit3A_258 = arith.constant 1 : i32
      %select_n3A_259 = arith.select %eq3A_257, %jit3A_258, %jit3A_255 : i32
      %rem3A_260 = arith.remsi %sub3A_231, %select_n3A_259 : i32
      %ne3A_261 = arith.constant 0 : i32
      %ne3A_262 = arith.cmpi ne, %rem3A_260, %ne3A_261 : i32
      %lt3A_263 = arith.constant 0 : i32
      %lt3A_264 = arith.cmpi slt, %rem3A_260, %lt3A_263 : i32
      %lt3A_265 = arith.constant 0 : i32
      %lt3A_266 = arith.cmpi slt, %select_n3A_259, %lt3A_265 : i32
      %ne3A_267 = arith.xori %lt3A_264, %lt3A_266 : i1
      %and3A_268 = arith.andi %ne3A_267, %ne3A_262 : i1
      %add3A_269 = arith.addi %rem3A_260, %select_n3A_259 : i32
      %select_n3A_270 = arith.select %and3A_268, %add3A_269, %rem3A_260 : i32
      %dma_wait3A_271 = arith.constant 1 : i32
      %dma_wait3A_272 = arith.constant 0 : i32
      %dma_wait3A_273 = tpu.memref_slice %arg7[%select_n3A_270, %dma_wait3A_271, %dma_wait3A_272] : memref<3x2x128xi32, #tpu.memory_space<vmem>> -> memref<1x1x128xi32, #tpu.memory_space<vmem>>
      %dma_wait3A_274 = tpu.memref_squeeze %dma_wait3A_273 : memref<1x1x128xi32, #tpu.memory_space<vmem>> -> memref<128xi32, #tpu.memory_space<vmem>>
      %dma_wait3A_275 = arith.constant 0 : i32
      %dma_wait3A_276 = arith.constant 0 : i32
      %dma_wait3A_277 = tpu.memref_slice %arg10[%dma_wait3A_275, %dma_wait3A_276] : memref<10240x16xf32, #tpu.memory_space<vmem_shared>> -> memref<10240x16xf32, #tpu.memory_space<vmem_shared>>
      tpu.wait_indirect_dma semaphore(%arg13 : memref<!tpu.dma_semaphore, #tpu.memory_space<semaphore_mem>>) src(%arg8 : memref<128x16xf32, #tpu.memory_space<vmem>>) dst(%dma_wait3A_277 : memref<10240x16xf32, #tpu.memory_space<vmem_shared>>)
    }
    %scan3A_109 = arith.constant 78 : i32
    %dma_wait3A_110 = arith.constant 0 : i32
    %dma_wait3A_111 = arith.constant 0 : i32
    %dma_wait3A_112 = arith.constant 0 : i32
    %dma_wait3A_113 = tpu.memref_slice %arg7[%dma_wait3A_110, %dma_wait3A_111, %dma_wait3A_112] : memref<3x2x128xi32, #tpu.memory_space<vmem>> -> memref<1x1x128xi32, #tpu.memory_space<vmem>>
    %dma_wait3A_114 = tpu.memref_squeeze %dma_wait3A_113 : memref<1x1x128xi32, #tpu.memory_space<vmem>> -> memref<128xi32, #tpu.memory_space<vmem>>
    %dma_wait3A_115 = arith.constant 0 : i32
    %dma_wait3A_116 = arith.constant 0 : i32
    %dma_wait3A_117 = tpu.memref_slice %arg9[%dma_wait3A_115, %dma_wait3A_116] : memref<10240x16xf32, #tpu.memory_space<vmem_shared>> -> memref<10240x16xf32, #tpu.memory_space<vmem_shared>>
    tpu.wait_indirect_dma semaphore(%arg12 : memref<!tpu.dma_semaphore, #tpu.memory_space<semaphore_mem>>) src(%arg8 : memref<128x16xf32, #tpu.memory_space<vmem>>) dst(%dma_wait3A_117 : memref<10240x16xf32, #tpu.memory_space<vmem_shared>>)
    %dma_wait3A_118 = arith.constant 0 : i32
    %dma_wait3A_119 = arith.constant 1 : i32
    %dma_wait3A_120 = arith.constant 0 : i32
    %dma_wait3A_121 = tpu.memref_slice %arg7[%dma_wait3A_118, %dma_wait3A_119, %dma_wait3A_120] : memref<3x2x128xi32, #tpu.memory_space<vmem>> -> memref<1x1x128xi32, #tpu.memory_space<vmem>>
    %dma_wait3A_122 = tpu.memref_squeeze %dma_wait3A_121 : memref<1x1x128xi32, #tpu.memory_space<vmem>> -> memref<128xi32, #tpu.memory_space<vmem>>
    %dma_wait3A_123 = arith.constant 0 : i32
    %dma_wait3A_124 = arith.constant 0 : i32
    %dma_wait3A_125 = tpu.memref_slice %arg10[%dma_wait3A_123, %dma_wait3A_124] : memref<10240x16xf32, #tpu.memory_space<vmem_shared>> -> memref<10240x16xf32, #tpu.memory_space<vmem_shared>>
    tpu.wait_indirect_dma semaphore(%arg13 : memref<!tpu.dma_semaphore, #tpu.memory_space<semaphore_mem>>) src(%arg8 : memref<128x16xf32, #tpu.memory_space<vmem>>) dst(%dma_wait3A_125 : memref<10240x16xf32, #tpu.memory_space<vmem_shared>>)
    %barrier3A_126 = arith.constant 0 : index
    tpu.barrier barrier_id(%barrier3A_126)
    "tpu.region"() ({
      %run_scoped3A = tpu.sem_alloc : memref<!tpu.dma_semaphore, #tpu.memory_space<semaphore_mem>>
      %dma_start3A_127 = arith.constant 0 : i32
      %dma_start3A_128 = tpu.memref_slice %arg5[%arg0, %mul3A_0, %dma_start3A_127] : memref<2x10240x16xf32, #tpu.memory_space<hbm>> -> memref<1x640x16xf32, #tpu.memory_space<hbm>>
      %dma_start3A_129 = tpu.memref_squeeze %dma_start3A_128 : memref<1x640x16xf32, #tpu.memory_space<hbm>> -> memref<640x16xf32, #tpu.memory_space<hbm>>
      %dma_start3A_130 = arith.constant 0 : i32
      %dma_start3A_131 = tpu.memref_slice %arg9[%mul3A_0, %dma_start3A_130] : memref<10240x16xf32, #tpu.memory_space<vmem_shared>> -> memref<640x16xf32, #tpu.memory_space<vmem_shared>>
      tpu.enqueue_dma source(%dma_start3A_131 : memref<640x16xf32, #tpu.memory_space<vmem_shared>>) target(%dma_start3A_129 : memref<640x16xf32, #tpu.memory_space<hbm>>) target_semaphore(%run_scoped3A : memref<!tpu.dma_semaphore, #tpu.memory_space<semaphore_mem>>)
      %dma_wait3A_132 = arith.constant 0 : i32
      %dma_wait3A_133 = tpu.memref_slice %arg5[%arg0, %mul3A_0, %dma_wait3A_132] : memref<2x10240x16xf32, #tpu.memory_space<hbm>> -> memref<1x640x16xf32, #tpu.memory_space<hbm>>
      %dma_wait3A_134 = tpu.memref_squeeze %dma_wait3A_133 : memref<1x640x16xf32, #tpu.memory_space<hbm>> -> memref<640x16xf32, #tpu.memory_space<hbm>>
      %dma_wait3A_135 = arith.constant 0 : i32
      %dma_wait3A_136 = tpu.memref_slice %arg9[%mul3A_0, %dma_wait3A_135] : memref<10240x16xf32, #tpu.memory_space<vmem_shared>> -> memref<640x16xf32, #tpu.memory_space<vmem_shared>>
      tpu.wait_dma2 semaphore(%run_scoped3A : memref<!tpu.dma_semaphore, #tpu.memory_space<semaphore_mem>>) src(%dma_wait3A_136 : memref<640x16xf32, #tpu.memory_space<vmem_shared>>) dst(%dma_wait3A_134 : memref<640x16xf32, #tpu.memory_space<hbm>>)
      tpu.yield
    }) : () -> ()
    "tpu.region"() ({
      %run_scoped3A = tpu.sem_alloc : memref<!tpu.dma_semaphore, #tpu.memory_space<semaphore_mem>>
      %dma_start3A_127 = arith.constant 0 : i32
      %dma_start3A_128 = tpu.memref_slice %arg6[%arg0, %mul3A_0, %dma_start3A_127] : memref<2x10240x16xf32, #tpu.memory_space<hbm>> -> memref<1x640x16xf32, #tpu.memory_space<hbm>>
      %dma_start3A_129 = tpu.memref_squeeze %dma_start3A_128 : memref<1x640x16xf32, #tpu.memory_space<hbm>> -> memref<640x16xf32, #tpu.memory_space<hbm>>
      %dma_start3A_130 = arith.constant 0 : i32
      %dma_start3A_131 = tpu.memref_slice %arg10[%mul3A_0, %dma_start3A_130] : memref<10240x16xf32, #tpu.memory_space<vmem_shared>> -> memref<640x16xf32, #tpu.memory_space<vmem_shared>>
      tpu.enqueue_dma source(%dma_start3A_131 : memref<640x16xf32, #tpu.memory_space<vmem_shared>>) target(%dma_start3A_129 : memref<640x16xf32, #tpu.memory_space<hbm>>) target_semaphore(%run_scoped3A : memref<!tpu.dma_semaphore, #tpu.memory_space<semaphore_mem>>)
      %dma_wait3A_132 = arith.constant 0 : i32
      %dma_wait3A_133 = tpu.memref_slice %arg6[%arg0, %mul3A_0, %dma_wait3A_132] : memref<2x10240x16xf32, #tpu.memory_space<hbm>> -> memref<1x640x16xf32, #tpu.memory_space<hbm>>
      %dma_wait3A_134 = tpu.memref_squeeze %dma_wait3A_133 : memref<1x640x16xf32, #tpu.memory_space<hbm>> -> memref<640x16xf32, #tpu.memory_space<hbm>>
      %dma_wait3A_135 = arith.constant 0 : i32
      %dma_wait3A_136 = tpu.memref_slice %arg10[%mul3A_0, %dma_wait3A_135] : memref<10240x16xf32, #tpu.memory_space<vmem_shared>> -> memref<640x16xf32, #tpu.memory_space<vmem_shared>>
      tpu.wait_dma2 semaphore(%run_scoped3A : memref<!tpu.dma_semaphore, #tpu.memory_space<semaphore_mem>>) src(%dma_wait3A_136 : memref<640x16xf32, #tpu.memory_space<vmem_shared>>) dst(%dma_wait3A_134 : memref<640x16xf32, #tpu.memory_space<hbm>>)
      tpu.yield
    }) : () -> ()
    return
  }
}

#map = affine_map<(d0, d1) -> (0, 0, 0)>
#map1 = affine_map<(d0, d1) -> (0, 0)>
module attributes {stable_mosaic.version = 14 : i64} {
  func.func @mp(%arg0: i32, %arg1: i32, %arg2: memref<2x10240x64xf32, #tpu.memory_space<hbm>>, %arg3: memref<2x323584xi32, #tpu.memory_space<hbm>>, %arg4: memref<10240x64xf32, #tpu.memory_space<hbm>>, %arg5: memref<2x10240x64xf32, #tpu.memory_space<hbm>>, %arg6: memref<3x2x128xi32, #tpu.memory_space<vmem>>, %arg7: memref<2x128x64xf32, #tpu.memory_space<vmem>>, %arg8: memref<10240x64xf32, #tpu.memory_space<vmem_shared>>, %arg9: memref<10240x64xf32, #tpu.memory_space<vmem_shared>>, %arg10: memref<!tpu.dma_semaphore, #tpu.memory_space<semaphore_mem>>, %arg11: memref<!tpu.dma_semaphore, #tpu.memory_space<semaphore_mem>>) attributes {dimension_semantics = [#tpu.dimension_semantics<core_parallel>, #tpu.dimension_semantics<subcore_parallel>], iteration_bounds = array<i64: 2, 16>, scalar_prefetch = 0 : i64, scratch_operands = 6 : i64, tpu.core_type = #tpu.core_type<sc_vector_subcore>, window_params = [{transform_indices = #map}, {transform_indices = #map1}, {transform_indices = #map1}, {transform_indices = #map}]} {
    %mul3A = arith.constant 640 : i32
    %mul3A_0 = arith.muli %arg1, %mul3A : i32
    %mul3A_1 = arith.constant 158 : i32
    %mul3A_2 = arith.muli %arg1, %mul3A_1 : i32
    %mul3A_3 = arith.constant 128 : i32
    %mul3A_4 = arith.muli %mul3A_2, %mul3A_3 : i32
    %add3A = arith.constant 0 : i32
    %add3A_5 = arith.addi %mul3A_4, %add3A : i32
    %dma_start3A = arith.constant 0 : i32
    %dma_start3A_6 = arith.constant 0 : i32
    %dma_start3A_7 = arith.constant 0 : i32
    %dma_start3A_8 = arith.constant 0 : i32
    %dma_start3A_9 = tpu.memref_slice %arg6[%dma_start3A_6, %dma_start3A_7, %dma_start3A_8] : memref<3x2x128xi32, #tpu.memory_space<vmem>> -> memref<1x1x128xi32, #tpu.memory_space<vmem>>
    %dma_start3A_10 = tpu.memref_squeeze %dma_start3A_9 : memref<1x1x128xi32, #tpu.memory_space<vmem>> -> memref<128xi32, #tpu.memory_space<vmem>>
    %dma_start3A_11 = tpu.memref_slice %arg3[%dma_start3A, %add3A_5] : memref<2x323584xi32, #tpu.memory_space<hbm>> -> memref<1x128xi32, #tpu.memory_space<hbm>>
    %dma_start3A_12 = tpu.memref_squeeze %dma_start3A_11 : memref<1x128xi32, #tpu.memory_space<hbm>> -> memref<128xi32, #tpu.memory_space<hbm>>
    %dma_start3A_13 = arith.constant 0 : i32
    %dma_start3A_14 = tpu.memref_slice %arg6[%dma_start3A_6, %dma_start3A_7, %dma_start3A_13] : memref<3x2x128xi32, #tpu.memory_space<vmem>> -> memref<1x1x128xi32, #tpu.memory_space<vmem>>
    %dma_start3A_15 = tpu.memref_squeeze %dma_start3A_14 : memref<1x1x128xi32, #tpu.memory_space<vmem>> -> memref<128xi32, #tpu.memory_space<vmem>>
    %dma_start3A_16 = tpu.memref_slice %arg3[%dma_start3A, %add3A_5] : memref<2x323584xi32, #tpu.memory_space<hbm>> -> memref<1x128xi32, #tpu.memory_space<hbm>>
    %dma_start3A_17 = tpu.memref_squeeze %dma_start3A_16 : memref<1x128xi32, #tpu.memory_space<hbm>> -> memref<128xi32, #tpu.memory_space<hbm>>
    tpu.enqueue_dma source(%dma_start3A_17 : memref<128xi32, #tpu.memory_space<hbm>>) target(%dma_start3A_15 : memref<128xi32, #tpu.memory_space<vmem>>) target_semaphore(%arg10 : memref<!tpu.dma_semaphore, #tpu.memory_space<semaphore_mem>>)
    %dma_start3A_18 = arith.constant 1 : i32
    %dma_start3A_19 = arith.constant 0 : i32
    %dma_start3A_20 = arith.constant 1 : i32
    %dma_start3A_21 = arith.constant 0 : i32
    %dma_start3A_22 = tpu.memref_slice %arg6[%dma_start3A_19, %dma_start3A_20, %dma_start3A_21] : memref<3x2x128xi32, #tpu.memory_space<vmem>> -> memref<1x1x128xi32, #tpu.memory_space<vmem>>
    %dma_start3A_23 = tpu.memref_squeeze %dma_start3A_22 : memref<1x1x128xi32, #tpu.memory_space<vmem>> -> memref<128xi32, #tpu.memory_space<vmem>>
    %dma_start3A_24 = tpu.memref_slice %arg3[%dma_start3A_18, %add3A_5] : memref<2x323584xi32, #tpu.memory_space<hbm>> -> memref<1x128xi32, #tpu.memory_space<hbm>>
    %dma_start3A_25 = tpu.memref_squeeze %dma_start3A_24 : memref<1x128xi32, #tpu.memory_space<hbm>> -> memref<128xi32, #tpu.memory_space<hbm>>
    %dma_start3A_26 = arith.constant 0 : i32
    %dma_start3A_27 = tpu.memref_slice %arg6[%dma_start3A_19, %dma_start3A_20, %dma_start3A_26] : memref<3x2x128xi32, #tpu.memory_space<vmem>> -> memref<1x1x128xi32, #tpu.memory_space<vmem>>
    %dma_start3A_28 = tpu.memref_squeeze %dma_start3A_27 : memref<1x1x128xi32, #tpu.memory_space<vmem>> -> memref<128xi32, #tpu.memory_space<vmem>>
    %dma_start3A_29 = tpu.memref_slice %arg3[%dma_start3A_18, %add3A_5] : memref<2x323584xi32, #tpu.memory_space<hbm>> -> memref<1x128xi32, #tpu.memory_space<hbm>>
    %dma_start3A_30 = tpu.memref_squeeze %dma_start3A_29 : memref<1x128xi32, #tpu.memory_space<hbm>> -> memref<128xi32, #tpu.memory_space<hbm>>
    tpu.enqueue_dma source(%dma_start3A_30 : memref<128xi32, #tpu.memory_space<hbm>>) target(%dma_start3A_28 : memref<128xi32, #tpu.memory_space<vmem>>) target_semaphore(%arg10 : memref<!tpu.dma_semaphore, #tpu.memory_space<semaphore_mem>>)
    %add3A_31 = arith.constant 128 : i32
    %add3A_32 = arith.addi %mul3A_4, %add3A_31 : i32
    %dma_start3A_33 = arith.constant 0 : i32
    %dma_start3A_34 = arith.constant 1 : i32
    %dma_start3A_35 = arith.constant 0 : i32
    %dma_start3A_36 = arith.constant 0 : i32
    %dma_start3A_37 = tpu.memref_slice %arg6[%dma_start3A_34, %dma_start3A_35, %dma_start3A_36] : memref<3x2x128xi32, #tpu.memory_space<vmem>> -> memref<1x1x128xi32, #tpu.memory_space<vmem>>
    %dma_start3A_38 = tpu.memref_squeeze %dma_start3A_37 : memref<1x1x128xi32, #tpu.memory_space<vmem>> -> memref<128xi32, #tpu.memory_space<vmem>>
    %dma_start3A_39 = tpu.memref_slice %arg3[%dma_start3A_33, %add3A_32] : memref<2x323584xi32, #tpu.memory_space<hbm>> -> memref<1x128xi32, #tpu.memory_space<hbm>>
    %dma_start3A_40 = tpu.memref_squeeze %dma_start3A_39 : memref<1x128xi32, #tpu.memory_space<hbm>> -> memref<128xi32, #tpu.memory_space<hbm>>
    %dma_start3A_41 = arith.constant 0 : i32
    %dma_start3A_42 = tpu.memref_slice %arg6[%dma_start3A_34, %dma_start3A_35, %dma_start3A_41] : memref<3x2x128xi32, #tpu.memory_space<vmem>> -> memref<1x1x128xi32, #tpu.memory_space<vmem>>
    %dma_start3A_43 = tpu.memref_squeeze %dma_start3A_42 : memref<1x1x128xi32, #tpu.memory_space<vmem>> -> memref<128xi32, #tpu.memory_space<vmem>>
    %dma_start3A_44 = tpu.memref_slice %arg3[%dma_start3A_33, %add3A_32] : memref<2x323584xi32, #tpu.memory_space<hbm>> -> memref<1x128xi32, #tpu.memory_space<hbm>>
    %dma_start3A_45 = tpu.memref_squeeze %dma_start3A_44 : memref<1x128xi32, #tpu.memory_space<hbm>> -> memref<128xi32, #tpu.memory_space<hbm>>
    tpu.enqueue_dma source(%dma_start3A_45 : memref<128xi32, #tpu.memory_space<hbm>>) target(%dma_start3A_43 : memref<128xi32, #tpu.memory_space<vmem>>) target_semaphore(%arg10 : memref<!tpu.dma_semaphore, #tpu.memory_space<semaphore_mem>>)
    %dma_start3A_46 = arith.constant 1 : i32
    %dma_start3A_47 = arith.constant 1 : i32
    %dma_start3A_48 = arith.constant 1 : i32
    %dma_start3A_49 = arith.constant 0 : i32
    %dma_start3A_50 = tpu.memref_slice %arg6[%dma_start3A_47, %dma_start3A_48, %dma_start3A_49] : memref<3x2x128xi32, #tpu.memory_space<vmem>> -> memref<1x1x128xi32, #tpu.memory_space<vmem>>
    %dma_start3A_51 = tpu.memref_squeeze %dma_start3A_50 : memref<1x1x128xi32, #tpu.memory_space<vmem>> -> memref<128xi32, #tpu.memory_space<vmem>>
    %dma_start3A_52 = tpu.memref_slice %arg3[%dma_start3A_46, %add3A_32] : memref<2x323584xi32, #tpu.memory_space<hbm>> -> memref<1x128xi32, #tpu.memory_space<hbm>>
    %dma_start3A_53 = tpu.memref_squeeze %dma_start3A_52 : memref<1x128xi32, #tpu.memory_space<hbm>> -> memref<128xi32, #tpu.memory_space<hbm>>
    %dma_start3A_54 = arith.constant 0 : i32
    %dma_start3A_55 = tpu.memref_slice %arg6[%dma_start3A_47, %dma_start3A_48, %dma_start3A_54] : memref<3x2x128xi32, #tpu.memory_space<vmem>> -> memref<1x1x128xi32, #tpu.memory_space<vmem>>
    %dma_start3A_56 = tpu.memref_squeeze %dma_start3A_55 : memref<1x1x128xi32, #tpu.memory_space<vmem>> -> memref<128xi32, #tpu.memory_space<vmem>>
    %dma_start3A_57 = tpu.memref_slice %arg3[%dma_start3A_46, %add3A_32] : memref<2x323584xi32, #tpu.memory_space<hbm>> -> memref<1x128xi32, #tpu.memory_space<hbm>>
    %dma_start3A_58 = tpu.memref_squeeze %dma_start3A_57 : memref<1x128xi32, #tpu.memory_space<hbm>> -> memref<128xi32, #tpu.memory_space<hbm>>
    tpu.enqueue_dma source(%dma_start3A_58 : memref<128xi32, #tpu.memory_space<hbm>>) target(%dma_start3A_56 : memref<128xi32, #tpu.memory_space<vmem>>) target_semaphore(%arg10 : memref<!tpu.dma_semaphore, #tpu.memory_space<semaphore_mem>>)
    "tpu.region"() ({
      %run_scoped3A = tpu.sem_alloc : memref<!tpu.dma_semaphore, #tpu.memory_space<semaphore_mem>>
      %dma_start3A_105 = arith.constant 0 : i32
      %dma_start3A_106 = tpu.memref_slice %arg8[%mul3A_0, %dma_start3A_105] : memref<10240x64xf32, #tpu.memory_space<vmem_shared>> -> memref<640x64xf32, #tpu.memory_space<vmem_shared>>
      %dma_start3A_107 = arith.constant 0 : i32
      %dma_start3A_108 = tpu.memref_slice %arg2[%arg0, %mul3A_0, %dma_start3A_107] : memref<2x10240x64xf32, #tpu.memory_space<hbm>> -> memref<1x640x64xf32, #tpu.memory_space<hbm>>
      %dma_start3A_109 = tpu.memref_squeeze %dma_start3A_108 : memref<1x640x64xf32, #tpu.memory_space<hbm>> -> memref<640x64xf32, #tpu.memory_space<hbm>>
      tpu.enqueue_dma source(%dma_start3A_109 : memref<640x64xf32, #tpu.memory_space<hbm>>) target(%dma_start3A_106 : memref<640x64xf32, #tpu.memory_space<vmem_shared>>) target_semaphore(%run_scoped3A : memref<!tpu.dma_semaphore, #tpu.memory_space<semaphore_mem>>)
      %dma_wait3A_110 = arith.constant 0 : i32
      %dma_wait3A_111 = tpu.memref_slice %arg8[%mul3A_0, %dma_wait3A_110] : memref<10240x64xf32, #tpu.memory_space<vmem_shared>> -> memref<640x64xf32, #tpu.memory_space<vmem_shared>>
      %dma_wait3A_112 = arith.constant 0 : i32
      %dma_wait3A_113 = tpu.memref_slice %arg2[%arg0, %mul3A_0, %dma_wait3A_112] : memref<2x10240x64xf32, #tpu.memory_space<hbm>> -> memref<1x640x64xf32, #tpu.memory_space<hbm>>
      %dma_wait3A_114 = tpu.memref_squeeze %dma_wait3A_113 : memref<1x640x64xf32, #tpu.memory_space<hbm>> -> memref<640x64xf32, #tpu.memory_space<hbm>>
      tpu.wait_dma2 semaphore(%run_scoped3A : memref<!tpu.dma_semaphore, #tpu.memory_space<semaphore_mem>>) src(%dma_wait3A_114 : memref<640x64xf32, #tpu.memory_space<hbm>>) dst(%dma_wait3A_111 : memref<640x64xf32, #tpu.memory_space<vmem_shared>>)
      tpu.yield
    }) : () -> ()
    "tpu.region"() ({
      %run_scoped3A = tpu.sem_alloc : memref<!tpu.dma_semaphore, #tpu.memory_space<semaphore_mem>>
      %dma_start3A_105 = arith.constant 0 : i32
      %dma_start3A_106 = tpu.memref_slice %arg9[%mul3A_0, %dma_start3A_105] : memref<10240x64xf32, #tpu.memory_space<vmem_shared>> -> memref<640x64xf32, #tpu.memory_space<vmem_shared>>
      %dma_start3A_107 = arith.constant 0 : i32
      %dma_start3A_108 = tpu.memref_slice %arg4[%mul3A_0, %dma_start3A_107] : memref<10240x64xf32, #tpu.memory_space<hbm>> -> memref<640x64xf32, #tpu.memory_space<hbm>>
      tpu.enqueue_dma source(%dma_start3A_108 : memref<640x64xf32, #tpu.memory_space<hbm>>) target(%dma_start3A_106 : memref<640x64xf32, #tpu.memory_space<vmem_shared>>) target_semaphore(%run_scoped3A : memref<!tpu.dma_semaphore, #tpu.memory_space<semaphore_mem>>)
      %dma_wait3A_109 = arith.constant 0 : i32
      %dma_wait3A_110 = tpu.memref_slice %arg9[%mul3A_0, %dma_wait3A_109] : memref<10240x64xf32, #tpu.memory_space<vmem_shared>> -> memref<640x64xf32, #tpu.memory_space<vmem_shared>>
      %dma_wait3A_111 = arith.constant 0 : i32
      %dma_wait3A_112 = tpu.memref_slice %arg4[%mul3A_0, %dma_wait3A_111] : memref<10240x64xf32, #tpu.memory_space<hbm>> -> memref<640x64xf32, #tpu.memory_space<hbm>>
      tpu.wait_dma2 semaphore(%run_scoped3A : memref<!tpu.dma_semaphore, #tpu.memory_space<semaphore_mem>>) src(%dma_wait3A_112 : memref<640x64xf32, #tpu.memory_space<hbm>>) dst(%dma_wait3A_110 : memref<640x64xf32, #tpu.memory_space<vmem_shared>>)
      tpu.yield
    }) : () -> ()
    %barrier3A = arith.constant 0 : index
    tpu.barrier barrier_id(%barrier3A)
    %add3A_59 = arith.constant 0 : i32
    %add3A_60 = arith.addi %mul3A_4, %add3A_59 : i32
    %dma_wait3A = arith.constant 0 : i32
    %dma_wait3A_61 = arith.constant 0 : i32
    %dma_wait3A_62 = arith.constant 0 : i32
    %dma_wait3A_63 = arith.constant 0 : i32
    %dma_wait3A_64 = tpu.memref_slice %arg6[%dma_wait3A_61, %dma_wait3A_62, %dma_wait3A_63] : memref<3x2x128xi32, #tpu.memory_space<vmem>> -> memref<1x1x128xi32, #tpu.memory_space<vmem>>
    %dma_wait3A_65 = tpu.memref_squeeze %dma_wait3A_64 : memref<1x1x128xi32, #tpu.memory_space<vmem>> -> memref<128xi32, #tpu.memory_space<vmem>>
    %dma_wait3A_66 = tpu.memref_slice %arg3[%dma_wait3A, %add3A_60] : memref<2x323584xi32, #tpu.memory_space<hbm>> -> memref<1x128xi32, #tpu.memory_space<hbm>>
    %dma_wait3A_67 = tpu.memref_squeeze %dma_wait3A_66 : memref<1x128xi32, #tpu.memory_space<hbm>> -> memref<128xi32, #tpu.memory_space<hbm>>
    %dma_wait3A_68 = arith.constant 0 : i32
    %dma_wait3A_69 = tpu.memref_slice %arg6[%dma_wait3A_61, %dma_wait3A_62, %dma_wait3A_68] : memref<3x2x128xi32, #tpu.memory_space<vmem>> -> memref<1x1x128xi32, #tpu.memory_space<vmem>>
    %dma_wait3A_70 = tpu.memref_squeeze %dma_wait3A_69 : memref<1x1x128xi32, #tpu.memory_space<vmem>> -> memref<128xi32, #tpu.memory_space<vmem>>
    %dma_wait3A_71 = tpu.memref_slice %arg3[%dma_wait3A, %add3A_60] : memref<2x323584xi32, #tpu.memory_space<hbm>> -> memref<1x128xi32, #tpu.memory_space<hbm>>
    %dma_wait3A_72 = tpu.memref_squeeze %dma_wait3A_71 : memref<1x128xi32, #tpu.memory_space<hbm>> -> memref<128xi32, #tpu.memory_space<hbm>>
    tpu.wait_dma2 semaphore(%arg10 : memref<!tpu.dma_semaphore, #tpu.memory_space<semaphore_mem>>) src(%dma_wait3A_72 : memref<128xi32, #tpu.memory_space<hbm>>) dst(%dma_wait3A_70 : memref<128xi32, #tpu.memory_space<vmem>>)
    %dma_wait3A_73 = arith.constant 1 : i32
    %dma_wait3A_74 = arith.constant 0 : i32
    %dma_wait3A_75 = arith.constant 1 : i32
    %dma_wait3A_76 = arith.constant 0 : i32
    %dma_wait3A_77 = tpu.memref_slice %arg6[%dma_wait3A_74, %dma_wait3A_75, %dma_wait3A_76] : memref<3x2x128xi32, #tpu.memory_space<vmem>> -> memref<1x1x128xi32, #tpu.memory_space<vmem>>
    %dma_wait3A_78 = tpu.memref_squeeze %dma_wait3A_77 : memref<1x1x128xi32, #tpu.memory_space<vmem>> -> memref<128xi32, #tpu.memory_space<vmem>>
    %dma_wait3A_79 = tpu.memref_slice %arg3[%dma_wait3A_73, %add3A_60] : memref<2x323584xi32, #tpu.memory_space<hbm>> -> memref<1x128xi32, #tpu.memory_space<hbm>>
    %dma_wait3A_80 = tpu.memref_squeeze %dma_wait3A_79 : memref<1x128xi32, #tpu.memory_space<hbm>> -> memref<128xi32, #tpu.memory_space<hbm>>
    %dma_wait3A_81 = arith.constant 0 : i32
    %dma_wait3A_82 = tpu.memref_slice %arg6[%dma_wait3A_74, %dma_wait3A_75, %dma_wait3A_81] : memref<3x2x128xi32, #tpu.memory_space<vmem>> -> memref<1x1x128xi32, #tpu.memory_space<vmem>>
    %dma_wait3A_83 = tpu.memref_squeeze %dma_wait3A_82 : memref<1x1x128xi32, #tpu.memory_space<vmem>> -> memref<128xi32, #tpu.memory_space<vmem>>
    %dma_wait3A_84 = tpu.memref_slice %arg3[%dma_wait3A_73, %add3A_60] : memref<2x323584xi32, #tpu.memory_space<hbm>> -> memref<1x128xi32, #tpu.memory_space<hbm>>
    %dma_wait3A_85 = tpu.memref_squeeze %dma_wait3A_84 : memref<1x128xi32, #tpu.memory_space<hbm>> -> memref<128xi32, #tpu.memory_space<hbm>>
    tpu.wait_dma2 semaphore(%arg10 : memref<!tpu.dma_semaphore, #tpu.memory_space<semaphore_mem>>) src(%dma_wait3A_85 : memref<128xi32, #tpu.memory_space<hbm>>) dst(%dma_wait3A_83 : memref<128xi32, #tpu.memory_space<vmem>>)
    %dma_start3A_86 = arith.constant 0 : i32
    %dma_start3A_87 = arith.constant 0 : i32
    %dma_start3A_88 = arith.constant 0 : i32
    %dma_start3A_89 = arith.constant 0 : i32
    %dma_start3A_90 = arith.constant 0 : i32
    %dma_start3A_91 = tpu.memref_slice %arg7[%dma_start3A_88, %dma_start3A_89, %dma_start3A_90] : memref<2x128x64xf32, #tpu.memory_space<vmem>> -> memref<1x128x64xf32, #tpu.memory_space<vmem>>
    %dma_start3A_92 = tpu.memref_squeeze %dma_start3A_91 : memref<1x128x64xf32, #tpu.memory_space<vmem>> -> memref<128x64xf32, #tpu.memory_space<vmem>>
    %dma_start3A_93 = arith.constant 0 : i32
    %dma_start3A_94 = tpu.memref_slice %arg6[%dma_start3A_86, %dma_start3A_87, %dma_start3A_93] : memref<3x2x128xi32, #tpu.memory_space<vmem>> -> memref<1x1x128xi32, #tpu.memory_space<vmem>>
    %dma_start3A_95 = tpu.memref_squeeze %dma_start3A_94 : memref<1x1x128xi32, #tpu.memory_space<vmem>> -> memref<128xi32, #tpu.memory_space<vmem>>
    %dma_start3A_96 = arith.constant 0 : i32
    %dma_start3A_97 = arith.constant 0 : i32
    %dma_start3A_98 = tpu.memref_slice %arg8[%dma_start3A_96, %dma_start3A_97] : memref<10240x64xf32, #tpu.memory_space<vmem_shared>> -> memref<10240x64xf32, #tpu.memory_space<vmem_shared>>
    tpu.enqueue_indirect_dma source(%dma_start3A_98 : memref<10240x64xf32, #tpu.memory_space<vmem_shared>>) target(%dma_start3A_92 : memref<128x64xf32, #tpu.memory_space<vmem>>) offsets(%dma_start3A_95 : memref<128xi32, #tpu.memory_space<vmem>>) semaphore(%arg11 : memref<!tpu.dma_semaphore, #tpu.memory_space<semaphore_mem>>)
    %scan3A = arith.constant 0 : i32
    %scan3A_99 = arith.constant 0 : i32
    %scan3A_100 = arith.constant 158 : i32
    %scan3A_101 = arith.addi %scan3A_99, %scan3A_100 : i32
    %scan3A_102 = arith.constant 1 : i32
    scf.for %scan3A_105 = %scan3A_99 to %scan3A_101 step %scan3A_102  : i32 {
      %jit3A = arith.constant 3 : i32
      %eq3A = arith.constant 0 : i32
      %eq3A_106 = arith.cmpi eq, %jit3A, %eq3A : i32
      %jit3A_107 = arith.constant 1 : i32
      %select_n3A = arith.select %eq3A_106, %jit3A_107, %jit3A : i32
      %rem3A = arith.remsi %scan3A_105, %select_n3A : i32
      %ne3A = arith.constant 0 : i32
      %ne3A_108 = arith.cmpi ne, %rem3A, %ne3A : i32
      %lt3A = arith.constant 0 : i32
      %lt3A_109 = arith.cmpi slt, %rem3A, %lt3A : i32
      %lt3A_110 = arith.constant 0 : i32
      %lt3A_111 = arith.cmpi slt, %select_n3A, %lt3A_110 : i32
      %ne3A_112 = arith.xori %lt3A_109, %lt3A_111 : i1
      %and3A = arith.andi %ne3A_112, %ne3A_108 : i1
      %add3A_113 = arith.addi %rem3A, %select_n3A : i32
      %select_n3A_114 = arith.select %and3A, %add3A_113, %rem3A : i32
      %jit3A_115 = arith.constant 2 : i32
      %eq3A_116 = arith.constant 0 : i32
      %eq3A_117 = arith.cmpi eq, %jit3A_115, %eq3A_116 : i32
      %jit3A_118 = arith.constant 1 : i32
      %select_n3A_119 = arith.select %eq3A_117, %jit3A_118, %jit3A_115 : i32
      %rem3A_120 = arith.remsi %scan3A_105, %select_n3A_119 : i32
      %ne3A_121 = arith.constant 0 : i32
      %ne3A_122 = arith.cmpi ne, %rem3A_120, %ne3A_121 : i32
      %lt3A_123 = arith.constant 0 : i32
      %lt3A_124 = arith.cmpi slt, %rem3A_120, %lt3A_123 : i32
      %lt3A_125 = arith.constant 0 : i32
      %lt3A_126 = arith.cmpi slt, %select_n3A_119, %lt3A_125 : i32
      %ne3A_127 = arith.xori %lt3A_124, %lt3A_126 : i1
      %and3A_128 = arith.andi %ne3A_127, %ne3A_122 : i1
      %add3A_129 = arith.addi %rem3A_120, %select_n3A_119 : i32
      %select_n3A_130 = arith.select %and3A_128, %add3A_129, %rem3A_120 : i32
      %dma_wait3A_131 = arith.constant 0 : i32
      %dma_wait3A_132 = arith.constant 0 : i32
      %dma_wait3A_133 = arith.constant 0 : i32
      %dma_wait3A_134 = tpu.memref_slice %arg7[%select_n3A_130, %dma_wait3A_132, %dma_wait3A_133] : memref<2x128x64xf32, #tpu.memory_space<vmem>> -> memref<1x128x64xf32, #tpu.memory_space<vmem>>
      %dma_wait3A_135 = tpu.memref_squeeze %dma_wait3A_134 : memref<1x128x64xf32, #tpu.memory_space<vmem>> -> memref<128x64xf32, #tpu.memory_space<vmem>>
      %dma_wait3A_136 = arith.constant 0 : i32
      %dma_wait3A_137 = tpu.memref_slice %arg6[%select_n3A_114, %dma_wait3A_131, %dma_wait3A_136] : memref<3x2x128xi32, #tpu.memory_space<vmem>> -> memref<1x1x128xi32, #tpu.memory_space<vmem>>
      %dma_wait3A_138 = tpu.memref_squeeze %dma_wait3A_137 : memref<1x1x128xi32, #tpu.memory_space<vmem>> -> memref<128xi32, #tpu.memory_space<vmem>>
      %dma_wait3A_139 = arith.constant 0 : i32
      %dma_wait3A_140 = arith.constant 0 : i32
      %dma_wait3A_141 = tpu.memref_slice %arg8[%dma_wait3A_139, %dma_wait3A_140] : memref<10240x64xf32, #tpu.memory_space<vmem_shared>> -> memref<10240x64xf32, #tpu.memory_space<vmem_shared>>
      tpu.wait_indirect_dma semaphore(%arg11 : memref<!tpu.dma_semaphore, #tpu.memory_space<semaphore_mem>>) src(%dma_wait3A_141 : memref<10240x64xf32, #tpu.memory_space<vmem_shared>>) dst(%dma_wait3A_135 : memref<128x64xf32, #tpu.memory_space<vmem>>)
      %jit3A_142 = arith.constant 2 : i32
      %eq3A_143 = arith.constant 0 : i32
      %eq3A_144 = arith.cmpi eq, %jit3A_142, %eq3A_143 : i32
      %jit3A_145 = arith.constant 1 : i32
      %select_n3A_146 = arith.select %eq3A_144, %jit3A_145, %jit3A_142 : i32
      %rem3A_147 = arith.remsi %scan3A_105, %select_n3A_146 : i32
      %ne3A_148 = arith.constant 0 : i32
      %ne3A_149 = arith.cmpi ne, %rem3A_147, %ne3A_148 : i32
      %lt3A_150 = arith.constant 0 : i32
      %lt3A_151 = arith.cmpi slt, %rem3A_147, %lt3A_150 : i32
      %lt3A_152 = arith.constant 0 : i32
      %lt3A_153 = arith.cmpi slt, %select_n3A_146, %lt3A_152 : i32
      %ne3A_154 = arith.xori %lt3A_151, %lt3A_153 : i1
      %and3A_155 = arith.andi %ne3A_154, %ne3A_149 : i1
      %add3A_156 = arith.addi %rem3A_147, %select_n3A_146 : i32
      %select_n3A_157 = arith.select %and3A_155, %add3A_156, %rem3A_147 : i32
      %jit3A_158 = arith.constant 3 : i32
      %eq3A_159 = arith.constant 0 : i32
      %eq3A_160 = arith.cmpi eq, %jit3A_158, %eq3A_159 : i32
      %jit3A_161 = arith.constant 1 : i32
      %select_n3A_162 = arith.select %eq3A_160, %jit3A_161, %jit3A_158 : i32
      %rem3A_163 = arith.remsi %scan3A_105, %select_n3A_162 : i32
      %ne3A_164 = arith.constant 0 : i32
      %ne3A_165 = arith.cmpi ne, %rem3A_163, %ne3A_164 : i32
      %lt3A_166 = arith.constant 0 : i32
      %lt3A_167 = arith.cmpi slt, %rem3A_163, %lt3A_166 : i32
      %lt3A_168 = arith.constant 0 : i32
      %lt3A_169 = arith.cmpi slt, %select_n3A_162, %lt3A_168 : i32
      %ne3A_170 = arith.xori %lt3A_167, %lt3A_169 : i1
      %and3A_171 = arith.andi %ne3A_170, %ne3A_165 : i1
      %add3A_172 = arith.addi %rem3A_163, %select_n3A_162 : i32
      %select_n3A_173 = arith.select %and3A_171, %add3A_172, %rem3A_163 : i32
      %run_scoped3A = arith.constant 1 : i32
      "tpu.region"() ({
        %run_scoped3A_186 = tpu.sem_alloc : memref<!tpu.dma_semaphore, #tpu.memory_space<semaphore_mem>>
        %dma_start3A_187 = arith.constant 0 : i32
        %dma_start3A_188 = arith.constant 0 : i32
        %dma_start3A_189 = tpu.memref_slice %arg7[%select_n3A_157, %dma_start3A_187, %dma_start3A_188] : memref<2x128x64xf32, #tpu.memory_space<vmem>> -> memref<1x128x64xf32, #tpu.memory_space<vmem>>
        %dma_start3A_190 = tpu.memref_squeeze %dma_start3A_189 : memref<1x128x64xf32, #tpu.memory_space<vmem>> -> memref<128x64xf32, #tpu.memory_space<vmem>>
        %dma_start3A_191 = arith.constant 0 : i32
        %dma_start3A_192 = tpu.memref_slice %arg6[%select_n3A_173, %run_scoped3A, %dma_start3A_191] : memref<3x2x128xi32, #tpu.memory_space<vmem>> -> memref<1x1x128xi32, #tpu.memory_space<vmem>>
        %dma_start3A_193 = tpu.memref_squeeze %dma_start3A_192 : memref<1x1x128xi32, #tpu.memory_space<vmem>> -> memref<128xi32, #tpu.memory_space<vmem>>
        %dma_start3A_194 = arith.constant 0 : i32
        %dma_start3A_195 = arith.constant 0 : i32
        %dma_start3A_196 = tpu.memref_slice %arg9[%dma_start3A_194, %dma_start3A_195] : memref<10240x64xf32, #tpu.memory_space<vmem_shared>> -> memref<10240x64xf32, #tpu.memory_space<vmem_shared>>
        tpu.enqueue_indirect_dma source(%dma_start3A_190 : memref<128x64xf32, #tpu.memory_space<vmem>>) target(%dma_start3A_196 : memref<10240x64xf32, #tpu.memory_space<vmem_shared>>) offsets(%dma_start3A_193 : memref<128xi32, #tpu.memory_space<vmem>>) semaphore(%run_scoped3A_186 : memref<!tpu.dma_semaphore, #tpu.memory_space<semaphore_mem>>) {add = true}
        %dma_wait3A_197 = arith.constant 0 : i32
        %dma_wait3A_198 = arith.constant 0 : i32
        %dma_wait3A_199 = tpu.memref_slice %arg7[%select_n3A_157, %dma_wait3A_197, %dma_wait3A_198] : memref<2x128x64xf32, #tpu.memory_space<vmem>> -> memref<1x128x64xf32, #tpu.memory_space<vmem>>
        %dma_wait3A_200 = tpu.memref_squeeze %dma_wait3A_199 : memref<1x128x64xf32, #tpu.memory_space<vmem>> -> memref<128x64xf32, #tpu.memory_space<vmem>>
        %dma_wait3A_201 = arith.constant 0 : i32
        %dma_wait3A_202 = tpu.memref_slice %arg6[%select_n3A_173, %run_scoped3A, %dma_wait3A_201] : memref<3x2x128xi32, #tpu.memory_space<vmem>> -> memref<1x1x128xi32, #tpu.memory_space<vmem>>
        %dma_wait3A_203 = tpu.memref_squeeze %dma_wait3A_202 : memref<1x1x128xi32, #tpu.memory_space<vmem>> -> memref<128xi32, #tpu.memory_space<vmem>>
        %dma_wait3A_204 = arith.constant 0 : i32
        %dma_wait3A_205 = arith.constant 0 : i32
        %dma_wait3A_206 = tpu.memref_slice %arg9[%dma_wait3A_204, %dma_wait3A_205] : memref<10240x64xf32, #tpu.memory_space<vmem_shared>> -> memref<10240x64xf32, #tpu.memory_space<vmem_shared>>
        tpu.wait_indirect_dma semaphore(%run_scoped3A_186 : memref<!tpu.dma_semaphore, #tpu.memory_space<semaphore_mem>>) src(%dma_wait3A_200 : memref<128x64xf32, #tpu.memory_space<vmem>>) dst(%dma_wait3A_206 : memref<10240x64xf32, #tpu.memory_space<vmem_shared>>)
        tpu.yield
      }) : () -> ()
      %add3A_174 = arith.constant 2 : i32
      %add3A_175 = arith.addi %scan3A_105, %add3A_174 : i32
      %lt3A_176 = arith.constant 158 : i32
      %lt3A_177 = arith.cmpi slt, %add3A_175, %lt3A_176 : i32
      %convert_element_type3A = arith.extui %lt3A_177 : i1 to i32
      %cond3A = arith.constant 0 : i32
      %cond3A_178 = arith.cmpi ne, %convert_element_type3A, %cond3A : i32
      scf.if %cond3A_178 {
        %add3A_186 = arith.constant 2 : i32
        %add3A_187 = arith.addi %scan3A_105, %add3A_186 : i32
        %mul3A_188 = arith.constant 128 : i32
        %mul3A_189 = arith.muli %add3A_187, %mul3A_188 : i32
        %add3A_190 = arith.addi %mul3A_4, %mul3A_189 : i32
        %jit3A_191 = arith.constant 3 : i32
        %eq3A_192 = arith.constant 0 : i32
        %eq3A_193 = arith.cmpi eq, %jit3A_191, %eq3A_192 : i32
        %jit3A_194 = arith.constant 1 : i32
        %select_n3A_195 = arith.select %eq3A_193, %jit3A_194, %jit3A_191 : i32
        %rem3A_196 = arith.remsi %add3A_187, %select_n3A_195 : i32
        %ne3A_197 = arith.constant 0 : i32
        %ne3A_198 = arith.cmpi ne, %rem3A_196, %ne3A_197 : i32
        %lt3A_199 = arith.constant 0 : i32
        %lt3A_200 = arith.cmpi slt, %rem3A_196, %lt3A_199 : i32
        %lt3A_201 = arith.constant 0 : i32
        %lt3A_202 = arith.cmpi slt, %select_n3A_195, %lt3A_201 : i32
        %ne3A_203 = arith.xori %lt3A_200, %lt3A_202 : i1
        %and3A_204 = arith.andi %ne3A_203, %ne3A_198 : i1
        %add3A_205 = arith.addi %rem3A_196, %select_n3A_195 : i32
        %select_n3A_206 = arith.select %and3A_204, %add3A_205, %rem3A_196 : i32
        %dma_start3A_207 = arith.constant 0 : i32
        %dma_start3A_208 = arith.constant 0 : i32
        %dma_start3A_209 = arith.constant 0 : i32
        %dma_start3A_210 = tpu.memref_slice %arg6[%select_n3A_206, %dma_start3A_208, %dma_start3A_209] : memref<3x2x128xi32, #tpu.memory_space<vmem>> -> memref<1x1x128xi32, #tpu.memory_space<vmem>>
        %dma_start3A_211 = tpu.memref_squeeze %dma_start3A_210 : memref<1x1x128xi32, #tpu.memory_space<vmem>> -> memref<128xi32, #tpu.memory_space<vmem>>
        %dma_start3A_212 = tpu.memref_slice %arg3[%dma_start3A_207, %add3A_190] : memref<2x323584xi32, #tpu.memory_space<hbm>> -> memref<1x128xi32, #tpu.memory_space<hbm>>
        %dma_start3A_213 = tpu.memref_squeeze %dma_start3A_212 : memref<1x128xi32, #tpu.memory_space<hbm>> -> memref<128xi32, #tpu.memory_space<hbm>>
        %dma_start3A_214 = arith.constant 0 : i32
        %dma_start3A_215 = tpu.memref_slice %arg6[%select_n3A_206, %dma_start3A_208, %dma_start3A_214] : memref<3x2x128xi32, #tpu.memory_space<vmem>> -> memref<1x1x128xi32, #tpu.memory_space<vmem>>
        %dma_start3A_216 = tpu.memref_squeeze %dma_start3A_215 : memref<1x1x128xi32, #tpu.memory_space<vmem>> -> memref<128xi32, #tpu.memory_space<vmem>>
        %dma_start3A_217 = tpu.memref_slice %arg3[%dma_start3A_207, %add3A_190] : memref<2x323584xi32, #tpu.memory_space<hbm>> -> memref<1x128xi32, #tpu.memory_space<hbm>>
        %dma_start3A_218 = tpu.memref_squeeze %dma_start3A_217 : memref<1x128xi32, #tpu.memory_space<hbm>> -> memref<128xi32, #tpu.memory_space<hbm>>
        tpu.enqueue_dma source(%dma_start3A_218 : memref<128xi32, #tpu.memory_space<hbm>>) target(%dma_start3A_216 : memref<128xi32, #tpu.memory_space<vmem>>) target_semaphore(%arg10 : memref<!tpu.dma_semaphore, #tpu.memory_space<semaphore_mem>>)
        %jit3A_219 = arith.constant 3 : i32
        %eq3A_220 = arith.constant 0 : i32
        %eq3A_221 = arith.cmpi eq, %jit3A_219, %eq3A_220 : i32
        %jit3A_222 = arith.constant 1 : i32
        %select_n3A_223 = arith.select %eq3A_221, %jit3A_222, %jit3A_219 : i32
        %rem3A_224 = arith.remsi %add3A_187, %select_n3A_223 : i32
        %ne3A_225 = arith.constant 0 : i32
        %ne3A_226 = arith.cmpi ne, %rem3A_224, %ne3A_225 : i32
        %lt3A_227 = arith.constant 0 : i32
        %lt3A_228 = arith.cmpi slt, %rem3A_224, %lt3A_227 : i32
        %lt3A_229 = arith.constant 0 : i32
        %lt3A_230 = arith.cmpi slt, %select_n3A_223, %lt3A_229 : i32
        %ne3A_231 = arith.xori %lt3A_228, %lt3A_230 : i1
        %and3A_232 = arith.andi %ne3A_231, %ne3A_226 : i1
        %add3A_233 = arith.addi %rem3A_224, %select_n3A_223 : i32
        %select_n3A_234 = arith.select %and3A_232, %add3A_233, %rem3A_224 : i32
        %dma_start3A_235 = arith.constant 1 : i32
        %dma_start3A_236 = arith.constant 1 : i32
        %dma_start3A_237 = arith.constant 0 : i32
        %dma_start3A_238 = tpu.memref_slice %arg6[%select_n3A_234, %dma_start3A_236, %dma_start3A_237] : memref<3x2x128xi32, #tpu.memory_space<vmem>> -> memref<1x1x128xi32, #tpu.memory_space<vmem>>
        %dma_start3A_239 = tpu.memref_squeeze %dma_start3A_238 : memref<1x1x128xi32, #tpu.memory_space<vmem>> -> memref<128xi32, #tpu.memory_space<vmem>>
        %dma_start3A_240 = tpu.memref_slice %arg3[%dma_start3A_235, %add3A_190] : memref<2x323584xi32, #tpu.memory_space<hbm>> -> memref<1x128xi32, #tpu.memory_space<hbm>>
        %dma_start3A_241 = tpu.memref_squeeze %dma_start3A_240 : memref<1x128xi32, #tpu.memory_space<hbm>> -> memref<128xi32, #tpu.memory_space<hbm>>
        %dma_start3A_242 = arith.constant 0 : i32
        %dma_start3A_243 = tpu.memref_slice %arg6[%select_n3A_234, %dma_start3A_236, %dma_start3A_242] : memref<3x2x128xi32, #tpu.memory_space<vmem>> -> memref<1x1x128xi32, #tpu.memory_space<vmem>>
        %dma_start3A_244 = tpu.memref_squeeze %dma_start3A_243 : memref<1x1x128xi32, #tpu.memory_space<vmem>> -> memref<128xi32, #tpu.memory_space<vmem>>
        %dma_start3A_245 = tpu.memref_slice %arg3[%dma_start3A_235, %add3A_190] : memref<2x323584xi32, #tpu.memory_space<hbm>> -> memref<1x128xi32, #tpu.memory_space<hbm>>
        %dma_start3A_246 = tpu.memref_squeeze %dma_start3A_245 : memref<1x128xi32, #tpu.memory_space<hbm>> -> memref<128xi32, #tpu.memory_space<hbm>>
        tpu.enqueue_dma source(%dma_start3A_246 : memref<128xi32, #tpu.memory_space<hbm>>) target(%dma_start3A_244 : memref<128xi32, #tpu.memory_space<vmem>>) target_semaphore(%arg10 : memref<!tpu.dma_semaphore, #tpu.memory_space<semaphore_mem>>)
      } else {
      }
      %add3A_179 = arith.constant 1 : i32
      %add3A_180 = arith.addi %scan3A_105, %add3A_179 : i32
      %lt3A_181 = arith.constant 158 : i32
      %lt3A_182 = arith.cmpi slt, %add3A_180, %lt3A_181 : i32
      %convert_element_type3A_183 = arith.extui %lt3A_182 : i1 to i32
      %cond3A_184 = arith.constant 0 : i32
      %cond3A_185 = arith.cmpi ne, %convert_element_type3A_183, %cond3A_184 : i32
      scf.if %cond3A_185 {
        %add3A_186 = arith.constant 1 : i32
        %add3A_187 = arith.addi %scan3A_105, %add3A_186 : i32
        %mul3A_188 = arith.constant 128 : i32
        %mul3A_189 = arith.muli %add3A_187, %mul3A_188 : i32
        %add3A_190 = arith.addi %mul3A_4, %mul3A_189 : i32
        %jit3A_191 = arith.constant 3 : i32
        %eq3A_192 = arith.constant 0 : i32
        %eq3A_193 = arith.cmpi eq, %jit3A_191, %eq3A_192 : i32
        %jit3A_194 = arith.constant 1 : i32
        %select_n3A_195 = arith.select %eq3A_193, %jit3A_194, %jit3A_191 : i32
        %rem3A_196 = arith.remsi %add3A_187, %select_n3A_195 : i32
        %ne3A_197 = arith.constant 0 : i32
        %ne3A_198 = arith.cmpi ne, %rem3A_196, %ne3A_197 : i32
        %lt3A_199 = arith.constant 0 : i32
        %lt3A_200 = arith.cmpi slt, %rem3A_196, %lt3A_199 : i32
        %lt3A_201 = arith.constant 0 : i32
        %lt3A_202 = arith.cmpi slt, %select_n3A_195, %lt3A_201 : i32
        %ne3A_203 = arith.xori %lt3A_200, %lt3A_202 : i1
        %and3A_204 = arith.andi %ne3A_203, %ne3A_198 : i1
        %add3A_205 = arith.addi %rem3A_196, %select_n3A_195 : i32
        %select_n3A_206 = arith.select %and3A_204, %add3A_205, %rem3A_196 : i32
        %dma_wait3A_207 = arith.constant 0 : i32
        %dma_wait3A_208 = arith.constant 0 : i32
        %dma_wait3A_209 = arith.constant 0 : i32
        %dma_wait3A_210 = tpu.memref_slice %arg6[%select_n3A_206, %dma_wait3A_208, %dma_wait3A_209] : memref<3x2x128xi32, #tpu.memory_space<vmem>> -> memref<1x1x128xi32, #tpu.memory_space<vmem>>
        %dma_wait3A_211 = tpu.memref_squeeze %dma_wait3A_210 : memref<1x1x128xi32, #tpu.memory_space<vmem>> -> memref<128xi32, #tpu.memory_space<vmem>>
        %dma_wait3A_212 = tpu.memref_slice %arg3[%dma_wait3A_207, %add3A_190] : memref<2x323584xi32, #tpu.memory_space<hbm>> -> memref<1x128xi32, #tpu.memory_space<hbm>>
        %dma_wait3A_213 = tpu.memref_squeeze %dma_wait3A_212 : memref<1x128xi32, #tpu.memory_space<hbm>> -> memref<128xi32, #tpu.memory_space<hbm>>
        %dma_wait3A_214 = arith.constant 0 : i32
        %dma_wait3A_215 = tpu.memref_slice %arg6[%select_n3A_206, %dma_wait3A_208, %dma_wait3A_214] : memref<3x2x128xi32, #tpu.memory_space<vmem>> -> memref<1x1x128xi32, #tpu.memory_space<vmem>>
        %dma_wait3A_216 = tpu.memref_squeeze %dma_wait3A_215 : memref<1x1x128xi32, #tpu.memory_space<vmem>> -> memref<128xi32, #tpu.memory_space<vmem>>
        %dma_wait3A_217 = tpu.memref_slice %arg3[%dma_wait3A_207, %add3A_190] : memref<2x323584xi32, #tpu.memory_space<hbm>> -> memref<1x128xi32, #tpu.memory_space<hbm>>
        %dma_wait3A_218 = tpu.memref_squeeze %dma_wait3A_217 : memref<1x128xi32, #tpu.memory_space<hbm>> -> memref<128xi32, #tpu.memory_space<hbm>>
        tpu.wait_dma2 semaphore(%arg10 : memref<!tpu.dma_semaphore, #tpu.memory_space<semaphore_mem>>) src(%dma_wait3A_218 : memref<128xi32, #tpu.memory_space<hbm>>) dst(%dma_wait3A_216 : memref<128xi32, #tpu.memory_space<vmem>>)
        %jit3A_219 = arith.constant 3 : i32
        %eq3A_220 = arith.constant 0 : i32
        %eq3A_221 = arith.cmpi eq, %jit3A_219, %eq3A_220 : i32
        %jit3A_222 = arith.constant 1 : i32
        %select_n3A_223 = arith.select %eq3A_221, %jit3A_222, %jit3A_219 : i32
        %rem3A_224 = arith.remsi %add3A_187, %select_n3A_223 : i32
        %ne3A_225 = arith.constant 0 : i32
        %ne3A_226 = arith.cmpi ne, %rem3A_224, %ne3A_225 : i32
        %lt3A_227 = arith.constant 0 : i32
        %lt3A_228 = arith.cmpi slt, %rem3A_224, %lt3A_227 : i32
        %lt3A_229 = arith.constant 0 : i32
        %lt3A_230 = arith.cmpi slt, %select_n3A_223, %lt3A_229 : i32
        %ne3A_231 = arith.xori %lt3A_228, %lt3A_230 : i1
        %and3A_232 = arith.andi %ne3A_231, %ne3A_226 : i1
        %add3A_233 = arith.addi %rem3A_224, %select_n3A_223 : i32
        %select_n3A_234 = arith.select %and3A_232, %add3A_233, %rem3A_224 : i32
        %dma_wait3A_235 = arith.constant 1 : i32
        %dma_wait3A_236 = arith.constant 1 : i32
        %dma_wait3A_237 = arith.constant 0 : i32
        %dma_wait3A_238 = tpu.memref_slice %arg6[%select_n3A_234, %dma_wait3A_236, %dma_wait3A_237] : memref<3x2x128xi32, #tpu.memory_space<vmem>> -> memref<1x1x128xi32, #tpu.memory_space<vmem>>
        %dma_wait3A_239 = tpu.memref_squeeze %dma_wait3A_238 : memref<1x1x128xi32, #tpu.memory_space<vmem>> -> memref<128xi32, #tpu.memory_space<vmem>>
        %dma_wait3A_240 = tpu.memref_slice %arg3[%dma_wait3A_235, %add3A_190] : memref<2x323584xi32, #tpu.memory_space<hbm>> -> memref<1x128xi32, #tpu.memory_space<hbm>>
        %dma_wait3A_241 = tpu.memref_squeeze %dma_wait3A_240 : memref<1x128xi32, #tpu.memory_space<hbm>> -> memref<128xi32, #tpu.memory_space<hbm>>
        %dma_wait3A_242 = arith.constant 0 : i32
        %dma_wait3A_243 = tpu.memref_slice %arg6[%select_n3A_234, %dma_wait3A_236, %dma_wait3A_242] : memref<3x2x128xi32, #tpu.memory_space<vmem>> -> memref<1x1x128xi32, #tpu.memory_space<vmem>>
        %dma_wait3A_244 = tpu.memref_squeeze %dma_wait3A_243 : memref<1x1x128xi32, #tpu.memory_space<vmem>> -> memref<128xi32, #tpu.memory_space<vmem>>
        %dma_wait3A_245 = tpu.memref_slice %arg3[%dma_wait3A_235, %add3A_190] : memref<2x323584xi32, #tpu.memory_space<hbm>> -> memref<1x128xi32, #tpu.memory_space<hbm>>
        %dma_wait3A_246 = tpu.memref_squeeze %dma_wait3A_245 : memref<1x128xi32, #tpu.memory_space<hbm>> -> memref<128xi32, #tpu.memory_space<hbm>>
        tpu.wait_dma2 semaphore(%arg10 : memref<!tpu.dma_semaphore, #tpu.memory_space<semaphore_mem>>) src(%dma_wait3A_246 : memref<128xi32, #tpu.memory_space<hbm>>) dst(%dma_wait3A_244 : memref<128xi32, #tpu.memory_space<vmem>>)
        %add3A_247 = arith.constant 1 : i32
        %add3A_248 = arith.addi %scan3A_105, %add3A_247 : i32
        %jit3A_249 = arith.constant 3 : i32
        %eq3A_250 = arith.constant 0 : i32
        %eq3A_251 = arith.cmpi eq, %jit3A_249, %eq3A_250 : i32
        %jit3A_252 = arith.constant 1 : i32
        %select_n3A_253 = arith.select %eq3A_251, %jit3A_252, %jit3A_249 : i32
        %rem3A_254 = arith.remsi %add3A_248, %select_n3A_253 : i32
        %ne3A_255 = arith.constant 0 : i32
        %ne3A_256 = arith.cmpi ne, %rem3A_254, %ne3A_255 : i32
        %lt3A_257 = arith.constant 0 : i32
        %lt3A_258 = arith.cmpi slt, %rem3A_254, %lt3A_257 : i32
        %lt3A_259 = arith.constant 0 : i32
        %lt3A_260 = arith.cmpi slt, %select_n3A_253, %lt3A_259 : i32
        %ne3A_261 = arith.xori %lt3A_258, %lt3A_260 : i1
        %and3A_262 = arith.andi %ne3A_261, %ne3A_256 : i1
        %add3A_263 = arith.addi %rem3A_254, %select_n3A_253 : i32
        %select_n3A_264 = arith.select %and3A_262, %add3A_263, %rem3A_254 : i32
        %jit3A_265 = arith.constant 2 : i32
        %eq3A_266 = arith.constant 0 : i32
        %eq3A_267 = arith.cmpi eq, %jit3A_265, %eq3A_266 : i32
        %jit3A_268 = arith.constant 1 : i32
        %select_n3A_269 = arith.select %eq3A_267, %jit3A_268, %jit3A_265 : i32
        %rem3A_270 = arith.remsi %add3A_248, %select_n3A_269 : i32
        %ne3A_271 = arith.constant 0 : i32
        %ne3A_272 = arith.cmpi ne, %rem3A_270, %ne3A_271 : i32
        %lt3A_273 = arith.constant 0 : i32
        %lt3A_274 = arith.cmpi slt, %rem3A_270, %lt3A_273 : i32
        %lt3A_275 = arith.constant 0 : i32
        %lt3A_276 = arith.cmpi slt, %select_n3A_269, %lt3A_275 : i32
        %ne3A_277 = arith.xori %lt3A_274, %lt3A_276 : i1
        %and3A_278 = arith.andi %ne3A_277, %ne3A_272 : i1
        %add3A_279 = arith.addi %rem3A_270, %select_n3A_269 : i32
        %select_n3A_280 = arith.select %and3A_278, %add3A_279, %rem3A_270 : i32
        %dma_start3A_281 = arith.constant 0 : i32
        %dma_start3A_282 = arith.constant 0 : i32
        %dma_start3A_283 = arith.constant 0 : i32
        %dma_start3A_284 = tpu.memref_slice %arg7[%select_n3A_280, %dma_start3A_282, %dma_start3A_283] : memref<2x128x64xf32, #tpu.memory_space<vmem>> -> memref<1x128x64xf32, #tpu.memory_space<vmem>>
        %dma_start3A_285 = tpu.memref_squeeze %dma_start3A_284 : memref<1x128x64xf32, #tpu.memory_space<vmem>> -> memref<128x64xf32, #tpu.memory_space<vmem>>
        %dma_start3A_286 = arith.constant 0 : i32
        %dma_start3A_287 = tpu.memref_slice %arg6[%select_n3A_264, %dma_start3A_281, %dma_start3A_286] : memref<3x2x128xi32, #tpu.memory_space<vmem>> -> memref<1x1x128xi32, #tpu.memory_space<vmem>>
        %dma_start3A_288 = tpu.memref_squeeze %dma_start3A_287 : memref<1x1x128xi32, #tpu.memory_space<vmem>> -> memref<128xi32, #tpu.memory_space<vmem>>
        %dma_start3A_289 = arith.constant 0 : i32
        %dma_start3A_290 = arith.constant 0 : i32
        %dma_start3A_291 = tpu.memref_slice %arg8[%dma_start3A_289, %dma_start3A_290] : memref<10240x64xf32, #tpu.memory_space<vmem_shared>> -> memref<10240x64xf32, #tpu.memory_space<vmem_shared>>
        tpu.enqueue_indirect_dma source(%dma_start3A_291 : memref<10240x64xf32, #tpu.memory_space<vmem_shared>>) target(%dma_start3A_285 : memref<128x64xf32, #tpu.memory_space<vmem>>) offsets(%dma_start3A_288 : memref<128xi32, #tpu.memory_space<vmem>>) semaphore(%arg11 : memref<!tpu.dma_semaphore, #tpu.memory_space<semaphore_mem>>)
      } else {
      }
    }
    %scan3A_103 = arith.constant 158 : i32
    %barrier3A_104 = arith.constant 0 : index
    tpu.barrier barrier_id(%barrier3A_104)
    "tpu.region"() ({
      %run_scoped3A = tpu.sem_alloc : memref<!tpu.dma_semaphore, #tpu.memory_space<semaphore_mem>>
      %dma_start3A_105 = arith.constant 0 : i32
      %dma_start3A_106 = tpu.memref_slice %arg5[%arg0, %mul3A_0, %dma_start3A_105] : memref<2x10240x64xf32, #tpu.memory_space<hbm>> -> memref<1x640x64xf32, #tpu.memory_space<hbm>>
      %dma_start3A_107 = tpu.memref_squeeze %dma_start3A_106 : memref<1x640x64xf32, #tpu.memory_space<hbm>> -> memref<640x64xf32, #tpu.memory_space<hbm>>
      %dma_start3A_108 = arith.constant 0 : i32
      %dma_start3A_109 = tpu.memref_slice %arg9[%mul3A_0, %dma_start3A_108] : memref<10240x64xf32, #tpu.memory_space<vmem_shared>> -> memref<640x64xf32, #tpu.memory_space<vmem_shared>>
      tpu.enqueue_dma source(%dma_start3A_109 : memref<640x64xf32, #tpu.memory_space<vmem_shared>>) target(%dma_start3A_107 : memref<640x64xf32, #tpu.memory_space<hbm>>) target_semaphore(%run_scoped3A : memref<!tpu.dma_semaphore, #tpu.memory_space<semaphore_mem>>)
      %dma_wait3A_110 = arith.constant 0 : i32
      %dma_wait3A_111 = tpu.memref_slice %arg5[%arg0, %mul3A_0, %dma_wait3A_110] : memref<2x10240x64xf32, #tpu.memory_space<hbm>> -> memref<1x640x64xf32, #tpu.memory_space<hbm>>
      %dma_wait3A_112 = tpu.memref_squeeze %dma_wait3A_111 : memref<1x640x64xf32, #tpu.memory_space<hbm>> -> memref<640x64xf32, #tpu.memory_space<hbm>>
      %dma_wait3A_113 = arith.constant 0 : i32
      %dma_wait3A_114 = tpu.memref_slice %arg9[%mul3A_0, %dma_wait3A_113] : memref<10240x64xf32, #tpu.memory_space<vmem_shared>> -> memref<640x64xf32, #tpu.memory_space<vmem_shared>>
      tpu.wait_dma2 semaphore(%run_scoped3A : memref<!tpu.dma_semaphore, #tpu.memory_space<semaphore_mem>>) src(%dma_wait3A_114 : memref<640x64xf32, #tpu.memory_space<vmem_shared>>) dst(%dma_wait3A_112 : memref<640x64xf32, #tpu.memory_space<hbm>>)
      tpu.yield
    }) : () -> ()
    return
  }
}

module attributes {stable_mosaic.version = 14 : i64} {
  func.func @body(%arg0: i32, %arg1: memref<2x1024x16xf32, #tpu.memory_space<vmem>>, %arg2: memref<2x1024x16xf32, #tpu.memory_space<vmem>>, %arg3: memref<1024x128xf32, #tpu.memory_space<vmem>>, %arg4: memref<2x1024x64xf32, #tpu.memory_space<vmem>>, %arg5: memref<1024x128xf32, #tpu.memory_space<vmem>>, %arg6: memref<1024x128xf32, #tpu.memory_space<vmem>>) attributes {dimension_semantics = [#tpu.dimension_semantics<arbitrary>], iteration_bounds = array<i64: 10>, scalar_prefetch = 0 : i64, scratch_operands = 0 : i64, tpu.core_type = #tpu.core_type<tc>, window_params = [{transform_indices = @transform_0, window_bounds = array<i64: 2, 1024, 16>}, {transform_indices = @transform_1, window_bounds = array<i64: 2, 1024, 16>}, {transform_indices = @transform_2, window_bounds = array<i64: 1024, 128>}, {transform_indices = @transform_3, window_bounds = array<i64: 2, 1024, 64>}, {transform_indices = @transform_4, window_bounds = array<i64: 1024, 128>}, {transform_indices = @transform_5, window_bounds = array<i64: 1024, 128>}]} {
    %get3A = arith.constant 0 : index
    %get3A_0 = arith.constant 0 : index
    %get3A_1 = arith.constant 0 : index
    %get3A_2 = vector.load %arg1[%get3A, %get3A_0, %get3A_1] : memref<2x1024x16xf32, #tpu.memory_space<vmem>>, vector<1x1024x1xf32>
    %get3A_3 = vector.shape_cast %get3A_2 : vector<1x1024x1xf32> to vector<1024xf32>
    %get3A_4 = arith.constant 1 : index
    %get3A_5 = arith.constant 0 : index
    %get3A_6 = arith.constant 0 : index
    %get3A_7 = vector.load %arg1[%get3A_4, %get3A_5, %get3A_6] : memref<2x1024x16xf32, #tpu.memory_space<vmem>>, vector<1x1024x1xf32>
    %get3A_8 = vector.shape_cast %get3A_7 : vector<1x1024x1xf32> to vector<1024xf32>
    %add3A = arith.addf %get3A_3, %get3A_8 : vector<1024xf32>
    %get3A_9 = arith.constant 0 : index
    %get3A_10 = arith.constant 0 : index
    %get3A_11 = arith.constant 0 : index
    %get3A_12 = vector.load %arg2[%get3A_9, %get3A_10, %get3A_11] : memref<2x1024x16xf32, #tpu.memory_space<vmem>>, vector<1x1024x1xf32>
    %get3A_13 = vector.shape_cast %get3A_12 : vector<1x1024x1xf32> to vector<1024xf32>
    %get3A_14 = arith.constant 1 : index
    %get3A_15 = arith.constant 0 : index
    %get3A_16 = arith.constant 0 : index
    %get3A_17 = vector.load %arg2[%get3A_14, %get3A_15, %get3A_16] : memref<2x1024x16xf32, #tpu.memory_space<vmem>>, vector<1x1024x1xf32>
    %get3A_18 = vector.shape_cast %get3A_17 : vector<1x1024x1xf32> to vector<1024xf32>
    %add3A_19 = arith.addf %get3A_13, %get3A_18 : vector<1024xf32>
    %max3A = arith.constant 1.000000e+00 : f32
    %max3A_20 = vector.broadcast %max3A : f32 to vector<1024xf32>
    %max3A_21 = arith.maximumf %add3A, %max3A_20 : vector<1024xf32>
    %rsqrt3A = math.rsqrt %max3A_21 : vector<1024xf32>
    %max3A_22 = arith.constant 1.000000e+00 : f32
    %max3A_23 = vector.broadcast %max3A_22 : f32 to vector<1024xf32>
    %max3A_24 = arith.maximumf %add3A_19, %max3A_23 : vector<1024xf32>
    %rsqrt3A_25 = math.rsqrt %max3A_24 : vector<1024xf32>
    %get3A_26 = arith.constant 0 : index
    %get3A_27 = arith.constant 0 : index
    %get3A_28 = vector.load %arg3[%get3A_26, %get3A_27] : memref<1024x128xf32, #tpu.memory_space<vmem>>, vector<1024x128xf32>
    %broadcast_in_dim3A = vector.shape_cast %rsqrt3A : vector<1024xf32> to vector<1024x1xf32>
    %mul3A = vector.broadcast %broadcast_in_dim3A : vector<1024x1xf32> to vector<1024x128xf32>
    %mul3A_29 = arith.mulf %get3A_28, %mul3A : vector<1024x128xf32>
    %slice3A = vector.extract_strided_slice %mul3A_29 {offsets = [0, 0], sizes = [1024, 64], strides = [1, 1]} : vector<1024x128xf32> to vector<1024x64xf32>
    %swap3A = arith.constant 0 : index
    %swap3A_30 = arith.constant 0 : index
    %swap3A_31 = arith.constant 0 : index
    %swap3A_32 = vector.load %arg4[%swap3A, %swap3A_30, %swap3A_31] : memref<2x1024x64xf32, #tpu.memory_space<vmem>>, vector<1x1024x64xf32>
    %swap3A_33 = vector.shape_cast %swap3A_32 : vector<1x1024x64xf32> to vector<1024x64xf32>
    %swap3A_34 = vector.shape_cast %slice3A : vector<1024x64xf32> to vector<1x1024x64xf32>
    tpu.vector_store %arg4[%swap3A, %swap3A_30, %swap3A_31], %swap3A_34 {strides = array<i32>} : memref<2x1024x64xf32, #tpu.memory_space<vmem>>, vector<1x1024x64xf32>,
    %slice3A_35 = vector.extract_strided_slice %mul3A_29 {offsets = [0, 64], sizes = [1024, 64], strides = [1, 1]} : vector<1024x128xf32> to vector<1024x64xf32>
    %swap3A_36 = arith.constant 1 : index
    %swap3A_37 = arith.constant 0 : index
    %swap3A_38 = arith.constant 0 : index
    %swap3A_39 = vector.load %arg4[%swap3A_36, %swap3A_37, %swap3A_38] : memref<2x1024x64xf32, #tpu.memory_space<vmem>>, vector<1x1024x64xf32>
    %swap3A_40 = vector.shape_cast %swap3A_39 : vector<1x1024x64xf32> to vector<1024x64xf32>
    %swap3A_41 = vector.shape_cast %slice3A_35 : vector<1024x64xf32> to vector<1x1024x64xf32>
    tpu.vector_store %arg4[%swap3A_36, %swap3A_37, %swap3A_38], %swap3A_41 {strides = array<i32>} : memref<2x1024x64xf32, #tpu.memory_space<vmem>>, vector<1x1024x64xf32>,
    %broadcast_in_dim3A_42 = vector.shape_cast %rsqrt3A_25 : vector<1024xf32> to vector<1024x1xf32>
    %broadcast_in_dim3A_43 = vector.shape_cast %broadcast_in_dim3A_42 : vector<1024x1xf32> to vector<1024x1xf32>
    %broadcast_in_dim3A_44 = vector.broadcast %broadcast_in_dim3A_43 : vector<1024x1xf32> to vector<1024x128xf32>
    %swap3A_45 = arith.constant 0 : index
    %swap3A_46 = arith.constant 0 : index
    %swap3A_47 = vector.load %arg5[%swap3A_45, %swap3A_46] : memref<1024x128xf32, #tpu.memory_space<vmem>>, vector<1024x128xf32>
    tpu.vector_store %arg5[%swap3A_45, %swap3A_46], %broadcast_in_dim3A_44 {strides = array<i32>} : memref<1024x128xf32, #tpu.memory_space<vmem>>, vector<1024x128xf32>,
    %broadcast_in_dim3A_48 = vector.shape_cast %rsqrt3A : vector<1024xf32> to vector<1024x1xf32>
    %broadcast_in_dim3A_49 = vector.shape_cast %broadcast_in_dim3A_48 : vector<1024x1xf32> to vector<1024x1xf32>
    %broadcast_in_dim3A_50 = vector.broadcast %broadcast_in_dim3A_49 : vector<1024x1xf32> to vector<1024x128xf32>
    %swap3A_51 = arith.constant 0 : index
    %swap3A_52 = arith.constant 0 : index
    %swap3A_53 = vector.load %arg6[%swap3A_51, %swap3A_52] : memref<1024x128xf32, #tpu.memory_space<vmem>>, vector<1024x128xf32>
    tpu.vector_store %arg6[%swap3A_51, %swap3A_52], %broadcast_in_dim3A_50 {strides = array<i32>} : memref<1024x128xf32, #tpu.memory_space<vmem>>, vector<1024x128xf32>,
    return
  }
  func.func @transform_0(%arg0: i32) -> (i32, i32, i32) {
    %c0_i32 = arith.constant 0 : i32
    %c0_i32_0 = arith.constant 0 : i32
    %c0_i32_1 = arith.constant 0 : i32
    return %c0_i32, %arg0, %c0_i32_0 : i32, i32, i32
  }
  func.func @transform_1(%arg0: i32) -> (i32, i32, i32) {
    %c0_i32 = arith.constant 0 : i32
    %c0_i32_0 = arith.constant 0 : i32
    %c0_i32_1 = arith.constant 0 : i32
    return %c0_i32, %arg0, %c0_i32_0 : i32, i32, i32
  }
  func.func @transform_2(%arg0: i32) -> (i32, i32) {
    %c0_i32 = arith.constant 0 : i32
    %c0_i32_0 = arith.constant 0 : i32
    return %arg0, %c0_i32 : i32, i32
  }
  func.func @transform_3(%arg0: i32) -> (i32, i32, i32) {
    %c0_i32 = arith.constant 0 : i32
    %c0_i32_0 = arith.constant 0 : i32
    %c0_i32_1 = arith.constant 0 : i32
    return %c0_i32, %arg0, %c0_i32_0 : i32, i32, i32
  }
  func.func @transform_4(%arg0: i32) -> (i32, i32) {
    %c0_i32 = arith.constant 0 : i32
    %c0_i32_0 = arith.constant 0 : i32
    return %arg0, %c0_i32 : i32, i32
  }
  func.func @transform_5(%arg0: i32) -> (i32, i32) {
    %c0_i32 = arith.constant 0 : i32
    %c0_i32_0 = arith.constant 0 : i32
    return %arg0, %c0_i32 : i32, i32
  }
}

module attributes {stable_mosaic.version = 14 : i64} {
  func.func @body(%arg0: i32, %arg1: memref<2x1024x64xf32, #tpu.memory_space<vmem>>, %arg2: memref<1024x128xf32, #tpu.memory_space<vmem>>, %arg3: memref<1024x128xf32, #tpu.memory_space<vmem>>, %arg4: memref<128x128xf32, #tpu.memory_space<vmem>>, %arg5: memref<1x128xf32, #tpu.memory_space<vmem>>, %arg6: memref<2x1024x64xf32, #tpu.memory_space<vmem>>) attributes {dimension_semantics = [#tpu.dimension_semantics<arbitrary>], iteration_bounds = array<i64: 10>, scalar_prefetch = 0 : i64, scratch_operands = 0 : i64, tpu.core_type = #tpu.core_type<tc>, window_params = [{transform_indices = @transform_0, window_bounds = array<i64: 2, 1024, 64>}, {transform_indices = @transform_1, window_bounds = array<i64: 1024, 128>}, {transform_indices = @transform_2, window_bounds = array<i64: 1024, 128>}, {pipeline_mode = #tpu.pipeline_mode<synchronous>, transform_indices = @transform_3, window_bounds = array<i64: 128, 128>}, {pipeline_mode = #tpu.pipeline_mode<synchronous>, transform_indices = @transform_4, window_bounds = array<i64: 1, 128>}, {transform_indices = @transform_5, window_bounds = array<i64: 2, 1024, 64>}]} {
    %get3A = arith.constant 0 : index
    %get3A_0 = arith.constant 0 : index
    %get3A_1 = arith.constant 0 : index
    %get3A_2 = vector.load %arg1[%get3A, %get3A_0, %get3A_1] : memref<2x1024x64xf32, #tpu.memory_space<vmem>>, vector<1x1024x64xf32>
    %get3A_3 = vector.shape_cast %get3A_2 : vector<1x1024x64xf32> to vector<1024x64xf32>
    %get3A_4 = arith.constant 1 : index
    %get3A_5 = arith.constant 0 : index
    %get3A_6 = arith.constant 0 : index
    %get3A_7 = vector.load %arg1[%get3A_4, %get3A_5, %get3A_6] : memref<2x1024x64xf32, #tpu.memory_space<vmem>>, vector<1x1024x64xf32>
    %get3A_8 = vector.shape_cast %get3A_7 : vector<1x1024x64xf32> to vector<1024x64xf32>
    %concatenate3A = tpu.concatenate %get3A_3, %get3A_8 in 1 : vector<1024x64xf32>, vector<1024x64xf32> -> vector<1024x128xf32>
    %get3A_9 = arith.constant 0 : index
    %get3A_10 = arith.constant 0 : index
    %get3A_11 = vector.load %arg2[%get3A_9, %get3A_10] : memref<1024x128xf32, #tpu.memory_space<vmem>>, vector<1024x128xf32>
    %mul3A = arith.mulf %concatenate3A, %get3A_11 : vector<1024x128xf32>
    %get3A_12 = arith.constant 0 : index
    %get3A_13 = arith.constant 0 : index
    %get3A_14 = vector.load %arg4[%get3A_12, %get3A_13] : memref<128x128xf32, #tpu.memory_space<vmem>>, vector<128x128xf32>
    %dot_general3A = arith.constant dense<0.000000e+00> : vector<1024x128xf32>
    %dot_general3A_15 = tpu.matmul %mul3A, %get3A_14, %dot_general3A {dimension_numbers = #tpu.dot_dimension_numbers<[1], [0], [0], [1], [0, 0, 1, 1], [], []>, transpose_lhs_hint = false} : vector<1024x128xf32>, vector<128x128xf32>, vector<1024x128xf32> -> vector<1024x128xf32>
    %get3A_16 = arith.constant 0 : index
    %get3A_17 = arith.constant 0 : index
    %get3A_18 = vector.load %arg5[%get3A_16, %get3A_17] : memref<1x128xf32, #tpu.memory_space<vmem>>, vector<1x128xf32>
    %add3A = vector.broadcast %get3A_18 : vector<1x128xf32> to vector<1024x128xf32>
    %add3A_19 = arith.addf %dot_general3A_15, %add3A : vector<1024x128xf32>
    %max3A = arith.constant 0.000000e+00 : f32
    %max3A_20 = vector.broadcast %max3A : f32 to vector<1024x128xf32>
    %max3A_21 = arith.maximumf %add3A_19, %max3A_20 : vector<1024x128xf32>
    %get3A_22 = arith.constant 0 : index
    %get3A_23 = arith.constant 0 : index
    %get3A_24 = vector.load %arg3[%get3A_22, %get3A_23] : memref<1024x128xf32, #tpu.memory_space<vmem>>, vector<1024x128xf32>
    %mul3A_25 = arith.mulf %max3A_21, %get3A_24 : vector<1024x128xf32>
    %slice3A = vector.extract_strided_slice %mul3A_25 {offsets = [0, 0], sizes = [1024, 64], strides = [1, 1]} : vector<1024x128xf32> to vector<1024x64xf32>
    %swap3A = arith.constant 0 : index
    %swap3A_26 = arith.constant 0 : index
    %swap3A_27 = arith.constant 0 : index
    %swap3A_28 = vector.load %arg6[%swap3A, %swap3A_26, %swap3A_27] : memref<2x1024x64xf32, #tpu.memory_space<vmem>>, vector<1x1024x64xf32>
    %swap3A_29 = vector.shape_cast %swap3A_28 : vector<1x1024x64xf32> to vector<1024x64xf32>
    %swap3A_30 = vector.shape_cast %slice3A : vector<1024x64xf32> to vector<1x1024x64xf32>
    tpu.vector_store %arg6[%swap3A, %swap3A_26, %swap3A_27], %swap3A_30 {strides = array<i32>} : memref<2x1024x64xf32, #tpu.memory_space<vmem>>, vector<1x1024x64xf32>,
    %slice3A_31 = vector.extract_strided_slice %mul3A_25 {offsets = [0, 64], sizes = [1024, 64], strides = [1, 1]} : vector<1024x128xf32> to vector<1024x64xf32>
    %swap3A_32 = arith.constant 1 : index
    %swap3A_33 = arith.constant 0 : index
    %swap3A_34 = arith.constant 0 : index
    %swap3A_35 = vector.load %arg6[%swap3A_32, %swap3A_33, %swap3A_34] : memref<2x1024x64xf32, #tpu.memory_space<vmem>>, vector<1x1024x64xf32>
    %swap3A_36 = vector.shape_cast %swap3A_35 : vector<1x1024x64xf32> to vector<1024x64xf32>
    %swap3A_37 = vector.shape_cast %slice3A_31 : vector<1024x64xf32> to vector<1x1024x64xf32>
    tpu.vector_store %arg6[%swap3A_32, %swap3A_33, %swap3A_34], %swap3A_37 {strides = array<i32>} : memref<2x1024x64xf32, #tpu.memory_space<vmem>>, vector<1x1024x64xf32>,
    return
  }
  func.func @transform_0(%arg0: i32) -> (i32, i32, i32) {
    %c0_i32 = arith.constant 0 : i32
    %c0_i32_0 = arith.constant 0 : i32
    %c0_i32_1 = arith.constant 0 : i32
    return %c0_i32, %arg0, %c0_i32_0 : i32, i32, i32
  }
  func.func @transform_1(%arg0: i32) -> (i32, i32) {
    %c0_i32 = arith.constant 0 : i32
    %c0_i32_0 = arith.constant 0 : i32
    return %arg0, %c0_i32 : i32, i32
  }
  func.func @transform_2(%arg0: i32) -> (i32, i32) {
    %c0_i32 = arith.constant 0 : i32
    %c0_i32_0 = arith.constant 0 : i32
    return %arg0, %c0_i32 : i32, i32
  }
  func.func @transform_3(%arg0: i32) -> (i32, i32) {
    %c0_i32 = arith.constant 0 : i32
    %c0_i32_0 = arith.constant 0 : i32
    %c0_i32_1 = arith.constant 0 : i32
    return %c0_i32, %c0_i32_0 : i32, i32
  }
  func.func @transform_4(%arg0: i32) -> (i32, i32) {
    %c0_i32 = arith.constant 0 : i32
    %c0_i32_0 = arith.constant 0 : i32
    %c0_i32_1 = arith.constant 0 : i32
    return %c0_i32, %c0_i32_0 : i32, i32
  }
  func.func @transform_5(%arg0: i32) -> (i32, i32, i32) {
    %c0_i32 = arith.constant 0 : i32
    %c0_i32_0 = arith.constant 0 : i32
    %c0_i32_1 = arith.constant 0 : i32
    return %c0_i32, %arg0, %c0_i32_0 : i32, i32, i32
  }
}

module attributes {stable_mosaic.version = 14 : i64} {
  func.func @body(%arg0: i32, %arg1: memref<2x1024x64xf32, #tpu.memory_space<vmem>>, %arg2: memref<1024x128xf32, #tpu.memory_space<vmem>>, %arg3: memref<1024x128xf32, #tpu.memory_space<vmem>>, %arg4: memref<128x128xf32, #tpu.memory_space<vmem>>, %arg5: memref<1x128xf32, #tpu.memory_space<vmem>>, %arg6: memref<1024x128xf32, #tpu.memory_space<vmem>>) attributes {dimension_semantics = [#tpu.dimension_semantics<arbitrary>], iteration_bounds = array<i64: 10>, scalar_prefetch = 0 : i64, scratch_operands = 0 : i64, tpu.core_type = #tpu.core_type<tc>, window_params = [{transform_indices = @transform_0, window_bounds = array<i64: 2, 1024, 64>}, {transform_indices = @transform_1, window_bounds = array<i64: 1024, 128>}, {transform_indices = @transform_2, window_bounds = array<i64: 1024, 128>}, {pipeline_mode = #tpu.pipeline_mode<synchronous>, transform_indices = @transform_3, window_bounds = array<i64: 128, 128>}, {pipeline_mode = #tpu.pipeline_mode<synchronous>, transform_indices = @transform_4, window_bounds = array<i64: 1, 128>}, {transform_indices = @transform_5, window_bounds = array<i64: 1024, 128>}]} {
    %get3A = arith.constant 0 : index
    %get3A_0 = arith.constant 0 : index
    %get3A_1 = arith.constant 0 : index
    %get3A_2 = vector.load %arg1[%get3A, %get3A_0, %get3A_1] : memref<2x1024x64xf32, #tpu.memory_space<vmem>>, vector<1x1024x64xf32>
    %get3A_3 = vector.shape_cast %get3A_2 : vector<1x1024x64xf32> to vector<1024x64xf32>
    %get3A_4 = arith.constant 1 : index
    %get3A_5 = arith.constant 0 : index
    %get3A_6 = arith.constant 0 : index
    %get3A_7 = vector.load %arg1[%get3A_4, %get3A_5, %get3A_6] : memref<2x1024x64xf32, #tpu.memory_space<vmem>>, vector<1x1024x64xf32>
    %get3A_8 = vector.shape_cast %get3A_7 : vector<1x1024x64xf32> to vector<1024x64xf32>
    %concatenate3A = tpu.concatenate %get3A_3, %get3A_8 in 1 : vector<1024x64xf32>, vector<1024x64xf32> -> vector<1024x128xf32>
    %get3A_9 = arith.constant 0 : index
    %get3A_10 = arith.constant 0 : index
    %get3A_11 = vector.load %arg2[%get3A_9, %get3A_10] : memref<1024x128xf32, #tpu.memory_space<vmem>>, vector<1024x128xf32>
    %mul3A = arith.mulf %concatenate3A, %get3A_11 : vector<1024x128xf32>
    %get3A_12 = arith.constant 0 : index
    %get3A_13 = arith.constant 0 : index
    %get3A_14 = vector.load %arg4[%get3A_12, %get3A_13] : memref<128x128xf32, #tpu.memory_space<vmem>>, vector<128x128xf32>
    %dot_general3A = arith.constant dense<0.000000e+00> : vector<1024x128xf32>
    %dot_general3A_15 = tpu.matmul %mul3A, %get3A_14, %dot_general3A {dimension_numbers = #tpu.dot_dimension_numbers<[1], [0], [0], [1], [0, 0, 1, 1], [], []>, transpose_lhs_hint = false} : vector<1024x128xf32>, vector<128x128xf32>, vector<1024x128xf32> -> vector<1024x128xf32>
    %get3A_16 = arith.constant 0 : index
    %get3A_17 = arith.constant 0 : index
    %get3A_18 = vector.load %arg5[%get3A_16, %get3A_17] : memref<1x128xf32, #tpu.memory_space<vmem>>, vector<1x128xf32>
    %add3A = vector.broadcast %get3A_18 : vector<1x128xf32> to vector<1024x128xf32>
    %add3A_19 = arith.addf %dot_general3A_15, %add3A : vector<1024x128xf32>
    %mul3A_20 = arith.mulf %add3A_19, %add3A_19 : vector<1024x128xf32>
    %reduce_sum3A = arith.constant dense<0.000000e+00> : vector<1024xf32>
    %reduce_sum3A_21 = vector.multi_reduction <add>, %mul3A_20, %reduce_sum3A [1] : vector<1024x128xf32> to vector<1024xf32>
    %broadcast_in_dim3A = vector.shape_cast %reduce_sum3A_21 : vector<1024xf32> to vector<1024x1xf32>
    %sqrt3A = math.sqrt %broadcast_in_dim3A : vector<1024x1xf32>
    %div3A = vector.broadcast %sqrt3A : vector<1024x1xf32> to vector<1024x128xf32>
    %div3A_22 = arith.divf %add3A_19, %div3A : vector<1024x128xf32>
    %swap3A = arith.constant 0 : index
    %swap3A_23 = arith.constant 0 : index
    %swap3A_24 = vector.load %arg6[%swap3A, %swap3A_23] : memref<1024x128xf32, #tpu.memory_space<vmem>>, vector<1024x128xf32>
    tpu.vector_store %arg6[%swap3A, %swap3A_23], %div3A_22 {strides = array<i32>} : memref<1024x128xf32, #tpu.memory_space<vmem>>, vector<1024x128xf32>,
    return
  }
  func.func @transform_0(%arg0: i32) -> (i32, i32, i32) {
    %c0_i32 = arith.constant 0 : i32
    %c0_i32_0 = arith.constant 0 : i32
    %c0_i32_1 = arith.constant 0 : i32
    return %c0_i32, %arg0, %c0_i32_0 : i32, i32, i32
  }
  func.func @transform_1(%arg0: i32) -> (i32, i32) {
    %c0_i32 = arith.constant 0 : i32
    %c0_i32_0 = arith.constant 0 : i32
    return %arg0, %c0_i32 : i32, i32
  }
  func.func @transform_2(%arg0: i32) -> (i32, i32) {
    %c0_i32 = arith.constant 0 : i32
    %c0_i32_0 = arith.constant 0 : i32
    return %arg0, %c0_i32 : i32, i32
  }
  func.func @transform_3(%arg0: i32) -> (i32, i32) {
    %c0_i32 = arith.constant 0 : i32
    %c0_i32_0 = arith.constant 0 : i32
    %c0_i32_1 = arith.constant 0 : i32
    return %c0_i32, %c0_i32_0 : i32, i32
  }
  func.func @transform_4(%arg0: i32) -> (i32, i32) {
    %c0_i32 = arith.constant 0 : i32
    %c0_i32_0 = arith.constant 0 : i32
    %c0_i32_1 = arith.constant 0 : i32
    return %c0_i32, %c0_i32_0 : i32, i32
  }
  func.func @transform_5(%arg0: i32) -> (i32, i32) {
    %c0_i32 = arith.constant 0 : i32
    %c0_i32_0 = arith.constant 0 : i32
    return %arg0, %c0_i32 : i32, i32
  }
}

</mosaic_0001>

<sc_bundles>
// kernel: kernel.11.cloned.1.call-start
scs
__scs_entry_jumppad:
0x0: {  	(pc) =	sbr.rel $0x88, $3  }
0x1: {  	(tag) =	ssettag $0x0;
	lr =	simm.s32 $0x1  }
0x2: {  	[smem:$0x3F9B] =	sst lr;
	_ =	strace $0xD0000000  }
0x3: {  	_ = 	snop  }
0x4: {  	_ = 	snop  }
0x5: {  	_ = 	snop  }
0x6: {  	_ = 	snop  }
0x7: {  	_ = 	snop  }
__scs_overlays_trampoline_lowered:
0x8: {  	[smem:$0x3FAA] =	sst s0  }
0x9: {  	[smem:$0x3FAB] =	sst s1  }
0xa: {  	[smem:$0x3FAC] =	sst s2  }
0xb: {  	[smem:$0x3FAD] =	sst s3  }
0xc: {  	[smem:$0x3FAE] =	sst s4  }
0xd: {  	[smem:$0x3FAF] =	sst s5  }
0xe: {  	[smem:$0x3FB0] =	sst s6  }
0xf: {  	[smem:$0x3FB1] =	sst s7  }
0x10: {  	[smem:$0x3FB2] =	sst s8  }
0x11: {  	[smem:$0x3FB3] =	sst s9;
	s0 =	simm.s32 @!p0 $0x0  }
0x12: {  	s1 =	sld [smem:$0x3F99];
	s0 =	simm.s32 @p0 $0x1  }
0x13: {  	[smem:$0x3FB4] =	sst s0;
	s0 =	simm.s32 @!p1 $0x0  }
0x14: {  	s2 =	sld [smem:$0x3F98];
	s0 =	simm.s32 @p1 $0x1  }
0x15: {  	[smem:$0x3FB5] =	sst s0;
	s0 =	simm.s32 @!p2 $0x0  }
0x16: {  	s3 =	sld [smem:$0x3FDB];
	s0 =	simm.s32 @p2 $0x1  }
0x17: {  	s4 =	simm.s32 $0x1BF5;
	[smem:$0x3FB7] =	sst s0  }
0x18: {  	s0 =	sld [smem:$0x3F9A];
	_ =	swait.ge [sflag:s4], $0x0  }
0x19: {  	s7 =	sld [smem:$0x3F9B]  }
0x1a: {  	s8 =	sadd.s32 $0xFFFFE003, lr  }
0x1b: {  	s9 =	sadd.s32 $0xFFFFFEF7, lr;
	s5 =	simm.s32 $0xFFFFFFFF;
	p2 =	slt.u32 s8, $0xFFFFF086  }
0x1c: {  	p1 =	slt.u32 s9, $0xF7A;
	s5 =	simm.s32 @!p2 $0x0  }
0x1d: {  	s5 =	simm.s32 @p1 $0x1;
	p0 =	seq.s32 s7, s2  }
0x1e: {  	s7 =	smul.u32 @!p0 $0xF7A, s2;
	p2 =	seq.s32 @!p0 s5, $0x0  }
0x1f: {  	s9 =	smul.u32 $0xF7A, s1;
	s8 =	simm.s32 @!p0 $0x1BF5;
	p2 =	por !p2, p0  }
0x20: {  	[sflag:s8] =	ssyncset.s32 @!p0 $0xFFFFF086;
	s6 =	sadd.s32 @!p0 s3, s7;
	s7 =	simm.s32 @!p0 $0x108  }
0x21: {  	s3 =	sadd.s32 s3, s9;
	s6 =	sadd.s32 @!p0 $0x88, s6;
	s7 =	simm.s32 @p2 $0x1082  }
0x22: {  	[simem:s7], [sflag:s8] =	dma.local @!p0 [hbm:s6], $0xF7A  }
0x23: {  	s9 =	sor.u32 $0xD0000000, s2;
	s6 =	simm.s32 $0x108;
	_ =	swait.ge @!p0 [sflag:s8], $0x0  }
0x24: {  	s3 =	sadd.s32 $0x88, s3;
	s6 =	simm.s32 @!p1 $0x1082;
	[sflag:s4] =	ssyncset.s32 $0xFFFFF086  }
0x25: {  	[simem:s6], [sflag:s4] =	dma.local [hbm:s3], $0xF7A  }
0x26: {  	[smem:$0x3F9B] =	sst s1;
	(tag) =	ssettag s2;
	_ =	strace s9  }
0x27: {  	s1 =	sld [smem:$0x3FAB]  }
0x28: {  	s2 =	sld [smem:$0x3FAC]  }
0x29: {  	s4 =	sld [smem:$0x3FAE]  }
0x2a: {  	p0 =	seq.s32 s5, $0x0;
	s5 =	sld [smem:$0x3FAF]  }
0x2b: {  	s6 =	sld [smem:$0x3FB0]  }
0x2c: {  	s7 =	sld [smem:$0x3FB1]  }
0x2d: {  	s3 =	simm.s32 $0x108;
	s8 =	sld [smem:$0x3FB2]  }
0x2e: {  	s3 =	simm.s32 @!p0 $0x1082;
	s9 =	sld [smem:$0x3FB3]  }
0x2f: {  	lr =	sadd.s32 s0, s3;
	s0 =	sld [smem:$0x3FAA]  }
0x30: {  	s3 =	sld [smem:$0x3FAD]  }
0x31: {  	[smem:$0x3FB6] =	sst s10  }
0x32: {  	s10 =	sld [smem:$0x3FB4];
	_ =	sdelay $0x3  }
0x33: {  	p0 =	seq.s32 s10, $0x1;
	s10 =	sld [smem:$0x3FB6];
	_ =	sdelay $0x3  }
0x34: {  	[smem:$0x3FB6] =	sst s10  }
0x35: {  	s10 =	sld [smem:$0x3FB5];
	_ =	sdelay $0x3  }
0x36: {  	p1 =	seq.s32 s10, $0x1;
	s10 =	sld [smem:$0x3FB6];
	_ =	sdelay $0x3  }
0x37: {  	[smem:$0x3FB6] =	sst s10  }
0x38: {  	s10 =	sld [smem:$0x3FB7]  }
0x39: {  	_ = 	snop;
	(pc) =	sbr.ind lr, $3  }
0x3a: {  	_ = 	snop  }
0x3b: {  	_ = 	snop  }
0x3c: {  	p2 =	seq.s32 s10, $0x1;
	s10 =	sld [smem:$0x3FB6]  }
0x3d: {  	_ =	shalt  }
0x3e: {  	_ =	shalt  }
0x3f: {  	_ =	shalt  }
0x40: {  	_ =	shalt  }
0x41: {  	_ =	shalt  }
0x42: {  	_ =	shalt  }
0x43: {  	_ =	shalt  }
0x44: {  	_ =	shalt  }
0x45: {  	_ =	shalt  }
0x46: {  	_ =	shalt  }
0x47: {  	_ =	shalt  }
0x48: {  	_ =	shalt  }
0x49: {  	_ =	shalt  }
0x4a: {  	_ =	shalt  }
0x4b: {  	_ =	shalt  }
0x4c: {  	_ =	shalt  }
0x4d: {  	_ =	shalt  }
0x4e: {  	_ =	shalt  }
0x4f: {  	_ =	shalt  }
0x50: {  	_ =	shalt  }
0x51: {  	_ =	shalt  }
0x52: {  	_ =	shalt  }
0x53: {  	_ =	shalt  }
0x54: {  	_ =	shalt  }
0x55: {  	_ =	shalt  }
0x56: {  	_ =	shalt  }
0x57: {  	_ =	shalt  }
0x58: {  	_ =	shalt  }
0x59: {  	_ =	shalt  }
0x5a: {  	_ =	shalt  }
0x5b: {  	_ =	shalt  }
0x5c: {  	_ =	shalt  }
0x5d: {  	_ =	shalt  }
0x5e: {  	_ =	shalt  }
0x5f: {  	_ =	shalt  }
0x60: {  	_ =	shalt  }
0x61: {  	_ =	shalt  }
0x62: {  	_ =	shalt  }
0x63: {  	_ =	shalt  }
0x64: {  	_ =	shalt  }
0x65: {  	_ =	shalt  }
0x66: {  	_ =	shalt  }
0x67: {  	_ =	shalt  }
0x68: {  	_ =	shalt  }
0x69: {  	_ =	shalt  }
0x6a: {  	_ =	shalt  }
0x6b: {  	_ =	shalt  }
0x6c: {  	_ =	shalt  }
0x6d: {  	_ =	shalt  }
0x6e: {  	_ =	shalt  }
0x6f: {  	_ =	shalt  }
0x70: {  	_ =	shalt  }
0x71: {  	_ =	shalt  }
0x72: {  	_ =	shalt  }
0x73: {  	_ =	shalt  }
0x74: {  	_ =	shalt  }
0x75: {  	_ =	shalt  }
0x76: {  	_ =	shalt  }
0x77: {  	_ =	shalt  }
0x78: {  	_ =	shalt  }
0x79: {  	_ =	shalt  }
0x7a: {  	_ =	shalt  }
0x7b: {  	_ =	shalt  }
0x7c: {  	_ =	shalt  }
0x7d: {  	_ =	shalt  }
0x7e: {  	_ =	shalt  }
0x7f: {  	_ =	shalt  }
0x80: {  	_ =	shalt  }
0x81: {  	_ =	shalt  }
0x82: {  	_ =	shalt  }
0x83: {  	_ =	shalt  }
0x84: {  	_ =	shalt  }
0x85: {  	_ =	shalt  }
0x86: {  	_ =	shalt  }
0x87: {  	_ =	shalt  }
.Lfunc_end0:
.L_simem_size_0:
called_computation.1_lowered:
.L_overlay_start_0:
0x88: {  	s2 =	sld [smem:$0x3FD9]  }
0x89: {  	s3 =	sld [smem:$0x3FFE];
	_ =	sdelay $0x1  }
0x8a: {  	s1 =	srdreg.scid  }
0x8b: {  	s0 =	sand.u32 $0x1, s1  }
0x8c: {  	s17 =	sshll.u32 s0, $0xA;
	s2 =	sadd.s32 s3, s2  }
0x8d: {  	s2 =	sadd.s32 s2, s17  }
0x8e: {  	[smem:$0x3FC2] =	sst s2  }
0x8f: {  	_ = 	snop  }
0x90: {  	s2 =	sld [smem:$0x3FD0];
	(tm) =	ssettm $0x1  }
0x91: {  	s18 =	sld [smem:$0x3FFB];
	_ =	sdelay $0x3  }
0x92: {  	_ =	strace s18  }
0x93: {  	s3 =	sld [smem:$0x3FFC];
	_ =	sdelay $0x3  }
0x94: {  	_ =	strace s3  }
0x95: {  	s3 =	sld [smem:$0x3FFD];
	_ =	sdelay $0x3  }
0x96: {  	_ =	strace s3  }
0x97: {  	_ =	strace $0x8FFFFFFF  }
0x98: {  	s19 =	sld [smem:$0x3FDB];
	_ =	sdelay $0x1  }
0x99: {  	s4 =	simm.s32 $_scs_section_size  }
0x9a: {  	s5 =	simm.s32 $_size__tile_overlayer_lowered;
	s6 =	simm.s32 $_tile_overlayer_lowered  }
0x9b: {  	s22 =	simm.s32 $0x1BFF;
	s21 =	sshll.u32 s6, $0x1;
	s3 =	sadd.s32 s4, s19  }
0x9c: {  	s7 =	simm.s32 $0x0;
	s20 =	sshll.u32 s5, $0x1;
	s5 =	sadd.s32 s21, s3  }
0x9d: {  	[timem:s7], [sflag:s22] =	dma.local [hbm:s5], s20  }
0x9e: {  	_ =	swait.ge [sflag:s22], s20  }
0x9f: {  	s4 =	ssub.s32 $0x0, s20;
	[sflag:s22] =	ssyncset.done $0x0  }
0xa0: {  	[sflag:s22] =	ssyncadd.s32 s4;
	_ =	sdelay $0x1  }
0xa1: {  	s23 =	simm.s32 $0x1B8B  }
0xa2: {  	_ =	swait.ge [sflag:s23], $0x1  }
0xa3: {  	[sflag:s23] =	ssyncset.done $0x0  }
0xa4: {  	s25 =	simm.s32 $0x1B8E;
	s24 =	sld [smem:$0x3FFE];
	[sflag:s23] =	ssyncadd.s32 $0xFFFFFFFF  }
0xa5: {  	s26 =	simm.s32 $execute0_lowered;
	[smem:$0x3FD2] =	sst s25  }
0xa6: {  	s5 =	sshll.u32 s26, $0x1;
	_ =	strace $0x80000049;
	[dreg:$0x1] =	wrdreg $0xFFFFFFFF  }
0xa7: {  	s28 =	simm.s32 $_size_execute0_lowered;
	s3 =	sadd.s32 s3, s5;
	[dreg:$0x0] =	wrdreg $0x0  }
0xa8: {  	s5 =	sshll.u32 s28, $0x1;
	[dreg:$0x2] =	wrdreg s3  }
0xa9: {  	[dreg:$0x3] =	wrdreg s5  }
0xaa: {  	[dreg:$0x4] =	wrdreg $0xC0  }
0xab: {  	_ =	task [dreg:s7], $0x5FFFF  }
0xac: {  	[dreg:$0x1] =	wrdreg $0xFFFFFFFF  }
0xad: {  	[dreg:$0x0] =	wrdreg $0x60  }
0xae: {  	[dreg:$0x2] =	wrdreg s24  }
0xaf: {  	[dreg:$0x3] =	wrdreg s2  }
0xb0: {  	[dreg:$0x4] =	wrdreg $0x43000  }
0xb1: {  	[dreg:$0x5] =	wrdreg $0xE3000  }
0xb2: {  	[dreg:$0x6] =	wrdreg $0x9  }
0xb3: {  	_ =	task.clear_ibuf [dreg:s7], $0x7FFFF;
	_ =	strace $0x90000049  }
0xb4: {  	s29 =	simm.s32 $0x9;
	_ =	strace $0x8000004B  }
0xb5: {  	_ =	swait.ge [sflag:s29], $0x1  }
0xb6: {  	[sflag:s29] =	ssyncadd.s32 $0xFFFFFFFF  }
0xb7: {  	_ =	strace $0x9000004B  }
0xb8: {  	_ =	sfence  }
0xb9: {  	s30 =	sld [smem:$0x0];
	_ =	sdelay $0x2  }
0xba: {  	s31 =	sshll.u32 s1, $0xD;
	s1 =	sshrl.u32 s1, $0x2  }
0xbb: {  	s3 =	sand.u32 $0x4000, s31;
	s1 =	sadd.s32 s1, s30  }
0xbc: {  	s0 =	sor.u32 s3, s0;
	s1 =	sshll.u32 s1, $0x11  }
0xbd: {  	s0 =	sor.u32 s1, s0  }
0xbe: {  	s0 =	sadd.s32 $0x8F2B, s0  }
0xbf: {  	[sflag:s0] =	ssyncadd.remote.s32 $0x1  }
0xc0: {  	_ =	sfence.sel $0xFFFF  }
0xc1: {  	[dreg:$0x0] =	wrdreg $0xFFFFFFFF;
	(pc) =	sbr.abs _section_cstart, $3  }
0xc2: {  	[dreg:$0x1] =	wrdreg $0xFFFFFFFF  }
0xc3: {  	_ =	task.clear_ibuf [dreg:s7], $0x2FFFF;
	_ =	strace $0x9FFFFFFF  }
0xc4: {  	(tm) =	ssettm $0x7FFFFFFF  }
0xc5: {  	_ =	shalt  }
tec
execute0_lowered:
.L_overlay_start_1:
0x0: {  	(tag) =	ssettag $0x1  }
0x1: {  	s6 =	rddreg [dreg:$0x0]  }
0x2: {  	s12 =	rddreg [dreg:$0x1]  }
0x3: {  	s2 =	rddreg [dreg:$0x2];
	s1 =	srdreg.scid  }
0x4: {  	s0 =	stileid.u32;
	s3 =	rddreg [dreg:$0x3]  }
0x5: {  	s4 =	simm.s32 $0x0;
	s18 =	simm.s32 $0x180;
	s20 =	simm.s32 $0x3  }
0x6: {  	s22 =	simm.s32 $0x1;
	s23 =	simm.s32 $0x300;
	s24 =	simm.s32 $0x2  }
0x7: {  	s25 =	simm.s32 $0x0;
	s7 =	sand.u32 $0x1, s1;
	s13 =	smul.u32 $0xA000, s0  }
0x8: {  	[smem:$0x7FF] =	sst s4;
	s15 =	smul.u32 $0x4F00, s0;
	s5 =	sadd.s32 $0x2400, s6  }
0x9: {  	s11 =	sshll.u32 s0, $0x6;
	s8 =	smul.u32 $0xA0000, s7;
	_ =	strace $0x8000004A  }
0xa: {  	s7 =	ssub.s32 $0x2, s7;
	s11 =	sor.u32 $0x1C03, s11;
	s9 =	sshrl.u32 s15, $0x3  }
0xb: {  	s31 =	sshrl.u32 s7, $0x1;
	s19 =	sadd.s32 s13, s2;
	s17 =	sshrl.u32 s13, $0x3  }
0xc: {  	s21 =	sadd.s32 s13, s3;
	s15 =	sadd.s32 $0x4F100, s15;
	s8 =	sadd.s32 s13, s8  }
0xd: {  	s16 =	ssub.s32 s7, s31;
	s12 =	sadd.s32 s12, s17;
	s8 =	sshrl.u32 s8, $0x3  }
0xe: {  	s17 =	simm.s32 $0x100;
	s14 =	sadd.s32 s8, s6;
	s6 =	sadd.s32 s5, s9  }
0xf: {  	s19 =	sshrl.u32 s19, $0x3;
	s21 =	sshrl.u32 s21, $0x3;
	s7 =	sadd.s32 $0x9E00, s6  }
0x10: {  	s8 =	sadd.s32 $0x10, s6;
	s9 =	sadd.s32 $0x9E10, s6;
	s10 =	sadd.s32 $0x16000, s14  }
0x11: {  	s13 =	sadd.s32 $0x3E000, s14;
	s14 =	smax.u32 s16, $0x1;
	s16 =	simm.s32 $0x80  }
.LBB2_1:
0x12: {  	[tilespmem:s4], [sflag:$0x1] =	stream.linear.gather [hbm4b:s6+s4], $0x80, $0x38;
	[tilespmem:$0x18300] =	vst v63  }
0x13: {  	_ = 	snop  }
0x14: {  	[tilespmem:s16], [sflag:$0x1] =	stream.linear.gather [hbm4b:s7+s4], $0x80, $0x38;
	[tilespmem:$0x18300] =	vst v63  }
0x15: {  	_ = 	snop  }
0x16: {  	[tilespmem:s17], [sflag:$0x1] =	stream.linear.gather [hbm4b:s8+s4], $0x80, $0x38;
	[tilespmem:$0x18300] =	vst v63  }
0x17: {  	_ = 	snop  }
0x18: {  	[tilespmem:s18], [sflag:$0x1] =	stream.linear.gather [hbm4b:s9+s4], $0x80, $0x38;
	[tilespmem:$0x18300] =	vst v63  }
0x19: {  	[spmem:s19], [sflag:s11] =	dma.local [hbm:s10], $0x1400  }
0x1a: {  	_ =	swait.ge [sflag:s20], $0x1400  }
0x1b: {  	[sflag:s20] =	ssyncset.done $0x0  }
0x1c: {  	[sflag:s20] =	ssyncadd.s32 $0xFFFFEC00  }
0x1d: {  	[spmem:s21], [sflag:s11] =	dma.local [hbm:s12], $0x1400  }
0x1e: {  	_ =	swait.ge [sflag:s20], $0x1400  }
0x1f: {  	[sflag:s20] =	ssyncset.done $0x0  }
0x20: {  	[sflag:s20] =	ssyncadd.s32 $0xFFFFEC00  }
0x21: {  	[bflag:$0x0] =	sbarrier.arrive $0xFFFF  }
0x22: {  	_ =	swait.ge [sflag:s22], $0x80  }
0x23: {  	[sflag:s22] =	ssyncset.done $0x0  }
.Ltmp0:
0x24: {  	[sflag:s22] =	ssyncadd.s32 $0xFFFFFF80;
	(pc) =	sbr.rel .LBB2_2-.Ltmp0, $4  }
0x25: {  	_ =	swait.ge [sflag:s22], $0x80  }
0x26: {  	s26 =	simm.s32 $0x0;
	[sflag:s22] =	ssyncset.done $0x0  }
0x27: {  	s28 =	smov.u32 s15;
	s29 =	simm.s32 $0x2;
	[sflag:s22] =	ssyncadd.s32 $0xFFFFFF80  }
0x28: {  	[tilespmem:s23], [sflag:$0x2] =	stream.indirect.gather [spmem:s2], $0x40, s4, s16, $0xb8;
	[tilespmem:$0x18300] =	vst v63  }
.LBB2_3:
0x29: {  	s1 =	smul.u32 $0xAB, s29;
	_ =	sdelay $0x1  }
0x2a: {  	s1 =	sshrl.u32 s1, $0x9  }
0x2b: {  	s1 =	sand.u32 $0x7F, s1  }
0x2c: {  	s1 =	smul.u32 $0x3, s1;
	_ =	sdelay $0x1  }
0x2d: {  	s30 =	sadd.s32 $0xFFFB1000, s28;
	s1 =	ssub.s32 s29, s1  }
0x2e: {  	s30 =	sshrl.u32 s30, $0x3;
	s1 =	sand.u32 $0xFF, s1  }
0x2f: {  	s31 =	sshrl.u32 s28, $0x3;
	s30 =	sadd.s32 s5, s30;
	s1 =	sshll.u32 s1, $0x8  }
0x30: {  	[tilespmem:s1], [sflag:$0x1] =	stream.linear.gather [hbm4b:s30+s4], $0x80, $0x38;
	[tilespmem:$0x18300] =	vst v63  }
0x31: {  	s1 =	sor.u32 $0x80, s1;
	s30 =	sadd.s32 s5, s31  }
0x32: {  	[tilespmem:s1], [sflag:$0x1] =	stream.linear.gather [hbm4b:s30+s4], $0x80, $0x38;
	[tilespmem:$0x18300] =	vst v63  }
.LBB2_5:
0x33: {  	s1 =	sadd.s32 $0xFFFFFFFF, s29  }
0x34: {  	s30 =	smul.u32 $0xAB, s1;
	_ =	sdelay $0x1  }
0x35: {  	s30 =	sshrl.u32 s30, $0x9  }
0x36: {  	_ =	swait.ge [sflag:s22], $0x80;
	s30 =	sand.u32 $0x7F, s30  }
0x37: {  	[sflag:s22] =	ssyncset.done $0x0;
	s30 =	smul.u32 $0x3, s30  }
0x38: {  	s26 =	sadd.s32 $0x2000, s26;
	s29 =	sadd.s32 $0x1, s29;
	[sflag:s22] =	ssyncadd.s32 $0xFFFFFF80  }
0x39: {  	s28 =	sadd.s32 $0x80, s28;
	_ =	swait.ge [sflag:s22], $0x80;
	s1 =	ssub.s32 s1, s30  }
0x3a: {  	s31 =	sand.u32 $0x2000, s26;
	[sflag:s22] =	ssyncset.done $0x0;
	s1 =	sand.u32 $0xFF, s1  }
0x3b: {  	[sflag:s22] =	ssyncadd.s32 $0xFFFFFF80;
	s30 =	sor.u32 $0x300, s31;
	s1 =	sshll.u32 s1, $0x8  }
0x3c: {  	[tilespmem:s30], [sflag:$0x2] =	stream.indirect.gather [spmem:s2], $0x40, s1, s16, $0xb8;
	[tilespmem:$0x18300] =	vst v63  }
.LBB2_2:
0x3d: {  	s30 =	sadd.s32 $0xFFFFFFFE, s29  }
0x3e: {  	s31 =	smul.u32 $0xAB, s30;
	_ =	sdelay $0x1  }
0x3f: {  	s31 =	sshrl.u32 s31, $0x9  }
0x40: {  	s31 =	sand.u32 $0x7F, s31  }
0x41: {  	s31 =	smul.u32 $0x3, s31;
	_ =	sdelay $0x1  }
0x42: {  	_ =	swait.ge [sflag:s24], $0x2000;
	s31 =	ssub.s32 s30, s31  }
0x43: {  	s1 =	sand.u32 $0x2000, s26;
	[sflag:s24] =	ssyncset.done $0x0;
	s31 =	sand.u32 $0xFF, s31  }
0x44: {  	s1 =	sor.u32 $0x300, s1;
	p0 =	sgt.u32 s30, $0x9B;
	s31 =	sshll.u32 s31, $0x8  }
.Ltmp1:
0x45: {  	[sflag:s24] =	ssyncadd.s32 $0xFFFFE000;
	s31 =	sor.u32 $0x80, s31;
	(pc) =	sbr.rel @!p0 .LBB2_3-.Ltmp1, $4  }
0x46: {  	[spmem:s3] =	stream.indirect.scatter.add.f32 [tilespmem:s1], [sflag:$0x3], $0x40, s31, s16, $0xb8;
	[tilespmem:$0x18300] =	vst v63  }
0x47: {  	_ =	swait.ge [sflag:s20], $0x2000  }
0x48: {  	[sflag:s20] =	ssyncset.done $0x0  }
0x49: {  	[sflag:s20] =	ssyncadd.s32 $0xFFFFE000  }
0x4a: {  	p0 =	seq.s32 s29, $0x9F  }
.Ltmp2:
0x4b: {  	_ = 	snop;
	(pc) =	sbr.rel @!p0 .LBB2_5-.Ltmp2, $1  }
0x4c: {  	_ =	sdelay $0x3  }
0x4d: {  	s25 =	sadd.s32 $0x1, s25  }
0x4e: {  	p0 =	sne.s32 s25, s14  }
.Ltmp3:
0x4f: {  	[bflag:$0x0] =	sbarrier.arrive $0xFFFF;
	(pc) =	sbr.rel @p0 .LBB2_1-.Ltmp3, $4  }
0x50: {  	[hbm:s13], [sflag:s11] =	dma.local [spmem:s21], $0x1400  }
0x51: {  	_ =	swait.ge [sflag:s20], $0x1400  }
0x52: {  	[sflag:s20] =	ssyncset.done $0x0  }
0x53: {  	[sflag:s20] =	ssyncadd.s32 $0xFFFFEC00  }
0x54: {  	_ =	sfence.sel $0x180000  }
0x55: {  	[bflag:$0x0] =	sbarrier.arrive $0xFFFF  }
0x56: {  	_ =	strace $0x9000004A  }
0x57: {  	[bflag:$0x2] =	sbarrier.arrive $0xFFFF  }
0x58: {  	p0 =	sne.s32 s0, $0x0;
	s0 =	rddreg [dreg:$0x4]  }
0x59: {  	s0 =	sadd.s32 @!p0 $0x100000, s0  }
0x5a: {  	[sflag:s0] =	ssyncadd.tile.s32 @!p0 $0x1;
	_ =	shalt  }
.Lfunc_end2:
_tile_overlayer_lowered:
.L_overlay_start_2:
0x5b: {  	(tag) =	ssettag $0x2  }
0x5c: {  	s0 =	rddreg [dreg:$0x0];
	s2 =	stileid.u32  }
0x5d: {  	s1 =	rddreg [dreg:$0x1];
	p0 =	sne.s32 s2, $0x0  }
0x5e: {  	s3 =	rddreg [dreg:$0x2];
	[bflag:$0x3] =	sbarrier.arrive $0xFFFF;
	s2 =	simm.s32 @!p0 $0x1C03  }
0x5f: {  	[timem:s3], [sflag:s2] =	dma.local @!p0 [hbm:s0], s1  }
0x60: {  	s0 =	simm.s32 @!p0 $0x3  }
0x61: {  	_ =	swait.ge @!p0 [sflag:s0], s1  }
0x62: {  	s1 =	ssub.s32 @!p0 $0x0, s1;
	[sflag:s0] =	ssyncset.done @!p0 $0x0  }
0x63: {  	[sflag:s0] =	ssyncadd.s32 @!p0 s1  }
0x64: {  	[bflag:$0x3] =	sbarrier.arrive $0xFFFF  }
0x65: {  	_ =	shalt  }

// kernel: kernel.14.cloned.1.call-start
scs
__scs_entry_jumppad:
0x0: {  	(pc) =	sbr.rel $0x88, $3  }
0x1: {  	(tag) =	ssettag $0x0;
	lr =	simm.s32 $0x1  }
0x2: {  	[smem:$0x3F9B] =	sst lr;
	_ =	strace $0xD0000000  }
0x3: {  	_ = 	snop  }
0x4: {  	_ = 	snop  }
0x5: {  	_ = 	snop  }
0x6: {  	_ = 	snop  }
0x7: {  	_ = 	snop  }
__scs_overlays_trampoline_lowered:
0x8: {  	[smem:$0x3FAA] =	sst s0  }
0x9: {  	[smem:$0x3FAB] =	sst s1  }
0xa: {  	[smem:$0x3FAC] =	sst s2  }
0xb: {  	[smem:$0x3FAD] =	sst s3  }
0xc: {  	[smem:$0x3FAE] =	sst s4  }
0xd: {  	[smem:$0x3FAF] =	sst s5  }
0xe: {  	[smem:$0x3FB0] =	sst s6  }
0xf: {  	[smem:$0x3FB1] =	sst s7  }
0x10: {  	[smem:$0x3FB2] =	sst s8  }
0x11: {  	[smem:$0x3FB3] =	sst s9;
	s0 =	simm.s32 @!p0 $0x0  }
0x12: {  	s1 =	sld [smem:$0x3F99];
	s0 =	simm.s32 @p0 $0x1  }
0x13: {  	[smem:$0x3FB4] =	sst s0;
	s0 =	simm.s32 @!p1 $0x0  }
0x14: {  	s2 =	sld [smem:$0x3F98];
	s0 =	simm.s32 @p1 $0x1  }
0x15: {  	[smem:$0x3FB5] =	sst s0;
	s0 =	simm.s32 @!p2 $0x0  }
0x16: {  	s3 =	sld [smem:$0x3FDB];
	s0 =	simm.s32 @p2 $0x1  }
0x17: {  	s4 =	simm.s32 $0x1BF5;
	[smem:$0x3FB7] =	sst s0  }
0x18: {  	s0 =	sld [smem:$0x3F9A];
	_ =	swait.ge [sflag:s4], $0x0  }
0x19: {  	s7 =	sld [smem:$0x3F9B]  }
0x1a: {  	s8 =	sadd.s32 $0xFFFFE003, lr  }
0x1b: {  	s9 =	sadd.s32 $0xFFFFFEF7, lr;
	s5 =	simm.s32 $0xFFFFFFFF;
	p2 =	slt.u32 s8, $0xFFFFF086  }
0x1c: {  	p1 =	slt.u32 s9, $0xF7A;
	s5 =	simm.s32 @!p2 $0x0  }
0x1d: {  	s5 =	simm.s32 @p1 $0x1;
	p0 =	seq.s32 s7, s2  }
0x1e: {  	s7 =	smul.u32 @!p0 $0xF7A, s2;
	p2 =	seq.s32 @!p0 s5, $0x0  }
0x1f: {  	s9 =	smul.u32 $0xF7A, s1;
	s8 =	simm.s32 @!p0 $0x1BF5;
	p2 =	por !p2, p0  }
0x20: {  	[sflag:s8] =	ssyncset.s32 @!p0 $0xFFFFF086;
	s6 =	sadd.s32 @!p0 s3, s7;
	s7 =	simm.s32 @!p0 $0x108  }
0x21: {  	s3 =	sadd.s32 s3, s9;
	s6 =	sadd.s32 @!p0 $0x88, s6;
	s7 =	simm.s32 @p2 $0x1082  }
0x22: {  	[simem:s7], [sflag:s8] =	dma.local @!p0 [hbm:s6], $0xF7A  }
0x23: {  	s9 =	sor.u32 $0xD0000000, s2;
	s6 =	simm.s32 $0x108;
	_ =	swait.ge @!p0 [sflag:s8], $0x0  }
0x24: {  	s3 =	sadd.s32 $0x88, s3;
	s6 =	simm.s32 @!p1 $0x1082;
	[sflag:s4] =	ssyncset.s32 $0xFFFFF086  }
0x25: {  	[simem:s6], [sflag:s4] =	dma.local [hbm:s3], $0xF7A  }
0x26: {  	[smem:$0x3F9B] =	sst s1;
	(tag) =	ssettag s2;
	_ =	strace s9  }
0x27: {  	s1 =	sld [smem:$0x3FAB]  }
0x28: {  	s2 =	sld [smem:$0x3FAC]  }
0x29: {  	s4 =	sld [smem:$0x3FAE]  }
0x2a: {  	p0 =	seq.s32 s5, $0x0;
	s5 =	sld [smem:$0x3FAF]  }
0x2b: {  	s6 =	sld [smem:$0x3FB0]  }
0x2c: {  	s7 =	sld [smem:$0x3FB1]  }
0x2d: {  	s3 =	simm.s32 $0x108;
	s8 =	sld [smem:$0x3FB2]  }
0x2e: {  	s3 =	simm.s32 @!p0 $0x1082;
	s9 =	sld [smem:$0x3FB3]  }
0x2f: {  	lr =	sadd.s32 s0, s3;
	s0 =	sld [smem:$0x3FAA]  }
0x30: {  	s3 =	sld [smem:$0x3FAD]  }
0x31: {  	[smem:$0x3FB6] =	sst s10  }
0x32: {  	s10 =	sld [smem:$0x3FB4];
	_ =	sdelay $0x3  }
0x33: {  	p0 =	seq.s32 s10, $0x1;
	s10 =	sld [smem:$0x3FB6];
	_ =	sdelay $0x3  }
0x34: {  	[smem:$0x3FB6] =	sst s10  }
0x35: {  	s10 =	sld [smem:$0x3FB5];
	_ =	sdelay $0x3  }
0x36: {  	p1 =	seq.s32 s10, $0x1;
	s10 =	sld [smem:$0x3FB6];
	_ =	sdelay $0x3  }
0x37: {  	[smem:$0x3FB6] =	sst s10  }
0x38: {  	s10 =	sld [smem:$0x3FB7]  }
0x39: {  	_ = 	snop;
	(pc) =	sbr.ind lr, $3  }
0x3a: {  	_ = 	snop  }
0x3b: {  	_ = 	snop  }
0x3c: {  	p2 =	seq.s32 s10, $0x1;
	s10 =	sld [smem:$0x3FB6]  }
0x3d: {  	_ =	shalt  }
0x3e: {  	_ =	shalt  }
0x3f: {  	_ =	shalt  }
0x40: {  	_ =	shalt  }
0x41: {  	_ =	shalt  }
0x42: {  	_ =	shalt  }
0x43: {  	_ =	shalt  }
0x44: {  	_ =	shalt  }
0x45: {  	_ =	shalt  }
0x46: {  	_ =	shalt  }
0x47: {  	_ =	shalt  }
0x48: {  	_ =	shalt  }
0x49: {  	_ =	shalt  }
0x4a: {  	_ =	shalt  }
0x4b: {  	_ =	shalt  }
0x4c: {  	_ =	shalt  }
0x4d: {  	_ =	shalt  }
0x4e: {  	_ =	shalt  }
0x4f: {  	_ =	shalt  }
0x50: {  	_ =	shalt  }
0x51: {  	_ =	shalt  }
0x52: {  	_ =	shalt  }
0x53: {  	_ =	shalt  }
0x54: {  	_ =	shalt  }
0x55: {  	_ =	shalt  }
0x56: {  	_ =	shalt  }
0x57: {  	_ =	shalt  }
0x58: {  	_ =	shalt  }
0x59: {  	_ =	shalt  }
0x5a: {  	_ =	shalt  }
0x5b: {  	_ =	shalt  }
0x5c: {  	_ =	shalt  }
0x5d: {  	_ =	shalt  }
0x5e: {  	_ =	shalt  }
0x5f: {  	_ =	shalt  }
0x60: {  	_ =	shalt  }
0x61: {  	_ =	shalt  }
0x62: {  	_ =	shalt  }
0x63: {  	_ =	shalt  }
0x64: {  	_ =	shalt  }
0x65: {  	_ =	shalt  }
0x66: {  	_ =	shalt  }
0x67: {  	_ =	shalt  }
0x68: {  	_ =	shalt  }
0x69: {  	_ =	shalt  }
0x6a: {  	_ =	shalt  }
0x6b: {  	_ =	shalt  }
0x6c: {  	_ =	shalt  }
0x6d: {  	_ =	shalt  }
0x6e: {  	_ =	shalt  }
0x6f: {  	_ =	shalt  }
0x70: {  	_ =	shalt  }
0x71: {  	_ =	shalt  }
0x72: {  	_ =	shalt  }
0x73: {  	_ =	shalt  }
0x74: {  	_ =	shalt  }
0x75: {  	_ =	shalt  }
0x76: {  	_ =	shalt  }
0x77: {  	_ =	shalt  }
0x78: {  	_ =	shalt  }
0x79: {  	_ =	shalt  }
0x7a: {  	_ =	shalt  }
0x7b: {  	_ =	shalt  }
0x7c: {  	_ =	shalt  }
0x7d: {  	_ =	shalt  }
0x7e: {  	_ =	shalt  }
0x7f: {  	_ =	shalt  }
0x80: {  	_ =	shalt  }
0x81: {  	_ =	shalt  }
0x82: {  	_ =	shalt  }
0x83: {  	_ =	shalt  }
0x84: {  	_ =	shalt  }
0x85: {  	_ =	shalt  }
0x86: {  	_ =	shalt  }
0x87: {  	_ =	shalt  }
.Lfunc_end0:
.L_simem_size_0:
called_computation.2_lowered:
.L_overlay_start_0:
0x88: {  	s2 =	sld [smem:$0x3FD9]  }
0x89: {  	s3 =	sld [smem:$0x3FFE];
	_ =	sdelay $0x1  }
0x8a: {  	s1 =	srdreg.scid  }
0x8b: {  	s0 =	sand.u32 $0x1, s1  }
0x8c: {  	s17 =	sshll.u32 s0, $0xA;
	s2 =	sadd.s32 s3, s2  }
0x8d: {  	s2 =	sadd.s32 s2, s17  }
0x8e: {  	[smem:$0x3FC2] =	sst s2  }
0x8f: {  	_ = 	snop  }
0x90: {  	s2 =	sld [smem:$0x3FD0];
	(tm) =	ssettm $0x1  }
0x91: {  	s18 =	sld [smem:$0x3FFB];
	_ =	sdelay $0x3  }
0x92: {  	_ =	strace s18  }
0x93: {  	s3 =	sld [smem:$0x3FFC];
	_ =	sdelay $0x3  }
0x94: {  	_ =	strace s3  }
0x95: {  	s3 =	sld [smem:$0x3FFD];
	_ =	sdelay $0x3  }
0x96: {  	_ =	strace s3  }
0x97: {  	_ =	strace $0x8FFFFFFF  }
0x98: {  	s19 =	sld [smem:$0x3FDB];
	_ =	sdelay $0x1  }
0x99: {  	s4 =	simm.s32 $_scs_section_size  }
0x9a: {  	s5 =	simm.s32 $_size__tile_overlayer_lowered;
	s6 =	simm.s32 $_tile_overlayer_lowered  }
0x9b: {  	s22 =	simm.s32 $0x1BFF;
	s21 =	sshll.u32 s6, $0x1;
	s3 =	sadd.s32 s4, s19  }
0x9c: {  	s7 =	simm.s32 $0x0;
	s20 =	sshll.u32 s5, $0x1;
	s5 =	sadd.s32 s21, s3  }
0x9d: {  	[timem:s7], [sflag:s22] =	dma.local [hbm:s5], s20  }
0x9e: {  	_ =	swait.ge [sflag:s22], s20  }
0x9f: {  	s4 =	ssub.s32 $0x0, s20;
	[sflag:s22] =	ssyncset.done $0x0  }
0xa0: {  	[sflag:s22] =	ssyncadd.s32 s4;
	_ =	sdelay $0x1  }
0xa1: {  	s23 =	simm.s32 $0x1B8B  }
0xa2: {  	_ =	swait.ge [sflag:s23], $0x1  }
0xa3: {  	[sflag:s23] =	ssyncset.done $0x0  }
0xa4: {  	s25 =	simm.s32 $0x1B8E;
	s24 =	sld [smem:$0x3FFE];
	[sflag:s23] =	ssyncadd.s32 $0xFFFFFFFF  }
0xa5: {  	s26 =	simm.s32 $execute0_lowered;
	[smem:$0x3FD2] =	sst s25  }
0xa6: {  	s5 =	sshll.u32 s26, $0x1;
	_ =	strace $0x8000004C;
	[dreg:$0x1] =	wrdreg $0xFFFFFFFF  }
0xa7: {  	s28 =	simm.s32 $_size_execute0_lowered;
	s3 =	sadd.s32 s3, s5;
	[dreg:$0x0] =	wrdreg $0x0  }
0xa8: {  	s5 =	sshll.u32 s28, $0x1;
	[dreg:$0x2] =	wrdreg s3  }
0xa9: {  	[dreg:$0x3] =	wrdreg s5  }
0xaa: {  	[dreg:$0x4] =	wrdreg $0xC0  }
0xab: {  	_ =	task [dreg:s7], $0x5FFFF  }
0xac: {  	[dreg:$0x1] =	wrdreg $0xFFFFFFFF  }
0xad: {  	[dreg:$0x0] =	wrdreg $0x60  }
0xae: {  	[dreg:$0x2] =	wrdreg s24  }
0xaf: {  	[dreg:$0x3] =	wrdreg s2  }
0xb0: {  	[dreg:$0x4] =	wrdreg $0x43000  }
0xb1: {  	[dreg:$0x5] =	wrdreg $0xE3000  }
0xb2: {  	[dreg:$0x6] =	wrdreg $0x9  }
0xb3: {  	_ =	task.clear_ibuf [dreg:s7], $0x7FFFF;
	_ =	strace $0x9000004C  }
0xb4: {  	s29 =	simm.s32 $0x9;
	_ =	strace $0x8000004E  }
0xb5: {  	_ =	swait.ge [sflag:s29], $0x1  }
0xb6: {  	[sflag:s29] =	ssyncadd.s32 $0xFFFFFFFF  }
0xb7: {  	_ =	strace $0x9000004E  }
0xb8: {  	_ =	sfence  }
0xb9: {  	s30 =	sld [smem:$0x0];
	_ =	sdelay $0x2  }
0xba: {  	s31 =	sshll.u32 s1, $0xD;
	s1 =	sshrl.u32 s1, $0x2  }
0xbb: {  	s3 =	sand.u32 $0x4000, s31;
	s1 =	sadd.s32 s1, s30  }
0xbc: {  	s0 =	sor.u32 s3, s0;
	s1 =	sshll.u32 s1, $0x11  }
0xbd: {  	s0 =	sor.u32 s1, s0  }
0xbe: {  	s0 =	sadd.s32 $0x8F2B, s0  }
0xbf: {  	[sflag:s0] =	ssyncadd.remote.s32 $0x1  }
0xc0: {  	_ =	sfence.sel $0xFFFF  }
0xc1: {  	[dreg:$0x0] =	wrdreg $0xFFFFFFFF;
	(pc) =	sbr.abs _section_cstart, $3  }
0xc2: {  	[dreg:$0x1] =	wrdreg $0xFFFFFFFF  }
0xc3: {  	_ =	task.clear_ibuf [dreg:s7], $0x2FFFF;
	_ =	strace $0x9FFFFFFF  }
0xc4: {  	(tm) =	ssettm $0x7FFFFFFF  }
0xc5: {  	_ =	shalt  }
tec
execute0_lowered:
.L_overlay_start_1:
0x0: {  	(tag) =	ssettag $0x1  }
0x1: {  	s6 =	rddreg [dreg:$0x0]  }
0x2: {  	s12 =	rddreg [dreg:$0x1]  }
0x3: {  	s2 =	rddreg [dreg:$0x2];
	s1 =	srdreg.scid  }
0x4: {  	s0 =	stileid.u32;
	s3 =	rddreg [dreg:$0x3]  }
0x5: {  	s4 =	simm.s32 $0x0;
	s18 =	simm.s32 $0x180;
	s20 =	simm.s32 $0x3  }
0x6: {  	s22 =	simm.s32 $0x1;
	s23 =	simm.s32 $0x300;
	s24 =	simm.s32 $0x2  }
0x7: {  	s25 =	simm.s32 $0x0;
	s7 =	sand.u32 $0x1, s1;
	s13 =	smul.u32 $0xA000, s0  }
0x8: {  	[smem:$0x7FF] =	sst s4;
	s15 =	smul.u32 $0x4F00, s0;
	s5 =	sadd.s32 $0x2400, s6  }
0x9: {  	s11 =	sshll.u32 s0, $0x6;
	s8 =	smul.u32 $0xA0000, s7;
	_ =	strace $0x8000004D  }
0xa: {  	s7 =	ssub.s32 $0x2, s7;
	s11 =	sor.u32 $0x1C03, s11;
	s9 =	sshrl.u32 s15, $0x3  }
0xb: {  	s31 =	sshrl.u32 s7, $0x1;
	s19 =	sadd.s32 s13, s2;
	s17 =	sshrl.u32 s13, $0x3  }
0xc: {  	s21 =	sadd.s32 s13, s3;
	s15 =	sadd.s32 $0x4F100, s15;
	s8 =	sadd.s32 s13, s8  }
0xd: {  	s16 =	ssub.s32 s7, s31;
	s12 =	sadd.s32 s12, s17;
	s8 =	sshrl.u32 s8, $0x3  }
0xe: {  	s17 =	simm.s32 $0x100;
	s14 =	sadd.s32 s8, s6;
	s6 =	sadd.s32 s5, s9  }
0xf: {  	s19 =	sshrl.u32 s19, $0x3;
	s21 =	sshrl.u32 s21, $0x3;
	s7 =	sadd.s32 $0x9E00, s6  }
0x10: {  	s8 =	sadd.s32 $0x10, s6;
	s9 =	sadd.s32 $0x9E10, s6;
	s10 =	sadd.s32 $0x16000, s14  }
0x11: {  	s13 =	sadd.s32 $0x3E000, s14;
	s14 =	smax.u32 s16, $0x1;
	s16 =	simm.s32 $0x80  }
.LBB2_1:
0x12: {  	[tilespmem:s4], [sflag:$0x1] =	stream.linear.gather [hbm4b:s6+s4], $0x80, $0x38;
	[tilespmem:$0x18300] =	vst v63  }
0x13: {  	_ = 	snop  }
0x14: {  	[tilespmem:s16], [sflag:$0x1] =	stream.linear.gather [hbm4b:s7+s4], $0x80, $0x38;
	[tilespmem:$0x18300] =	vst v63  }
0x15: {  	_ = 	snop  }
0x16: {  	[tilespmem:s17], [sflag:$0x1] =	stream.linear.gather [hbm4b:s8+s4], $0x80, $0x38;
	[tilespmem:$0x18300] =	vst v63  }
0x17: {  	_ = 	snop  }
0x18: {  	[tilespmem:s18], [sflag:$0x1] =	stream.linear.gather [hbm4b:s9+s4], $0x80, $0x38;
	[tilespmem:$0x18300] =	vst v63  }
0x19: {  	[spmem:s19], [sflag:s11] =	dma.local [hbm:s10], $0x1400  }
0x1a: {  	_ =	swait.ge [sflag:s20], $0x1400  }
0x1b: {  	[sflag:s20] =	ssyncset.done $0x0  }
0x1c: {  	[sflag:s20] =	ssyncadd.s32 $0xFFFFEC00  }
0x1d: {  	[spmem:s21], [sflag:s11] =	dma.local [hbm:s12], $0x1400  }
0x1e: {  	_ =	swait.ge [sflag:s20], $0x1400  }
0x1f: {  	[sflag:s20] =	ssyncset.done $0x0  }
0x20: {  	[sflag:s20] =	ssyncadd.s32 $0xFFFFEC00  }
0x21: {  	[bflag:$0x0] =	sbarrier.arrive $0xFFFF  }
0x22: {  	_ =	swait.ge [sflag:s22], $0x80  }
0x23: {  	[sflag:s22] =	ssyncset.done $0x0  }
.Ltmp0:
0x24: {  	[sflag:s22] =	ssyncadd.s32 $0xFFFFFF80;
	(pc) =	sbr.rel .LBB2_2-.Ltmp0, $4  }
0x25: {  	_ =	swait.ge [sflag:s22], $0x80  }
0x26: {  	s26 =	simm.s32 $0x0;
	[sflag:s22] =	ssyncset.done $0x0  }
0x27: {  	s28 =	smov.u32 s15;
	s29 =	simm.s32 $0x2;
	[sflag:s22] =	ssyncadd.s32 $0xFFFFFF80  }
0x28: {  	[tilespmem:s23], [sflag:$0x2] =	stream.indirect.gather [spmem:s2], $0x40, s4, s16, $0xb8;
	[tilespmem:$0x18300] =	vst v63  }
.LBB2_3:
0x29: {  	s1 =	smul.u32 $0xAB, s29;
	_ =	sdelay $0x1  }
0x2a: {  	s1 =	sshrl.u32 s1, $0x9  }
0x2b: {  	s1 =	sand.u32 $0x7F, s1  }
0x2c: {  	s1 =	smul.u32 $0x3, s1;
	_ =	sdelay $0x1  }
0x2d: {  	s30 =	sadd.s32 $0xFFFB1000, s28;
	s1 =	ssub.s32 s29, s1  }
0x2e: {  	s30 =	sshrl.u32 s30, $0x3;
	s1 =	sand.u32 $0xFF, s1  }
0x2f: {  	s31 =	sshrl.u32 s28, $0x3;
	s30 =	sadd.s32 s5, s30;
	s1 =	sshll.u32 s1, $0x8  }
0x30: {  	[tilespmem:s1], [sflag:$0x1] =	stream.linear.gather [hbm4b:s30+s4], $0x80, $0x38;
	[tilespmem:$0x18300] =	vst v63  }
0x31: {  	s1 =	sor.u32 $0x80, s1;
	s30 =	sadd.s32 s5, s31  }
0x32: {  	[tilespmem:s1], [sflag:$0x1] =	stream.linear.gather [hbm4b:s30+s4], $0x80, $0x38;
	[tilespmem:$0x18300] =	vst v63  }
.LBB2_5:
0x33: {  	s1 =	sadd.s32 $0xFFFFFFFF, s29  }
0x34: {  	s30 =	smul.u32 $0xAB, s1;
	_ =	sdelay $0x1  }
0x35: {  	s30 =	sshrl.u32 s30, $0x9  }
0x36: {  	_ =	swait.ge [sflag:s22], $0x80;
	s30 =	sand.u32 $0x7F, s30  }
0x37: {  	[sflag:s22] =	ssyncset.done $0x0;
	s30 =	smul.u32 $0x3, s30  }
0x38: {  	s26 =	sadd.s32 $0x2000, s26;
	s29 =	sadd.s32 $0x1, s29;
	[sflag:s22] =	ssyncadd.s32 $0xFFFFFF80  }
0x39: {  	s28 =	sadd.s32 $0x80, s28;
	_ =	swait.ge [sflag:s22], $0x80;
	s1 =	ssub.s32 s1, s30  }
0x3a: {  	s31 =	sand.u32 $0x2000, s26;
	[sflag:s22] =	ssyncset.done $0x0;
	s1 =	sand.u32 $0xFF, s1  }
0x3b: {  	[sflag:s22] =	ssyncadd.s32 $0xFFFFFF80;
	s30 =	sor.u32 $0x300, s31;
	s1 =	sshll.u32 s1, $0x8  }
0x3c: {  	[tilespmem:s30], [sflag:$0x2] =	stream.indirect.gather [spmem:s2], $0x40, s1, s16, $0xb8;
	[tilespmem:$0x18300] =	vst v63  }
.LBB2_2:
0x3d: {  	s30 =	sadd.s32 $0xFFFFFFFE, s29  }
0x3e: {  	s31 =	smul.u32 $0xAB, s30;
	_ =	sdelay $0x1  }
0x3f: {  	s31 =	sshrl.u32 s31, $0x9  }
0x40: {  	s31 =	sand.u32 $0x7F, s31  }
0x41: {  	s31 =	smul.u32 $0x3, s31;
	_ =	sdelay $0x1  }
0x42: {  	_ =	swait.ge [sflag:s24], $0x2000;
	s31 =	ssub.s32 s30, s31  }
0x43: {  	s1 =	sand.u32 $0x2000, s26;
	[sflag:s24] =	ssyncset.done $0x0;
	s31 =	sand.u32 $0xFF, s31  }
0x44: {  	s1 =	sor.u32 $0x300, s1;
	p0 =	sgt.u32 s30, $0x9B;
	s31 =	sshll.u32 s31, $0x8  }
.Ltmp1:
0x45: {  	[sflag:s24] =	ssyncadd.s32 $0xFFFFE000;
	s31 =	sor.u32 $0x80, s31;
	(pc) =	sbr.rel @!p0 .LBB2_3-.Ltmp1, $4  }
0x46: {  	[spmem:s3] =	stream.indirect.scatter.add.f32 [tilespmem:s1], [sflag:$0x3], $0x40, s31, s16, $0xb8;
	[tilespmem:$0x18300] =	vst v63  }
0x47: {  	_ =	swait.ge [sflag:s20], $0x2000  }
0x48: {  	[sflag:s20] =	ssyncset.done $0x0  }
0x49: {  	[sflag:s20] =	ssyncadd.s32 $0xFFFFE000  }
0x4a: {  	p0 =	seq.s32 s29, $0x9F  }
.Ltmp2:
0x4b: {  	_ = 	snop;
	(pc) =	sbr.rel @!p0 .LBB2_5-.Ltmp2, $1  }
0x4c: {  	_ =	sdelay $0x3  }
0x4d: {  	s25 =	sadd.s32 $0x1, s25  }
0x4e: {  	p0 =	sne.s32 s25, s14  }
.Ltmp3:
0x4f: {  	[bflag:$0x0] =	sbarrier.arrive $0xFFFF;
	(pc) =	sbr.rel @p0 .LBB2_1-.Ltmp3, $4  }
0x50: {  	[hbm:s13], [sflag:s11] =	dma.local [spmem:s21], $0x1400  }
0x51: {  	_ =	swait.ge [sflag:s20], $0x1400  }
0x52: {  	[sflag:s20] =	ssyncset.done $0x0  }
0x53: {  	[sflag:s20] =	ssyncadd.s32 $0xFFFFEC00  }
0x54: {  	_ =	sfence.sel $0x180000  }
0x55: {  	[bflag:$0x0] =	sbarrier.arrive $0xFFFF  }
0x56: {  	_ =	strace $0x9000004D  }
0x57: {  	[bflag:$0x2] =	sbarrier.arrive $0xFFFF  }
0x58: {  	p0 =	sne.s32 s0, $0x0;
	s0 =	rddreg [dreg:$0x4]  }
0x59: {  	s0 =	sadd.s32 @!p0 $0x100000, s0  }
0x5a: {  	[sflag:s0] =	ssyncadd.tile.s32 @!p0 $0x1;
	_ =	shalt  }
.Lfunc_end2:
_tile_overlayer_lowered:
.L_overlay_start_2:
0x5b: {  	(tag) =	ssettag $0x2  }
0x5c: {  	s0 =	rddreg [dreg:$0x0];
	s2 =	stileid.u32  }
0x5d: {  	s1 =	rddreg [dreg:$0x1];
	p0 =	sne.s32 s2, $0x0  }
0x5e: {  	s3 =	rddreg [dreg:$0x2];
	[bflag:$0x3] =	sbarrier.arrive $0xFFFF;
	s2 =	simm.s32 @!p0 $0x1C03  }
0x5f: {  	[timem:s3], [sflag:s2] =	dma.local @!p0 [hbm:s0], s1  }
0x60: {  	s0 =	simm.s32 @!p0 $0x3  }
0x61: {  	_ =	swait.ge @!p0 [sflag:s0], s1  }
0x62: {  	s1 =	ssub.s32 @!p0 $0x0, s1;
	[sflag:s0] =	ssyncset.done @!p0 $0x0  }
0x63: {  	[sflag:s0] =	ssyncadd.s32 @!p0 s1  }
0x64: {  	[bflag:$0x3] =	sbarrier.arrive $0xFFFF  }
0x65: {  	_ =	shalt  }

// kernel: kernel.8.cloned.1.call-start
scs
__scs_entry_jumppad:
0x0: {  	(pc) =	sbr.rel $0x88, $3  }
0x1: {  	(tag) =	ssettag $0x0;
	lr =	simm.s32 $0x1  }
0x2: {  	[smem:$0x3F9B] =	sst lr;
	_ =	strace $0xD0000000  }
0x3: {  	_ = 	snop  }
0x4: {  	_ = 	snop  }
0x5: {  	_ = 	snop  }
0x6: {  	_ = 	snop  }
0x7: {  	_ = 	snop  }
__scs_overlays_trampoline_lowered:
0x8: {  	[smem:$0x3FAA] =	sst s0  }
0x9: {  	[smem:$0x3FAB] =	sst s1  }
0xa: {  	[smem:$0x3FAC] =	sst s2  }
0xb: {  	[smem:$0x3FAD] =	sst s3  }
0xc: {  	[smem:$0x3FAE] =	sst s4  }
0xd: {  	[smem:$0x3FAF] =	sst s5  }
0xe: {  	[smem:$0x3FB0] =	sst s6  }
0xf: {  	[smem:$0x3FB1] =	sst s7  }
0x10: {  	[smem:$0x3FB2] =	sst s8  }
0x11: {  	[smem:$0x3FB3] =	sst s9;
	s0 =	simm.s32 @!p0 $0x0  }
0x12: {  	s1 =	sld [smem:$0x3F99];
	s0 =	simm.s32 @p0 $0x1  }
0x13: {  	[smem:$0x3FB4] =	sst s0;
	s0 =	simm.s32 @!p1 $0x0  }
0x14: {  	s2 =	sld [smem:$0x3F98];
	s0 =	simm.s32 @p1 $0x1  }
0x15: {  	[smem:$0x3FB5] =	sst s0;
	s0 =	simm.s32 @!p2 $0x0  }
0x16: {  	s3 =	sld [smem:$0x3FDB];
	s0 =	simm.s32 @p2 $0x1  }
0x17: {  	s4 =	simm.s32 $0x1BF5;
	[smem:$0x3FB7] =	sst s0  }
0x18: {  	s0 =	sld [smem:$0x3F9A];
	_ =	swait.ge [sflag:s4], $0x0  }
0x19: {  	s7 =	sld [smem:$0x3F9B]  }
0x1a: {  	s8 =	sadd.s32 $0xFFFFE003, lr  }
0x1b: {  	s9 =	sadd.s32 $0xFFFFFEF7, lr;
	s5 =	simm.s32 $0xFFFFFFFF;
	p2 =	slt.u32 s8, $0xFFFFF086  }
0x1c: {  	p1 =	slt.u32 s9, $0xF7A;
	s5 =	simm.s32 @!p2 $0x0  }
0x1d: {  	s5 =	simm.s32 @p1 $0x1;
	p0 =	seq.s32 s7, s2  }
0x1e: {  	s7 =	smul.u32 @!p0 $0xF7A, s2;
	p2 =	seq.s32 @!p0 s5, $0x0  }
0x1f: {  	s9 =	smul.u32 $0xF7A, s1;
	s8 =	simm.s32 @!p0 $0x1BF5;
	p2 =	por !p2, p0  }
0x20: {  	[sflag:s8] =	ssyncset.s32 @!p0 $0xFFFFF086;
	s6 =	sadd.s32 @!p0 s3, s7;
	s7 =	simm.s32 @!p0 $0x108  }
0x21: {  	s3 =	sadd.s32 s3, s9;
	s6 =	sadd.s32 @!p0 $0x88, s6;
	s7 =	simm.s32 @p2 $0x1082  }
0x22: {  	[simem:s7], [sflag:s8] =	dma.local @!p0 [hbm:s6], $0xF7A  }
0x23: {  	s9 =	sor.u32 $0xD0000000, s2;
	s6 =	simm.s32 $0x108;
	_ =	swait.ge @!p0 [sflag:s8], $0x0  }
0x24: {  	s3 =	sadd.s32 $0x88, s3;
	s6 =	simm.s32 @!p1 $0x1082;
	[sflag:s4] =	ssyncset.s32 $0xFFFFF086  }
0x25: {  	[simem:s6], [sflag:s4] =	dma.local [hbm:s3], $0xF7A  }
0x26: {  	[smem:$0x3F9B] =	sst s1;
	(tag) =	ssettag s2;
	_ =	strace s9  }
0x27: {  	s1 =	sld [smem:$0x3FAB]  }
0x28: {  	s2 =	sld [smem:$0x3FAC]  }
0x29: {  	s4 =	sld [smem:$0x3FAE]  }
0x2a: {  	p0 =	seq.s32 s5, $0x0;
	s5 =	sld [smem:$0x3FAF]  }
0x2b: {  	s6 =	sld [smem:$0x3FB0]  }
0x2c: {  	s7 =	sld [smem:$0x3FB1]  }
0x2d: {  	s3 =	simm.s32 $0x108;
	s8 =	sld [smem:$0x3FB2]  }
0x2e: {  	s3 =	simm.s32 @!p0 $0x1082;
	s9 =	sld [smem:$0x3FB3]  }
0x2f: {  	lr =	sadd.s32 s0, s3;
	s0 =	sld [smem:$0x3FAA]  }
0x30: {  	s3 =	sld [smem:$0x3FAD]  }
0x31: {  	[smem:$0x3FB6] =	sst s10  }
0x32: {  	s10 =	sld [smem:$0x3FB4];
	_ =	sdelay $0x3  }
0x33: {  	p0 =	seq.s32 s10, $0x1;
	s10 =	sld [smem:$0x3FB6];
	_ =	sdelay $0x3  }
0x34: {  	[smem:$0x3FB6] =	sst s10  }
0x35: {  	s10 =	sld [smem:$0x3FB5];
	_ =	sdelay $0x3  }
0x36: {  	p1 =	seq.s32 s10, $0x1;
	s10 =	sld [smem:$0x3FB6];
	_ =	sdelay $0x3  }
0x37: {  	[smem:$0x3FB6] =	sst s10  }
0x38: {  	s10 =	sld [smem:$0x3FB7]  }
0x39: {  	_ = 	snop;
	(pc) =	sbr.ind lr, $3  }
0x3a: {  	_ = 	snop  }
0x3b: {  	_ = 	snop  }
0x3c: {  	p2 =	seq.s32 s10, $0x1;
	s10 =	sld [smem:$0x3FB6]  }
0x3d: {  	_ =	shalt  }
0x3e: {  	_ =	shalt  }
0x3f: {  	_ =	shalt  }
0x40: {  	_ =	shalt  }
0x41: {  	_ =	shalt  }
0x42: {  	_ =	shalt  }
0x43: {  	_ =	shalt  }
0x44: {  	_ =	shalt  }
0x45: {  	_ =	shalt  }
0x46: {  	_ =	shalt  }
0x47: {  	_ =	shalt  }
0x48: {  	_ =	shalt  }
0x49: {  	_ =	shalt  }
0x4a: {  	_ =	shalt  }
0x4b: {  	_ =	shalt  }
0x4c: {  	_ =	shalt  }
0x4d: {  	_ =	shalt  }
0x4e: {  	_ =	shalt  }
0x4f: {  	_ =	shalt  }
0x50: {  	_ =	shalt  }
0x51: {  	_ =	shalt  }
0x52: {  	_ =	shalt  }
0x53: {  	_ =	shalt  }
0x54: {  	_ =	shalt  }
0x55: {  	_ =	shalt  }
0x56: {  	_ =	shalt  }
0x57: {  	_ =	shalt  }
0x58: {  	_ =	shalt  }
0x59: {  	_ =	shalt  }
0x5a: {  	_ =	shalt  }
0x5b: {  	_ =	shalt  }
0x5c: {  	_ =	shalt  }
0x5d: {  	_ =	shalt  }
0x5e: {  	_ =	shalt  }
0x5f: {  	_ =	shalt  }
0x60: {  	_ =	shalt  }
0x61: {  	_ =	shalt  }
0x62: {  	_ =	shalt  }
0x63: {  	_ =	shalt  }
0x64: {  	_ =	shalt  }
0x65: {  	_ =	shalt  }
0x66: {  	_ =	shalt  }
0x67: {  	_ =	shalt  }
0x68: {  	_ =	shalt  }
0x69: {  	_ =	shalt  }
0x6a: {  	_ =	shalt  }
0x6b: {  	_ =	shalt  }
0x6c: {  	_ =	shalt  }
0x6d: {  	_ =	shalt  }
0x6e: {  	_ =	shalt  }
0x6f: {  	_ =	shalt  }
0x70: {  	_ =	shalt  }
0x71: {  	_ =	shalt  }
0x72: {  	_ =	shalt  }
0x73: {  	_ =	shalt  }
0x74: {  	_ =	shalt  }
0x75: {  	_ =	shalt  }
0x76: {  	_ =	shalt  }
0x77: {  	_ =	shalt  }
0x78: {  	_ =	shalt  }
0x79: {  	_ =	shalt  }
0x7a: {  	_ =	shalt  }
0x7b: {  	_ =	shalt  }
0x7c: {  	_ =	shalt  }
0x7d: {  	_ =	shalt  }
0x7e: {  	_ =	shalt  }
0x7f: {  	_ =	shalt  }
0x80: {  	_ =	shalt  }
0x81: {  	_ =	shalt  }
0x82: {  	_ =	shalt  }
0x83: {  	_ =	shalt  }
0x84: {  	_ =	shalt  }
0x85: {  	_ =	shalt  }
0x86: {  	_ =	shalt  }
0x87: {  	_ =	shalt  }
.Lfunc_end0:
.L_simem_size_0:
called_computation_lowered:
.L_overlay_start_0:
0x88: {  	s2 =	sld [smem:$0x3FD9]  }
0x89: {  	s3 =	sld [smem:$0x3FFE];
	_ =	sdelay $0x1  }
0x8a: {  	s1 =	srdreg.scid  }
0x8b: {  	s0 =	sand.u32 $0x1, s1  }
0x8c: {  	s17 =	sshll.u32 s0, $0xA;
	s2 =	sadd.s32 s3, s2  }
0x8d: {  	s2 =	sadd.s32 s2, s17  }
0x8e: {  	[smem:$0x3FC2] =	sst s2  }
0x8f: {  	_ = 	snop  }
0x90: {  	s2 =	sld [smem:$0x3FD0];
	(tm) =	ssettm $0x1  }
0x91: {  	s18 =	sld [smem:$0x3FFB];
	_ =	sdelay $0x3  }
0x92: {  	_ =	strace s18  }
0x93: {  	s3 =	sld [smem:$0x3FFC];
	_ =	sdelay $0x3  }
0x94: {  	_ =	strace s3  }
0x95: {  	s3 =	sld [smem:$0x3FFD];
	_ =	sdelay $0x3  }
0x96: {  	_ =	strace s3  }
0x97: {  	_ =	strace $0x8FFFFFFF  }
0x98: {  	s19 =	sld [smem:$0x3FDB];
	_ =	sdelay $0x1  }
0x99: {  	s4 =	simm.s32 $_scs_section_size  }
0x9a: {  	s5 =	simm.s32 $_size__tile_overlayer_lowered;
	s6 =	simm.s32 $_tile_overlayer_lowered  }
0x9b: {  	s22 =	simm.s32 $0x1BFF;
	s21 =	sshll.u32 s6, $0x1;
	s3 =	sadd.s32 s4, s19  }
0x9c: {  	s7 =	simm.s32 $0x0;
	s20 =	sshll.u32 s5, $0x1;
	s5 =	sadd.s32 s21, s3  }
0x9d: {  	[timem:s7], [sflag:s22] =	dma.local [hbm:s5], s20  }
0x9e: {  	_ =	swait.ge [sflag:s22], s20  }
0x9f: {  	s4 =	ssub.s32 $0x0, s20;
	[sflag:s22] =	ssyncset.done $0x0  }
0xa0: {  	[sflag:s22] =	ssyncadd.s32 s4;
	_ =	sdelay $0x1  }
0xa1: {  	s23 =	simm.s32 $0x1B8B  }
0xa2: {  	_ =	swait.ge [sflag:s23], $0x1  }
0xa3: {  	[sflag:s23] =	ssyncset.done $0x0  }
0xa4: {  	s25 =	simm.s32 $0x1B8E;
	s24 =	sld [smem:$0x3FFE];
	[sflag:s23] =	ssyncadd.s32 $0xFFFFFFFF  }
0xa5: {  	s26 =	simm.s32 $execute0_lowered;
	[smem:$0x3FD2] =	sst s25  }
0xa6: {  	s5 =	sshll.u32 s26, $0x1;
	_ =	strace $0x80000046;
	[dreg:$0x1] =	wrdreg $0xFFFFFFFF  }
0xa7: {  	s28 =	simm.s32 $_size_execute0_lowered;
	s3 =	sadd.s32 s3, s5;
	[dreg:$0x0] =	wrdreg $0x0  }
0xa8: {  	s5 =	sshll.u32 s28, $0x1;
	[dreg:$0x2] =	wrdreg s3  }
0xa9: {  	[dreg:$0x3] =	wrdreg s5  }
0xaa: {  	[dreg:$0x4] =	wrdreg $0xC0  }
0xab: {  	_ =	task [dreg:s7], $0x5FFFF  }
0xac: {  	[dreg:$0x1] =	wrdreg $0xFFFFFFFF  }
0xad: {  	[dreg:$0x0] =	wrdreg $0x60  }
0xae: {  	[dreg:$0x2] =	wrdreg s24  }
0xaf: {  	[dreg:$0x3] =	wrdreg s2  }
0xb0: {  	[dreg:$0x4] =	wrdreg $0xB000  }
0xb1: {  	[dreg:$0x5] =	wrdreg $0x33000  }
0xb2: {  	[dreg:$0x6] =	wrdreg $0x9  }
0xb3: {  	_ =	task.clear_ibuf [dreg:s7], $0x7FFFF;
	_ =	strace $0x90000046  }
0xb4: {  	s29 =	simm.s32 $0x9;
	_ =	strace $0x80000048  }
0xb5: {  	_ =	swait.ge [sflag:s29], $0x1  }
0xb6: {  	[sflag:s29] =	ssyncadd.s32 $0xFFFFFFFF  }
0xb7: {  	_ =	strace $0x90000048  }
0xb8: {  	_ =	sfence  }
0xb9: {  	s30 =	sld [smem:$0x0];
	_ =	sdelay $0x2  }
0xba: {  	s31 =	sshll.u32 s1, $0xD;
	s1 =	sshrl.u32 s1, $0x2  }
0xbb: {  	s3 =	sand.u32 $0x4000, s31;
	s1 =	sadd.s32 s1, s30  }
0xbc: {  	s0 =	sor.u32 s3, s0;
	s1 =	sshll.u32 s1, $0x11  }
0xbd: {  	s0 =	sor.u32 s1, s0  }
0xbe: {  	s0 =	sadd.s32 $0x8F2B, s0  }
0xbf: {  	[sflag:s0] =	ssyncadd.remote.s32 $0x1  }
0xc0: {  	_ =	sfence.sel $0xFFFF  }
0xc1: {  	[dreg:$0x0] =	wrdreg $0xFFFFFFFF;
	(pc) =	sbr.abs _section_cstart, $3  }
0xc2: {  	[dreg:$0x1] =	wrdreg $0xFFFFFFFF  }
0xc3: {  	_ =	task.clear_ibuf [dreg:s7], $0x2FFFF;
	_ =	strace $0x9FFFFFFF  }
0xc4: {  	(tm) =	ssettm $0x7FFFFFFF  }
0xc5: {  	_ =	shalt  }
tec
execute0_lowered:
.L_overlay_start_1:
0x0: {  	(tag) =	ssettag $0x1  }
0x1: {  	s0 =	rddreg [dreg:$0x0]  }
0x2: {  	s1 =	rddreg [dreg:$0x1]  }
0x3: {  	s2 =	rddreg [dreg:$0x2]  }
0x4: {  	s3 =	rddreg [dreg:$0x3]  }
0x5: {  	s19 =	stileid.u32;
	s5 =	srdreg.scid  }
0x6: {  	s4 =	simm.s32 $0x0;
	s28 =	simm.s32 $0x0;
	s12 =	smul.u32 $0x2800, s19  }
0x7: {  	s7 =	sand.u32 $0x1, s5;
	[smem:$0x7FF] =	sst s4;
	s17 =	sadd.s32 $0x2400, s0  }
0x8: {  	s8 =	sshll.u32 s19, $0x1;
	s18 =	sadd.s32 $0x1B000, s0;
	s14 =	smul.u32 $0x4F00, s19  }
0x9: {  	s31 =	sshll.u32 s19, $0x6;
	s6 =	smul.u32 $0x28000, s7;
	_ =	strace $0x80000047  }
0xa: {  	[dreg:$0x5] =	wrdreg s18;
	s8 =	sor.u32 s7, s8;
	s21 =	ssub.s32 $0x2, s7  }
0xb: {  	s16 =	smul.u32 $0x2780, s7;
	s18 =	simm.s32 $0x80;
	s9 =	sshrl.u32 s12, $0x3  }
0xc: {  	s20 =	smul.u32 $0x2780, s8;
	s22 =	sshrl.u32 s21, $0x1;
	s10 =	sadd.s32 s12, s2  }
0xd: {  	s6 =	sadd.s32 s12, s6;
	s11 =	sadd.s32 s9, s0;
	s15 =	ssub.s32 s21, s22  }
0xe: {  	s16 =	sadd.s32 s16, s14;
	s12 =	sadd.s32 s12, s3;
	s21 =	simm.s32 $0x300  }
0xf: {  	s22 =	simm.s32 $0x4;
	s13 =	sshrl.u32 s6, $0x3;
	s6 =	sshrl.u32 s20, $0x3  }
0x10: {  	s11 =	sadd.s32 $0x16000, s11;
	s25 =	sadd.s32 $0x100, s16;
	s29 =	sadd.s32 $0x4F100, s16  }
0x11: {  	s15 =	smax.u32 s15, $0x1;
	s0 =	sadd.s32 s13, s0;
	s6 =	sadd.s32 s17, s6  }
0x12: {  	s13 =	sadd.s32 s1, s13;
	s26 =	sshrl.u32 s25, $0x3;
	s30 =	sshrl.u32 s29, $0x3  }
0x13: {  	s25 =	simm.s32 $0x2;
	s23 =	sadd.s32 $0x9E00, s6;
	s24 =	sadd.s32 $0x10, s6  }
0x14: {  	s9 =	sadd.s32 $0x9E10, s6;
	s14 =	sadd.s32 $0x1B200, s0;
	s16 =	sadd.s32 s26, s17  }
0x15: {  	s17 =	sadd.s32 s30, s17;
	s26 =	simm.s32 $0x3;
	[dreg:$0x6] =	wrdreg s23  }
0x16: {  	[dreg:$0x7] =	wrdreg s24;
	s23 =	sor.u32 $0x1C04, s31;
	s24 =	simm.s32 $0x1  }
.LBB2_1:
0x17: {  	[tilespmem:s4], [sflag:$0x1] =	stream.linear.gather [hbm4b:s6+s4], $0x80, $0x38;
	[tilespmem:$0x5B00] =	vst v63  }
0x18: {  	s0 =	rddreg [dreg:$0x6]  }
0x19: {  	[tilespmem:s18], [sflag:$0x1] =	stream.linear.gather [hbm4b:s0+s4], $0x80, $0x38;
	[tilespmem:$0x5B00] =	vst v63  }
0x1a: {  	s20 =	rddreg [dreg:$0x7];
	s1 =	simm.s32 $0x100  }
0x1b: {  	[tilespmem:s1], [sflag:$0x1] =	stream.linear.gather [hbm4b:s20+s4], $0x80, $0x38;
	[tilespmem:$0x5B00] =	vst v63  }
0x1c: {  	s5 =	simm.s32 $0x180  }
0x1d: {  	[tilespmem:s5], [sflag:$0x1] =	stream.linear.gather [hbm4b:s9+s4], $0x80, $0x38;
	[tilespmem:$0x5B00] =	vst v63  }
0x1e: {  	s7 =	rddreg [dreg:$0x5]  }
0x1f: {  	[tilespmem:s21], [sflag:$0x4] =	stream.linear.gather [hbm4b:s7+s4], $0x800, $0x38;
	[tilespmem:$0x5B00] =	vst v63  }
0x20: {  	_ =	swait.ge [sflag:s22], $0x800  }
0x21: {  	[sflag:s22] =	ssyncset.done $0x0  }
0x22: {  	s29 =	sshrl.u32 s10, $0x3;
	[sflag:s22] =	ssyncadd.s32 $0xFFFFF800  }
0x23: {  	[spmem:s29], [sflag:s23] =	dma.local [hbm:s11], $0x500  }
0x24: {  	_ =	swait.ge [sflag:s22], $0x500  }
0x25: {  	[sflag:s22] =	ssyncset.done $0x0  }
0x26: {  	s30 =	sshrl.u32 s12, $0x3;
	[sflag:s22] =	ssyncadd.s32 $0xFFFFFB00  }
0x27: {  	[spmem:s30], [sflag:s23] =	dma.local [hbm:s11], $0x500  }
0x28: {  	_ =	swait.ge [sflag:s22], $0x500  }
0x29: {  	[sflag:s22] =	ssyncset.done $0x0  }
0x2a: {  	p0 =	por $0x0, $0x0;
	[sflag:s22] =	ssyncadd.s32 $0xFFFFFB00  }
0x2b: {  	s0 =	smul.u32 @!p0 $0xAB, s25;
	[bflag:$0x0] =	sbarrier.arrive $0xFFFF  }
0x2c: {  	_ =	swait.ge [sflag:s24], $0x80  }
0x2d: {  	s0 =	sshrl.u32 @!p0 s0, $0x9;
	[sflag:s24] =	ssyncset.done $0x0  }
0x2e: {  	s0 =	sand.u32 @!p0 $0x7F, s0;
	[sflag:s24] =	ssyncadd.s32 $0xFFFFFF80  }
0x2f: {  	s0 =	smul.u32 @!p0 $0x3, s0;
	_ =	swait.ge [sflag:s24], $0x80  }
0x30: {  	[sflag:s24] =	ssyncset.done $0x0  }
0x31: {  	s0 =	ssub.s32 @!p0 $0x2, s0;
	[sflag:s24] =	ssyncadd.s32 $0xFFFFFF80  }
0x32: {  	[spmem:s2] =	stream.indirect.scatter.add.f32 [tilespmem:s21], [sflag:$0x2], $0x10, s4, s18, $0xb8;
	[tilespmem:$0x5B00] =	vst v63  }
0x33: {  	s8 =	simm.s32 $0x1;
	s0 =	sand.u32 @!p0 $0xFF, s0  }
0x34: {  	[spmem:s3] =	stream.indirect.scatter.add.f32 [tilespmem:s21], [sflag:$0x3], $0x10, s18, s18, $0xb8;
	[tilespmem:$0x5B00] =	vst v63  }
0x35: {  	s19 =	simm.s32 @!p0 $0x0;
	s1 =	smul.u32 $0xAB, s8;
	s0 =	sshll.u32 @!p0 s0, $0x8  }
0x36: {  	[tilespmem:s0], [sflag:$0x1] =	stream.linear.gather @!p0 [hbm4b:s16+s19], $0x80, $0x38;
	[tilespmem:$0x5B00] =	vst v63  }
0x37: {  	s20 =	sshrl.u32 s1, $0x9;
	s0 =	sor.u32 @!p0 $0x80, s0  }
0x38: {  	[tilespmem:s0], [sflag:$0x1] =	stream.linear.gather @!p0 [hbm4b:s17+s19], $0x80, $0x38;
	[tilespmem:$0x5B00] =	vst v63  }
0x39: {  	s0 =	sand.u32 $0x7F, s20;
	_ =	swait.ge [sflag:s24], $0x80  }
0x3a: {  	s0 =	smul.u32 $0x3, s0;
	[sflag:s24] =	ssyncset.done $0x0  }
0x3b: {  	[sflag:s24] =	ssyncadd.s32 $0xFFFFFF80  }
0x3c: {  	s31 =	simm.s32 $0x3;
	s0 =	ssub.s32 $0x1, s0;
	_ =	swait.ge [sflag:s24], $0x80  }
0x3d: {  	p0 =	por $0x0, $0x0;
	s0 =	sand.u32 $0xFF, s0;
	[sflag:s24] =	ssyncset.done $0x0  }
0x3e: {  	s1 =	smul.u32 @!p0 $0xAB, s31;
	s0 =	sshll.u32 s0, $0x8;
	[sflag:s24] =	ssyncadd.s32 $0xFFFFFF80  }
0x3f: {  	[spmem:s2] =	stream.indirect.scatter.add.f32 [tilespmem:s21], [sflag:$0x2], $0x10, s0, s18, $0xb8;
	[tilespmem:$0x5B00] =	vst v63  }
0x40: {  	s1 =	sshrl.u32 @!p0 s1, $0x9;
	s0 =	sor.u32 $0x80, s0  }
0x41: {  	[spmem:s3] =	stream.indirect.scatter.add.f32 [tilespmem:s21], [sflag:$0x3], $0x10, s0, s18, $0xb8;
	[tilespmem:$0x5B00] =	vst v63  }
0x42: {  	s0 =	sand.u32 @!p0 $0x7F, s1;
	_ =	swait.ge [sflag:s25], $0x800  }
0x43: {  	s1 =	smul.u32 @!p0 $0x3, s0;
	[sflag:s25] =	ssyncset.done $0x0  }
0x44: {  	s19 =	simm.s32 $0x4;
	s0 =	sadd.s32 $0x10, s17;
	[sflag:s25] =	ssyncadd.s32 $0xFFFFF800  }
0x45: {  	s20 =	ssub.s32 @!p0 $0x3, s1;
	s1 =	sadd.s32 $0x10, s16;
	_ =	swait.ge [sflag:s26], $0x800  }
.LBB2_2:
0x46: {  	s5 =	sadd.s32 $0xFFFFFFFF, s31  }
0x47: {  	s20 =	sand.u32 @!p0 $0xFF, s20;
	[sflag:s26] =	ssyncset.done $0x0;
	s31 =	smov.u32 s19  }
0x48: {  	s7 =	simm.s32 @!p0 $0x0;
	s20 =	sshll.u32 @!p0 s20, $0x8;
	[sflag:s26] =	ssyncadd.s32 $0xFFFFF800  }
0x49: {  	[tilespmem:s20], [sflag:$0x1] =	stream.linear.gather @!p0 [hbm4b:s1+s7], $0x80, $0x38;
	[tilespmem:$0x5B00] =	vst v63  }
0x4a: {  	s19 =	sadd.s32 $0x1, s19;
	s8 =	smul.u32 $0xAB, s5;
	s20 =	sor.u32 @!p0 $0x80, s20  }
0x4b: {  	[tilespmem:s20], [sflag:$0x1] =	stream.linear.gather @!p0 [hbm4b:s0+s7], $0x80, $0x38;
	[tilespmem:$0x5B00] =	vst v63  }
0x4c: {  	p1 =	sne.s32 s19, $0x50;
	s7 =	sshrl.u32 s8, $0x9;
	_ =	swait.ge [sflag:s24], $0x80  }
0x4d: {  	s7 =	sand.u32 $0x7F, s7;
	[sflag:s24] =	ssyncset.done $0x0  }
0x4e: {  	s7 =	smul.u32 $0x3, s7;
	[sflag:s24] =	ssyncadd.s32 $0xFFFFFF80  }
0x4f: {  	_ =	swait.ge [sflag:s24], $0x80  }
0x50: {  	s5 =	ssub.s32 s5, s7;
	[sflag:s24] =	ssyncset.done $0x0  }
0x51: {  	p0 =	seq.s32 s31, $0x4F;
	s5 =	sand.u32 $0xFF, s5;
	[sflag:s24] =	ssyncadd.s32 $0xFFFFFF80  }
0x52: {  	s7 =	smul.u32 @!p0 $0xAB, s31;
	s5 =	sshll.u32 s5, $0x8  }
0x53: {  	[spmem:s2] =	stream.indirect.scatter.add.f32 [tilespmem:s21], [sflag:$0x2], $0x10, s5, s18, $0xb8;
	[tilespmem:$0x5B00] =	vst v63  }
0x54: {  	s7 =	sshrl.u32 @!p0 s7, $0x9;
	s5 =	sor.u32 $0x80, s5  }
0x55: {  	[spmem:s3] =	stream.indirect.scatter.add.f32 [tilespmem:s21], [sflag:$0x3], $0x10, s5, s18, $0xb8;
	[tilespmem:$0x5B00] =	vst v63  }
.Ltmp0:
0x56: {  	_ = 	snop;
	(pc) =	sbr.rel @p1 .LBB2_2-.Ltmp0, $4  }
0x57: {  	s5 =	sand.u32 @!p0 $0x7F, s7;
	_ =	swait.ge [sflag:s25], $0x800  }
0x58: {  	s5 =	smul.u32 @!p0 $0x3, s5;
	[sflag:s25] =	ssyncset.done $0x0  }
0x59: {  	s0 =	sadd.s32 $0x10, s0;
	[sflag:s25] =	ssyncadd.s32 $0xFFFFF800  }
0x5a: {  	s1 =	sadd.s32 $0x10, s1;
	s20 =	ssub.s32 @!p0 s31, s5;
	_ =	swait.ge [sflag:s26], $0x800  }
0x5b: {  	s5 =	sadd.s32 $0xFFFFFFFF, s31  }
0x5c: {  	s7 =	sand.u32 @!p0 $0xFF, s20;
	[sflag:s26] =	ssyncset.done $0x0;
	s8 =	simm.s32 @!p0 $0x0  }
0x5d: {  	s7 =	sshll.u32 @!p0 s7, $0x8;
	[sflag:s26] =	ssyncadd.s32 $0xFFFFF800;
	s20 =	smul.u32 $0xAB, s5  }
0x5e: {  	[tilespmem:s7], [sflag:$0x1] =	stream.linear.gather @!p0 [hbm4b:s1+s8], $0x80, $0x38;
	[tilespmem:$0x5B00] =	vst v63  }
0x5f: {  	s1 =	sor.u32 @!p0 $0x80, s7;
	s31 =	sshrl.u32 s20, $0x9  }
0x60: {  	[tilespmem:s1], [sflag:$0x1] =	stream.linear.gather @!p0 [hbm4b:s0+s8], $0x80, $0x38;
	[tilespmem:$0x5B00] =	vst v63  }
0x61: {  	s0 =	sand.u32 $0x7F, s31;
	_ =	swait.ge [sflag:s24], $0x80  }
0x62: {  	s0 =	smul.u32 $0x3, s0;
	[sflag:s24] =	ssyncset.done $0x0  }
0x63: {  	[sflag:s24] =	ssyncadd.s32 $0xFFFFFF80  }
0x64: {  	s0 =	ssub.s32 s5, s0;
	_ =	swait.ge [sflag:s24], $0x80  }
0x65: {  	s0 =	sand.u32 $0xFF, s0;
	[sflag:s24] =	ssyncset.done $0x0  }
0x66: {  	s0 =	sshll.u32 s0, $0x8;
	[sflag:s24] =	ssyncadd.s32 $0xFFFFFF80  }
0x67: {  	[spmem:s2] =	stream.indirect.scatter.add.f32 [tilespmem:s21], [sflag:$0x2], $0x10, s0, s18, $0xb8;
	[tilespmem:$0x5B00] =	vst v63  }
0x68: {  	s0 =	sor.u32 $0x80, s0  }
0x69: {  	[spmem:s3] =	stream.indirect.scatter.add.f32 [tilespmem:s21], [sflag:$0x3], $0x10, s0, s18, $0xb8;
	[tilespmem:$0x5B00] =	vst v63  }
0x6a: {  	_ =	swait.ge [sflag:s25], $0x800  }
0x6b: {  	[sflag:s25] =	ssyncset.done $0x0  }
0x6c: {  	[sflag:s25] =	ssyncadd.s32 $0xFFFFF800  }
0x6d: {  	_ =	swait.ge [sflag:s26], $0x800  }
0x6e: {  	[sflag:s26] =	ssyncset.done $0x0  }
0x6f: {  	[sflag:s26] =	ssyncadd.s32 $0xFFFFF800  }
0x70: {  	_ =	swait.ge [sflag:s25], $0x800  }
0x71: {  	[sflag:s25] =	ssyncset.done $0x0  }
0x72: {  	[sflag:s25] =	ssyncadd.s32 $0xFFFFF800  }
0x73: {  	_ =	swait.ge [sflag:s26], $0x800  }
0x74: {  	[sflag:s26] =	ssyncset.done $0x0  }
0x75: {  	[sflag:s26] =	ssyncadd.s32 $0xFFFFF800  }
0x76: {  	[bflag:$0x0] =	sbarrier.arrive $0xFFFF  }
0x77: {  	[hbm:s13], [sflag:s23] =	dma.local [spmem:s29], $0x500  }
0x78: {  	s28 =	sadd.s32 $0x1, s28;
	_ =	swait.ge [sflag:s22], $0x500  }
0x79: {  	p0 =	sne.s32 s28, s15;
	[sflag:s22] =	ssyncset.done $0x0  }
.Ltmp1:
0x7a: {  	[sflag:s22] =	ssyncadd.s32 $0xFFFFFB00;
	(pc) =	sbr.rel @p0 .LBB2_1-.Ltmp1, $4  }
0x7b: {  	[hbm:s14], [sflag:s23] =	dma.local [spmem:s30], $0x500  }
0x7c: {  	_ =	swait.ge [sflag:s22], $0x500  }
0x7d: {  	[sflag:s22] =	ssyncset.done $0x0  }
0x7e: {  	[sflag:s22] =	ssyncadd.s32 $0xFFFFFB00  }
0x7f: {  	_ =	sfence.sel $0x180000  }
0x80: {  	[bflag:$0x0] =	sbarrier.arrive $0xFFFF  }
0x81: {  	_ =	strace $0x90000047  }
0x82: {  	s0 =	stileid.u32;
	[bflag:$0x2] =	sbarrier.arrive $0xFFFF  }
0x83: {  	p0 =	sne.s32 s0, $0x0;
	s0 =	rddreg [dreg:$0x4]  }
0x84: {  	s0 =	sadd.s32 @!p0 $0x100000, s0  }
0x85: {  	[sflag:s0] =	ssyncadd.tile.s32 @!p0 $0x1;
	_ =	shalt  }
.Lfunc_end2:
_tile_overlayer_lowered:
.L_overlay_start_2:
0x86: {  	(tag) =	ssettag $0x2  }
0x87: {  	s0 =	rddreg [dreg:$0x0];
	s2 =	stileid.u32  }
0x88: {  	s1 =	rddreg [dreg:$0x1];
	p0 =	sne.s32 s2, $0x0  }
0x89: {  	s3 =	rddreg [dreg:$0x2];
	[bflag:$0x3] =	sbarrier.arrive $0xFFFF;
	s2 =	simm.s32 @!p0 $0x1C04  }
0x8a: {  	[timem:s3], [sflag:s2] =	dma.local @!p0 [hbm:s0], s1  }
0x8b: {  	s0 =	simm.s32 @!p0 $0x4  }
0x8c: {  	_ =	swait.ge @!p0 [sflag:s0], s1  }
0x8d: {  	s1 =	ssub.s32 @!p0 $0x0, s1;
	[sflag:s0] =	ssyncset.done @!p0 $0x0  }
0x8e: {  	[sflag:s0] =	ssyncadd.s32 @!p0 s1  }
0x8f: {  	[bflag:$0x3] =	sbarrier.arrive $0xFFFF  }
0x90: {  	_ =	shalt  }

</sc_bundles>
